<compile_context>
chip_gen: v7x
topology: tpu7x:2x2x1
jax: 0.10.2.dev20260603
libtpu: 0.0.44.dev20260713+nightly
codegen_flags: <defaults>
</compile_context>

<pallas_src>
import jax
import jax.numpy as jnp
from jax import lax
from jax.experimental import pallas as pl
from jax.experimental.pallas import tpu as pltpu
from jax.experimental.pallas import tpu_sc as plsc

N = 10000
D = 128
E = 320000
NCLS = 40
BN_EPS = 1e-5

NC, NS = 2, 16
NW = NC * NS
C = 128
NB = 2
CH = 80
EPT = CH * C
E_PAD = EPT * NW
NROWS = 10240
ZROWS = NROWS // NS

_mesh = plsc.VectorSubcoreMesh(core_axis_name="c", subcore_axis_name="s",
                               num_cores=NC, num_subcores=NS)


def _sc_agg_body(src2_hbm, dst2_hbm, h_hbm, z_hbm, agg_out,
                 dst2_v, sidx0, sidx1, rows0, rows1, agg_sh,
                 gs0, gs1, is0, is1, ss0, ss1):
    rows = (rows0, rows1)
    sidx = (sidx0, sidx1)
    gsem = (gs0, gs1)
    isem = (is0, is1)
    ssem = (ss0, ss1)
    cid = lax.axis_index("c")
    sid = lax.axis_index("s")
    wid = sid * NC + cid
    brow = wid * CH

    pltpu.sync_copy(dst2_hbm.at[pl.ds(brow, CH)], dst2_v)
    pltpu.sync_copy(z_hbm, rows0)
    for j in range(ZROWS // C):
        pltpu.sync_copy(rows0, agg_sh.at[pl.ds(sid * ZROWS + j * C, C)])
    plsc.subcore_barrier()

    for b in range(NB):
        pltpu.sync_copy(src2_hbm.at[pl.ds(brow + b, 1)], sidx[b])
        pltpu.async_copy(h_hbm.at[sidx[b].at[0]], rows[b], gsem[b])

    def gbody(g, carry):
        for b in range(NB):
            c = g * NB + b
            pltpu.make_async_copy(h_hbm.at[sidx[b].at[0]], rows[b],
                                  gsem[b]).wait()
            pltpu.async_copy(src2_hbm.at[pl.ds(brow + c + NB, 1)], sidx[b],
                             isem[b])
            pltpu.async_copy(rows[b], agg_sh.at[dst2_v.at[c]], ssem[b],
                             add=True)
            pltpu.make_async_copy(rows[b], agg_sh.at[dst2_v.at[c]],
                                  ssem[b]).wait()
            pltpu.make_async_copy(src2_hbm.at[pl.ds(brow, 1)], sidx[b],
                                  isem[b]).wait()
            pltpu.async_copy(h_hbm.at[sidx[b].at[0]], rows[b], gsem[b])
        return carry
    lax.fori_loop(0, CH // NB - 1, gbody, 0)
    for b in range(NB):
        c = CH - NB + b
        pltpu.make_async_copy(h_hbm.at[sidx[b].at[0]], rows[b],
                              gsem[b]).wait()
        pltpu.async_copy(rows[b], agg_sh.at[dst2_v.at[c]], ssem[b],
                         add=True)
    for b in range(NB):
        c = CH - NB + b
        pltpu.make_async_copy(rows[b], agg_sh.at[dst2_v.at[c]],
                              ssem[b]).wait()
    plsc.subcore_barrier()

    pltpu.sync_copy(agg_sh.at[pl.ds(sid * ZROWS, ZROWS)],
                    agg_out.at[cid, pl.ds(sid * ZROWS, ZROWS)])


_sc_agg = pl.kernel(
    _sc_agg_body,
    out_type=jax.ShapeDtypeStruct((NC, NROWS, D), jnp.float32),
    mesh=_mesh,
    scratch_types=[
        pltpu.VMEM((CH, C), jnp.int32),
        pltpu.VMEM((1, C), jnp.int32),
        pltpu.VMEM((1, C), jnp.int32),
        pltpu.VMEM((C, D), jnp.float32),
        pltpu.VMEM((C, D), jnp.float32),
        pltpu.VMEM_SHARED((NROWS, D), jnp.float32),
        pltpu.SemaphoreType.DMA,
        pltpu.SemaphoreType.DMA,
        pltpu.SemaphoreType.DMA,
        pltpu.SemaphoreType.DMA,
        pltpu.SemaphoreType.DMA,
        pltpu.SemaphoreType.DMA,
    ])


def _sc_deg_body(dst2_hbm, ones_hbm, z_hbm, deg_out,
                 dst2_v, ones_v, z_v, deg_sh, ss0, ss1):
    ssem = (ss0, ss1)
    NQ = 2
    cid = lax.axis_index("c")
    sid = lax.axis_index("s")
    wid = sid * NC + cid
    brow = wid * CH

    pltpu.sync_copy(dst2_hbm.at[pl.ds(brow, CH)], dst2_v)
    pltpu.sync_copy(ones_hbm, ones_v)
    pltpu.sync_copy(z_hbm, z_v)
    for j in range(ZROWS // C):
        pltpu.sync_copy(z_v, deg_sh.at[pl.ds(sid * ZROWS + j * C, C)])
    plsc.subcore_barrier()

    for b in range(NQ):
        pltpu.async_copy(ones_v, deg_sh.at[dst2_v.at[b]], ssem[b], add=True)

    def ebody(g, carry):
        for b in range(NQ):
            c = g * NQ + b
            pltpu.make_async_copy(ones_v, deg_sh.at[dst2_v.at[c]],
                                  ssem[b]).wait()
            pltpu.async_copy(ones_v, deg_sh.at[dst2_v.at[c + NQ]], ssem[b],
                             add=True)
        return carry
    lax.fori_loop(0, CH // NQ - 1, ebody, 0)
    for b in range(NQ):
        pltpu.make_async_copy(ones_v, deg_sh.at[dst2_v.at[0]],
                              ssem[b]).wait()
    plsc.subcore_barrier()

    pltpu.sync_copy(deg_sh.at[pl.ds(sid * ZROWS, ZROWS)],
                    deg_out.at[cid, pl.ds(sid * ZROWS, ZROWS)])


_sc_deg = pl.kernel(
    _sc_deg_body,
    out_type=jax.ShapeDtypeStruct((NC, NROWS, D), jnp.float32),
    mesh=_mesh,
    scratch_types=[
        pltpu.VMEM((CH, C), jnp.int32),
        pltpu.VMEM((C, D), jnp.float32),
        pltpu.VMEM((C, D), jnp.float32),
        pltpu.VMEM_SHARED((NROWS, D), jnp.float32),
        pltpu.SemaphoreType.DMA,
        pltpu.SemaphoreType.DMA,
    ])

BR = 1000


def _tc_layer(aggp, degp, h, wcat, scale, shift):
    def body(agg_ref, deg_ref, h_ref, w_ref, sc_ref, sh_ref, o_ref):
        d = (deg_ref[0, :, 0:1] + deg_ref[1, :, 0:1]).astype(jnp.float32)
        mean = (agg_ref[0] + agg_ref[1]) / jnp.maximum(d, 1.0)
        xcat = jnp.concatenate([mean, h_ref[...]], axis=1)
        z = jnp.dot(xcat, w_ref[...], preferred_element_type=jnp.float32)
        o_ref[...] = jnp.maximum(z * sc_ref[...] + sh_ref[...], 0.0)

    return pl.pallas_call(
        body,
        grid=(N // BR,),
        in_specs=[
            pl.BlockSpec((NC, BR, D), lambda i: (0, i, 0)),
            pl.BlockSpec((NC, BR, D), lambda i: (0, i, 0)),
            pl.BlockSpec((BR, D), lambda i: (i, 0)),
            pl.BlockSpec((2 * D, D), lambda i: (0, 0)),
            pl.BlockSpec((1, D), lambda i: (0, 0)),
            pl.BlockSpec((1, D), lambda i: (0, 0)),
        ],
        out_specs=pl.BlockSpec((BR, D), lambda i: (i, 0)),
        out_shape=jax.ShapeDtypeStruct((N, D), jnp.float32),
    )(aggp, degp, h, wcat, scale, shift)


def _tc_layer_head(aggp, degp, h, wcat, scale, shift, wf_t, bf, wc_t, bc):
    def body(agg_ref, deg_ref, h_ref, w_ref, sc_ref, sh_ref,
             wf_ref, bf_ref, wc_ref, bc_ref, o_ref):
        d = (deg_ref[0, :, 0:1] + deg_ref[1, :, 0:1]).astype(jnp.float32)
        mean = (agg_ref[0] + agg_ref[1]) / jnp.maximum(d, 1.0)
        xcat = jnp.concatenate([mean, h_ref[...]], axis=1)
        z = jnp.dot(xcat, w_ref[...], preferred_element_type=jnp.float32)
        h3 = jnp.maximum(z * sc_ref[...] + sh_ref[...], 0.0)
        z = jnp.dot(h3, wf_ref[...], preferred_element_type=jnp.float32)
        z = jnp.maximum(z + bf_ref[...], 0.0)
        o_ref[...] = jnp.dot(z, wc_ref[...],
                             preferred_element_type=jnp.float32) + bc_ref[...]

    return pl.pallas_call(
        body,
        grid=(N // BR,),
        in_specs=[
            pl.BlockSpec((NC, BR, D), lambda i: (0, i, 0)),
            pl.BlockSpec((NC, BR, D), lambda i: (0, i, 0)),
            pl.BlockSpec((BR, D), lambda i: (i, 0)),
            pl.BlockSpec((2 * D, D), lambda i: (0, 0)),
            pl.BlockSpec((1, D), lambda i: (0, 0)),
            pl.BlockSpec((1, D), lambda i: (0, 0)),
            pl.BlockSpec((D, D), lambda i: (0, 0)),
            pl.BlockSpec((1, D), lambda i: (0, 0)),
            pl.BlockSpec((D, NCLS), lambda i: (0, 0)),
            pl.BlockSpec((1, NCLS), lambda i: (0, 0)),
        ],
        out_specs=pl.BlockSpec((BR, NCLS), lambda i: (i, 0)),
        out_shape=jax.ShapeDtypeStruct((N, NCLS), jnp.float32),
    )(aggp, degp, h, wcat, scale, shift, wf_t, bf, wc_t, bc)


def kernel(x, edge_index, W1l, b1, W1r, g1, be1, W2l, b2, W2r, g2, be2,
           W3l, b3, W3r, g3, be3, Wf, bf, Wc, bc):
    f32 = jnp.float32
    src = edge_index[0]
    dst = edge_index[1]
    pad = jnp.arange(E_PAD - E, dtype=jnp.int32)
    src_p = jnp.concatenate([src, pad % 1024]).reshape(NW * CH, C)
    dst_p = jnp.concatenate([dst, N + pad % (NROWS - N)]).reshape(NW * CH, C)
    zst = jnp.zeros((C, D), f32)
    ones_c = jnp.ones((C, D), f32)

    inv_s = (1.0 / jnp.sqrt(jnp.asarray(1.0 + BN_EPS, f32))).astype(f32)

    def mk(Wl, bl, Wr, g, be):
        wcat = jnp.concatenate([Wl.T, Wr.T], axis=0)
        scale = (g * inv_s)[None, :]
        shift = (bl * g * inv_s + be)[None, :]
        return wcat, scale, shift

    w1 = mk(W1l, b1, W1r, g1, be1)
    w2 = mk(W2l, b2, W2r, g2, be2)
    w3 = mk(W3l, b3, W3r, g3, be3)

    degp = _sc_deg(dst_p, ones_c, zst)
    aggp = _sc_agg(src_p, dst_p, x, zst)
    h = _tc_layer(aggp, degp, x, *w1)
    aggp = _sc_agg(src_p, dst_p, h, zst)
    h = _tc_layer(aggp, degp, h, *w2)
    aggp = _sc_agg(src_p, dst_p, h, zst)
    return _tc_layer_head(aggp, degp, h, *w3,
                          Wf.T, bf[None, :], Wc.T, bc[None, :])

# --- scband reference (transcript-rebuilt; emitter-appended) ---
"""Pipeline reference for scband-gnn-rag-model-7189775254178 (READ-ONLY COPY).

The authoritative reference and input builder live on the scoring server;
editing this copy changes nothing except your own understanding.
"""

import jax, jax.numpy as jnp
import numpy as np

N = 10000
E = 320000
D_IN = 128
D_H = 128
N_CLS = 40
BN_EPS = 1e-5


def setup_inputs(seed: int = 0) -> dict:
    key = jax.random.key(seed)
    ks = jax.random.split(key, 16)
    s = 0.05
    inp = {}
    inp["x"] = jax.random.normal(ks[0], (N, D_IN), dtype=jnp.float32)
    inp["edge_index"] = jax.random.randint(ks[1], (2, E), 0, N, dtype=jnp.int32)
    # SAGEConv 1: lin_l (applied to aggregated neighbors, has bias), lin_r (root, no bias)
    inp["W1l"] = jax.random.normal(ks[2], (D_H, D_IN), dtype=jnp.float32) * s
    inp["b1"] = jnp.zeros((D_H,), dtype=jnp.float32)
    inp["W1r"] = jax.random.normal(ks[3], (D_H, D_IN), dtype=jnp.float32) * s
    inp["g1"] = jnp.ones((D_H,), dtype=jnp.float32)
    inp["be1"] = jnp.zeros((D_H,), dtype=jnp.float32)
    # SAGEConv 2
    inp["W2l"] = jax.random.normal(ks[4], (D_H, D_H), dtype=jnp.float32) * s
    inp["b2"] = jnp.zeros((D_H,), dtype=jnp.float32)
    inp["W2r"] = jax.random.normal(ks[5], (D_H, D_H), dtype=jnp.float32) * s
    inp["g2"] = jnp.ones((D_H,), dtype=jnp.float32)
    inp["be2"] = jnp.zeros((D_H,), dtype=jnp.float32)
    # SAGEConv 3
    inp["W3l"] = jax.random.normal(ks[6], (D_H, D_H), dtype=jnp.float32) * s
    inp["b3"] = jnp.zeros((D_H,), dtype=jnp.float32)
    inp["W3r"] = jax.random.normal(ks[7], (D_H, D_H), dtype=jnp.float32) * s
    inp["g3"] = jnp.ones((D_H,), dtype=jnp.float32)
    inp["be3"] = jnp.zeros((D_H,), dtype=jnp.float32)
    # fusion + classifier
    inp["Wf"] = jax.random.normal(ks[8], (D_H, D_H), dtype=jnp.float32) * s
    inp["bf"] = jnp.zeros((D_H,), dtype=jnp.float32)
    inp["Wc"] = jax.random.normal(ks[9], (N_CLS, D_H), dtype=jnp.float32) * s
    inp["bc"] = jnp.zeros((N_CLS,), dtype=jnp.float32)
    return inp


def _sage(x, edge_index, Wl, bl, Wr):
    # PyG SAGEConv with mean aggregation:
    #   out = lin_l(mean_{j in N(i)} x_j) + lin_r(x_i)
    src = edge_index[0]
    dst = edge_index[1]
    msg = x[src]  # gather source node features
    agg = jax.ops.segment_sum(msg, dst, num_segments=N)  # scatter-add by dst
    deg = jax.ops.segment_sum(jnp.ones((edge_index.shape[1],), dtype=x.dtype), dst, num_segments=N)
    mean = agg / jnp.maximum(deg, 1.0)[:, None]
    return mean @ Wl.T + bl + x @ Wr.T


def _bn_eval(h, g, b):
    # BatchNorm1d in eval mode with running_mean=0, running_var=1
    return g * (h / jnp.sqrt(1.0 + BN_EPS)) + b


def reference(x, edge_index, W1l, b1, W1r, g1, be1, W2l, b2, W2r, g2, be2, W3l, b3, W3r, g3, be3, Wf, bf, Wc, bc):
    h = jax.nn.relu(_bn_eval(_sage(x, edge_index, W1l, b1, W1r), g1, be1))
    # dropout is identity in eval mode
    h = jax.nn.relu(_bn_eval(_sage(h, edge_index, W2l, b2, W2r), g2, be2))
    h = jax.nn.relu(_bn_eval(_sage(h, edge_index, W3l, b3, W3r), g3, be3))
    h = jax.nn.relu(h @ Wf.T + bf)
    return h @ Wc.T + bc

if __name__ == "__main__":
    import jax
    _d = setup_inputs()
    print(jax.jit(kernel)(*tuple(_d.values())))

</pallas_src>

<mosaic_0001>
#map = affine_map<(d0, d1) -> (0, 0)>
#map1 = affine_map<(d0, d1) -> (0, 0, 0)>
module attributes {stable_mosaic.version = 14 : i64} {
  func.func @_sc_agg_body(%arg0: i32, %arg1: i32, %arg2: memref<2560x128xi32, #tpu.memory_space<hbm>>, %arg3: memref<2560x128xi32, #tpu.memory_space<hbm>>, %arg4: memref<10000x128xf32, #tpu.memory_space<hbm>>, %arg5: memref<128x128xf32, #tpu.memory_space<hbm>>, %arg6: memref<2x10240x128xf32, #tpu.memory_space<hbm>>, %arg7: memref<80x128xi32, #tpu.memory_space<vmem>>, %arg8: memref<1x128xi32, #tpu.memory_space<vmem>>, %arg9: memref<1x128xi32, #tpu.memory_space<vmem>>, %arg10: memref<128x128xf32, #tpu.memory_space<vmem>>, %arg11: memref<128x128xf32, #tpu.memory_space<vmem>>, %arg12: memref<10240x128xf32, #tpu.memory_space<vmem_shared>>, %arg13: memref<!tpu.dma_semaphore, #tpu.memory_space<semaphore_mem>>, %arg14: memref<!tpu.dma_semaphore, #tpu.memory_space<semaphore_mem>>, %arg15: memref<!tpu.dma_semaphore, #tpu.memory_space<semaphore_mem>>, %arg16: memref<!tpu.dma_semaphore, #tpu.memory_space<semaphore_mem>>, %arg17: memref<!tpu.dma_semaphore, #tpu.memory_space<semaphore_mem>>, %arg18: memref<!tpu.dma_semaphore, #tpu.memory_space<semaphore_mem>>) attributes {dimension_semantics = [#tpu.dimension_semantics<core_parallel>, #tpu.dimension_semantics<subcore_parallel>], iteration_bounds = array<i64: 2, 16>, scalar_prefetch = 0 : i64, scratch_operands = 12 : i64, tpu.core_type = #tpu.core_type<sc_vector_subcore>, window_params = [{transform_indices = #map}, {transform_indices = #map}, {transform_indices = #map}, {transform_indices = #map}, {transform_indices = #map1}]} {
    %mul3A = arith.constant 2 : i32
    %mul3A_0 = arith.muli %arg1, %mul3A : i32
    %add3A = arith.addi %mul3A_0, %arg0 : i32
    %mul3A_1 = arith.constant 80 : i32
    %mul3A_2 = arith.muli %add3A, %mul3A_1 : i32
    "tpu.region"() ({
      %run_scoped3A = tpu.sem_alloc : memref<!tpu.dma_semaphore, #tpu.memory_space<semaphore_mem>>
      %dma_start3A_91 = arith.constant 0 : i32
      %dma_start3A_92 = tpu.memref_slice %arg3[%mul3A_2, %dma_start3A_91] : memref<2560x128xi32, #tpu.memory_space<hbm>> -> memref<80x128xi32, #tpu.memory_space<hbm>>
      %dma_start3A_93 = arith.constant 0 : i32
      %dma_start3A_94 = tpu.memref_slice %arg3[%mul3A_2, %dma_start3A_93] : memref<2560x128xi32, #tpu.memory_space<hbm>> -> memref<80x128xi32, #tpu.memory_space<hbm>>
      tpu.enqueue_dma source(%dma_start3A_94 : memref<80x128xi32, #tpu.memory_space<hbm>>) target(%arg7 : memref<80x128xi32, #tpu.memory_space<vmem>>) target_semaphore(%run_scoped3A : memref<!tpu.dma_semaphore, #tpu.memory_space<semaphore_mem>>)
      %dma_wait3A_95 = arith.constant 0 : i32
      %dma_wait3A_96 = tpu.memref_slice %arg3[%mul3A_2, %dma_wait3A_95] : memref<2560x128xi32, #tpu.memory_space<hbm>> -> memref<80x128xi32, #tpu.memory_space<hbm>>
      %dma_wait3A_97 = arith.constant 0 : i32
      %dma_wait3A_98 = tpu.memref_slice %arg3[%mul3A_2, %dma_wait3A_97] : memref<2560x128xi32, #tpu.memory_space<hbm>> -> memref<80x128xi32, #tpu.memory_space<hbm>>
      tpu.wait_dma2 semaphore(%run_scoped3A : memref<!tpu.dma_semaphore, #tpu.memory_space<semaphore_mem>>) src(%dma_wait3A_98 : memref<80x128xi32, #tpu.memory_space<hbm>>) dst(%arg7 : memref<80x128xi32, #tpu.memory_space<vmem>>)
      tpu.yield
    }) : () -> ()
    "tpu.region"() ({
      %run_scoped3A = tpu.sem_alloc : memref<!tpu.dma_semaphore, #tpu.memory_space<semaphore_mem>>
      tpu.enqueue_dma source(%arg5 : memref<128x128xf32, #tpu.memory_space<hbm>>) target(%arg10 : memref<128x128xf32, #tpu.memory_space<vmem>>) target_semaphore(%run_scoped3A : memref<!tpu.dma_semaphore, #tpu.memory_space<semaphore_mem>>)
      tpu.wait_dma2 semaphore(%run_scoped3A : memref<!tpu.dma_semaphore, #tpu.memory_space<semaphore_mem>>) src(%arg5 : memref<128x128xf32, #tpu.memory_space<hbm>>) dst(%arg10 : memref<128x128xf32, #tpu.memory_space<vmem>>)
      tpu.yield
    }) : () -> ()
    %mul3A_3 = arith.constant 640 : i32
    %mul3A_4 = arith.muli %arg1, %mul3A_3 : i32
    %add3A_5 = arith.constant 0 : i32
    %add3A_6 = arith.addi %mul3A_4, %add3A_5 : i32
    "tpu.region"() ({
      %run_scoped3A = tpu.sem_alloc : memref<!tpu.dma_semaphore, #tpu.memory_space<semaphore_mem>>
      %dma_start3A_91 = arith.constant 0 : i32
      %dma_start3A_92 = tpu.memref_slice %arg12[%add3A_6, %dma_start3A_91] : memref<10240x128xf32, #tpu.memory_space<vmem_shared>> -> memref<128x128xf32, #tpu.memory_space<vmem_shared>>
      %dma_start3A_93 = arith.constant 0 : i32
      %dma_start3A_94 = tpu.memref_slice %arg12[%add3A_6, %dma_start3A_93] : memref<10240x128xf32, #tpu.memory_space<vmem_shared>> -> memref<128x128xf32, #tpu.memory_space<vmem_shared>>
      tpu.enqueue_dma source(%arg10 : memref<128x128xf32, #tpu.memory_space<vmem>>) target(%dma_start3A_94 : memref<128x128xf32, #tpu.memory_space<vmem_shared>>) target_semaphore(%run_scoped3A : memref<!tpu.dma_semaphore, #tpu.memory_space<semaphore_mem>>)
      %dma_wait3A_95 = arith.constant 0 : i32
      %dma_wait3A_96 = tpu.memref_slice %arg12[%add3A_6, %dma_wait3A_95] : memref<10240x128xf32, #tpu.memory_space<vmem_shared>> -> memref<128x128xf32, #tpu.memory_space<vmem_shared>>
      %dma_wait3A_97 = arith.constant 0 : i32
      %dma_wait3A_98 = tpu.memref_slice %arg12[%add3A_6, %dma_wait3A_97] : memref<10240x128xf32, #tpu.memory_space<vmem_shared>> -> memref<128x128xf32, #tpu.memory_space<vmem_shared>>
      tpu.wait_dma2 semaphore(%run_scoped3A : memref<!tpu.dma_semaphore, #tpu.memory_space<semaphore_mem>>) src(%arg10 : memref<128x128xf32, #tpu.memory_space<vmem>>) dst(%dma_wait3A_98 : memref<128x128xf32, #tpu.memory_space<vmem_shared>>)
      tpu.yield
    }) : () -> ()
    %mul3A_7 = arith.constant 640 : i32
    %mul3A_8 = arith.muli %arg1, %mul3A_7 : i32
    %add3A_9 = arith.constant 128 : i32
    %add3A_10 = arith.addi %mul3A_8, %add3A_9 : i32
    "tpu.region"() ({
      %run_scoped3A = tpu.sem_alloc : memref<!tpu.dma_semaphore, #tpu.memory_space<semaphore_mem>>
      %dma_start3A_91 = arith.constant 0 : i32
      %dma_start3A_92 = tpu.memref_slice %arg12[%add3A_10, %dma_start3A_91] : memref<10240x128xf32, #tpu.memory_space<vmem_shared>> -> memref<128x128xf32, #tpu.memory_space<vmem_shared>>
      %dma_start3A_93 = arith.constant 0 : i32
      %dma_start3A_94 = tpu.memref_slice %arg12[%add3A_10, %dma_start3A_93] : memref<10240x128xf32, #tpu.memory_space<vmem_shared>> -> memref<128x128xf32, #tpu.memory_space<vmem_shared>>
      tpu.enqueue_dma source(%arg10 : memref<128x128xf32, #tpu.memory_space<vmem>>) target(%dma_start3A_94 : memref<128x128xf32, #tpu.memory_space<vmem_shared>>) target_semaphore(%run_scoped3A : memref<!tpu.dma_semaphore, #tpu.memory_space<semaphore_mem>>)
      %dma_wait3A_95 = arith.constant 0 : i32
      %dma_wait3A_96 = tpu.memref_slice %arg12[%add3A_10, %dma_wait3A_95] : memref<10240x128xf32, #tpu.memory_space<vmem_shared>> -> memref<128x128xf32, #tpu.memory_space<vmem_shared>>
      %dma_wait3A_97 = arith.constant 0 : i32
      %dma_wait3A_98 = tpu.memref_slice %arg12[%add3A_10, %dma_wait3A_97] : memref<10240x128xf32, #tpu.memory_space<vmem_shared>> -> memref<128x128xf32, #tpu.memory_space<vmem_shared>>
      tpu.wait_dma2 semaphore(%run_scoped3A : memref<!tpu.dma_semaphore, #tpu.memory_space<semaphore_mem>>) src(%arg10 : memref<128x128xf32, #tpu.memory_space<vmem>>) dst(%dma_wait3A_98 : memref<128x128xf32, #tpu.memory_space<vmem_shared>>)
      tpu.yield
    }) : () -> ()
    %mul3A_11 = arith.constant 640 : i32
    %mul3A_12 = arith.muli %arg1, %mul3A_11 : i32
    %add3A_13 = arith.constant 256 : i32
    %add3A_14 = arith.addi %mul3A_12, %add3A_13 : i32
    "tpu.region"() ({
      %run_scoped3A = tpu.sem_alloc : memref<!tpu.dma_semaphore, #tpu.memory_space<semaphore_mem>>
      %dma_start3A_91 = arith.constant 0 : i32
      %dma_start3A_92 = tpu.memref_slice %arg12[%add3A_14, %dma_start3A_91] : memref<10240x128xf32, #tpu.memory_space<vmem_shared>> -> memref<128x128xf32, #tpu.memory_space<vmem_shared>>
      %dma_start3A_93 = arith.constant 0 : i32
      %dma_start3A_94 = tpu.memref_slice %arg12[%add3A_14, %dma_start3A_93] : memref<10240x128xf32, #tpu.memory_space<vmem_shared>> -> memref<128x128xf32, #tpu.memory_space<vmem_shared>>
      tpu.enqueue_dma source(%arg10 : memref<128x128xf32, #tpu.memory_space<vmem>>) target(%dma_start3A_94 : memref<128x128xf32, #tpu.memory_space<vmem_shared>>) target_semaphore(%run_scoped3A : memref<!tpu.dma_semaphore, #tpu.memory_space<semaphore_mem>>)
      %dma_wait3A_95 = arith.constant 0 : i32
      %dma_wait3A_96 = tpu.memref_slice %arg12[%add3A_14, %dma_wait3A_95] : memref<10240x128xf32, #tpu.memory_space<vmem_shared>> -> memref<128x128xf32, #tpu.memory_space<vmem_shared>>
      %dma_wait3A_97 = arith.constant 0 : i32
      %dma_wait3A_98 = tpu.memref_slice %arg12[%add3A_14, %dma_wait3A_97] : memref<10240x128xf32, #tpu.memory_space<vmem_shared>> -> memref<128x128xf32, #tpu.memory_space<vmem_shared>>
      tpu.wait_dma2 semaphore(%run_scoped3A : memref<!tpu.dma_semaphore, #tpu.memory_space<semaphore_mem>>) src(%arg10 : memref<128x128xf32, #tpu.memory_space<vmem>>) dst(%dma_wait3A_98 : memref<128x128xf32, #tpu.memory_space<vmem_shared>>)
      tpu.yield
    }) : () -> ()
    %mul3A_15 = arith.constant 640 : i32
    %mul3A_16 = arith.muli %arg1, %mul3A_15 : i32
    %add3A_17 = arith.constant 384 : i32
    %add3A_18 = arith.addi %mul3A_16, %add3A_17 : i32
    "tpu.region"() ({
      %run_scoped3A = tpu.sem_alloc : memref<!tpu.dma_semaphore, #tpu.memory_space<semaphore_mem>>
      %dma_start3A_91 = arith.constant 0 : i32
      %dma_start3A_92 = tpu.memref_slice %arg12[%add3A_18, %dma_start3A_91] : memref<10240x128xf32, #tpu.memory_space<vmem_shared>> -> memref<128x128xf32, #tpu.memory_space<vmem_shared>>
      %dma_start3A_93 = arith.constant 0 : i32
      %dma_start3A_94 = tpu.memref_slice %arg12[%add3A_18, %dma_start3A_93] : memref<10240x128xf32, #tpu.memory_space<vmem_shared>> -> memref<128x128xf32, #tpu.memory_space<vmem_shared>>
      tpu.enqueue_dma source(%arg10 : memref<128x128xf32, #tpu.memory_space<vmem>>) target(%dma_start3A_94 : memref<128x128xf32, #tpu.memory_space<vmem_shared>>) target_semaphore(%run_scoped3A : memref<!tpu.dma_semaphore, #tpu.memory_space<semaphore_mem>>)
      %dma_wait3A_95 = arith.constant 0 : i32
      %dma_wait3A_96 = tpu.memref_slice %arg12[%add3A_18, %dma_wait3A_95] : memref<10240x128xf32, #tpu.memory_space<vmem_shared>> -> memref<128x128xf32, #tpu.memory_space<vmem_shared>>
      %dma_wait3A_97 = arith.constant 0 : i32
      %dma_wait3A_98 = tpu.memref_slice %arg12[%add3A_18, %dma_wait3A_97] : memref<10240x128xf32, #tpu.memory_space<vmem_shared>> -> memref<128x128xf32, #tpu.memory_space<vmem_shared>>
      tpu.wait_dma2 semaphore(%run_scoped3A : memref<!tpu.dma_semaphore, #tpu.memory_space<semaphore_mem>>) src(%arg10 : memref<128x128xf32, #tpu.memory_space<vmem>>) dst(%dma_wait3A_98 : memref<128x128xf32, #tpu.memory_space<vmem_shared>>)
      tpu.yield
    }) : () -> ()
    %mul3A_19 = arith.constant 640 : i32
    %mul3A_20 = arith.muli %arg1, %mul3A_19 : i32
    %add3A_21 = arith.constant 512 : i32
    %add3A_22 = arith.addi %mul3A_20, %add3A_21 : i32
    "tpu.region"() ({
      %run_scoped3A = tpu.sem_alloc : memref<!tpu.dma_semaphore, #tpu.memory_space<semaphore_mem>>
      %dma_start3A_91 = arith.constant 0 : i32
      %dma_start3A_92 = tpu.memref_slice %arg12[%add3A_22, %dma_start3A_91] : memref<10240x128xf32, #tpu.memory_space<vmem_shared>> -> memref<128x128xf32, #tpu.memory_space<vmem_shared>>
      %dma_start3A_93 = arith.constant 0 : i32
      %dma_start3A_94 = tpu.memref_slice %arg12[%add3A_22, %dma_start3A_93] : memref<10240x128xf32, #tpu.memory_space<vmem_shared>> -> memref<128x128xf32, #tpu.memory_space<vmem_shared>>
      tpu.enqueue_dma source(%arg10 : memref<128x128xf32, #tpu.memory_space<vmem>>) target(%dma_start3A_94 : memref<128x128xf32, #tpu.memory_space<vmem_shared>>) target_semaphore(%run_scoped3A : memref<!tpu.dma_semaphore, #tpu.memory_space<semaphore_mem>>)
      %dma_wait3A_95 = arith.constant 0 : i32
      %dma_wait3A_96 = tpu.memref_slice %arg12[%add3A_22, %dma_wait3A_95] : memref<10240x128xf32, #tpu.memory_space<vmem_shared>> -> memref<128x128xf32, #tpu.memory_space<vmem_shared>>
      %dma_wait3A_97 = arith.constant 0 : i32
      %dma_wait3A_98 = tpu.memref_slice %arg12[%add3A_22, %dma_wait3A_97] : memref<10240x128xf32, #tpu.memory_space<vmem_shared>> -> memref<128x128xf32, #tpu.memory_space<vmem_shared>>
      tpu.wait_dma2 semaphore(%run_scoped3A : memref<!tpu.dma_semaphore, #tpu.memory_space<semaphore_mem>>) src(%arg10 : memref<128x128xf32, #tpu.memory_space<vmem>>) dst(%dma_wait3A_98 : memref<128x128xf32, #tpu.memory_space<vmem_shared>>)
      tpu.yield
    }) : () -> ()
    %barrier3A = arith.constant 0 : index
    tpu.barrier barrier_id(%barrier3A)
    %add3A_23 = arith.constant 0 : i32
    %add3A_24 = arith.addi %mul3A_2, %add3A_23 : i32
    "tpu.region"() ({
      %run_scoped3A = tpu.sem_alloc : memref<!tpu.dma_semaphore, #tpu.memory_space<semaphore_mem>>
      %dma_start3A_91 = arith.constant 0 : i32
      %dma_start3A_92 = tpu.memref_slice %arg2[%add3A_24, %dma_start3A_91] : memref<2560x128xi32, #tpu.memory_space<hbm>> -> memref<1x128xi32, #tpu.memory_space<hbm>>
      %dma_start3A_93 = arith.constant 0 : i32
      %dma_start3A_94 = tpu.memref_slice %arg2[%add3A_24, %dma_start3A_93] : memref<2560x128xi32, #tpu.memory_space<hbm>> -> memref<1x128xi32, #tpu.memory_space<hbm>>
      tpu.enqueue_dma source(%dma_start3A_94 : memref<1x128xi32, #tpu.memory_space<hbm>>) target(%arg8 : memref<1x128xi32, #tpu.memory_space<vmem>>) target_semaphore(%run_scoped3A : memref<!tpu.dma_semaphore, #tpu.memory_space<semaphore_mem>>)
      %dma_wait3A_95 = arith.constant 0 : i32
      %dma_wait3A_96 = tpu.memref_slice %arg2[%add3A_24, %dma_wait3A_95] : memref<2560x128xi32, #tpu.memory_space<hbm>> -> memref<1x128xi32, #tpu.memory_space<hbm>>
      %dma_wait3A_97 = arith.constant 0 : i32
      %dma_wait3A_98 = tpu.memref_slice %arg2[%add3A_24, %dma_wait3A_97] : memref<2560x128xi32, #tpu.memory_space<hbm>> -> memref<1x128xi32, #tpu.memory_space<hbm>>
      tpu.wait_dma2 semaphore(%run_scoped3A : memref<!tpu.dma_semaphore, #tpu.memory_space<semaphore_mem>>) src(%dma_wait3A_98 : memref<1x128xi32, #tpu.memory_space<hbm>>) dst(%arg8 : memref<1x128xi32, #tpu.memory_space<vmem>>)
      tpu.yield
    }) : () -> ()
    %dma_start3A = arith.constant 0 : i32
    %dma_start3A_25 = arith.constant 0 : i32
    %dma_start3A_26 = tpu.memref_slice %arg8[%dma_start3A, %dma_start3A_25] : memref<1x128xi32, #tpu.memory_space<vmem>> -> memref<1x128xi32, #tpu.memory_space<vmem>>
    %dma_start3A_27 = tpu.memref_squeeze %dma_start3A_26 : memref<1x128xi32, #tpu.memory_space<vmem>> -> memref<128xi32, #tpu.memory_space<vmem>>
    %dma_start3A_28 = arith.constant 0 : i32
    %dma_start3A_29 = arith.constant 0 : i32
    %dma_start3A_30 = tpu.memref_slice %arg4[%dma_start3A_28, %dma_start3A_29] : memref<10000x128xf32, #tpu.memory_space<hbm>> -> memref<10000x128xf32, #tpu.memory_space<hbm>>
    tpu.enqueue_indirect_dma source(%dma_start3A_30 : memref<10000x128xf32, #tpu.memory_space<hbm>>) target(%arg10 : memref<128x128xf32, #tpu.memory_space<vmem>>) offsets(%dma_start3A_27 : memref<128xi32, #tpu.memory_space<vmem>>) semaphore(%arg13 : memref<!tpu.dma_semaphore, #tpu.memory_space<semaphore_mem>>)
    %add3A_31 = arith.constant 1 : i32
    %add3A_32 = arith.addi %mul3A_2, %add3A_31 : i32
    "tpu.region"() ({
      %run_scoped3A = tpu.sem_alloc : memref<!tpu.dma_semaphore, #tpu.memory_space<semaphore_mem>>
      %dma_start3A_91 = arith.constant 0 : i32
      %dma_start3A_92 = tpu.memref_slice %arg2[%add3A_32, %dma_start3A_91] : memref<2560x128xi32, #tpu.memory_space<hbm>> -> memref<1x128xi32, #tpu.memory_space<hbm>>
      %dma_start3A_93 = arith.constant 0 : i32
      %dma_start3A_94 = tpu.memref_slice %arg2[%add3A_32, %dma_start3A_93] : memref<2560x128xi32, #tpu.memory_space<hbm>> -> memref<1x128xi32, #tpu.memory_space<hbm>>
      tpu.enqueue_dma source(%dma_start3A_94 : memref<1x128xi32, #tpu.memory_space<hbm>>) target(%arg9 : memref<1x128xi32, #tpu.memory_space<vmem>>) target_semaphore(%run_scoped3A : memref<!tpu.dma_semaphore, #tpu.memory_space<semaphore_mem>>)
      %dma_wait3A_95 = arith.constant 0 : i32
      %dma_wait3A_96 = tpu.memref_slice %arg2[%add3A_32, %dma_wait3A_95] : memref<2560x128xi32, #tpu.memory_space<hbm>> -> memref<1x128xi32, #tpu.memory_space<hbm>>
      %dma_wait3A_97 = arith.constant 0 : i32
      %dma_wait3A_98 = tpu.memref_slice %arg2[%add3A_32, %dma_wait3A_97] : memref<2560x128xi32, #tpu.memory_space<hbm>> -> memref<1x128xi32, #tpu.memory_space<hbm>>
      tpu.wait_dma2 semaphore(%run_scoped3A : memref<!tpu.dma_semaphore, #tpu.memory_space<semaphore_mem>>) src(%dma_wait3A_98 : memref<1x128xi32, #tpu.memory_space<hbm>>) dst(%arg9 : memref<1x128xi32, #tpu.memory_space<vmem>>)
      tpu.yield
    }) : () -> ()
    %dma_start3A_33 = arith.constant 0 : i32
    %dma_start3A_34 = arith.constant 0 : i32
    %dma_start3A_35 = tpu.memref_slice %arg9[%dma_start3A_33, %dma_start3A_34] : memref<1x128xi32, #tpu.memory_space<vmem>> -> memref<1x128xi32, #tpu.memory_space<vmem>>
    %dma_start3A_36 = tpu.memref_squeeze %dma_start3A_35 : memref<1x128xi32, #tpu.memory_space<vmem>> -> memref<128xi32, #tpu.memory_space<vmem>>
    %dma_start3A_37 = arith.constant 0 : i32
    %dma_start3A_38 = arith.constant 0 : i32
    %dma_start3A_39 = tpu.memref_slice %arg4[%dma_start3A_37, %dma_start3A_38] : memref<10000x128xf32, #tpu.memory_space<hbm>> -> memref<10000x128xf32, #tpu.memory_space<hbm>>
    tpu.enqueue_indirect_dma source(%dma_start3A_39 : memref<10000x128xf32, #tpu.memory_space<hbm>>) target(%arg11 : memref<128x128xf32, #tpu.memory_space<vmem>>) offsets(%dma_start3A_36 : memref<128xi32, #tpu.memory_space<vmem>>) semaphore(%arg14 : memref<!tpu.dma_semaphore, #tpu.memory_space<semaphore_mem>>)
    %scan3A = arith.constant 0 : i32
    %scan3A_40 = arith.constant 0 : i32
    %scan3A_41 = arith.constant 39 : i32
    %scan3A_42 = arith.addi %scan3A_40, %scan3A_41 : i32
    %scan3A_43 = arith.constant 1 : i32
    scf.for %scan3A_91 = %scan3A_40 to %scan3A_42 step %scan3A_43  : i32 {
      %mul3A_92 = arith.constant 2 : i32
      %mul3A_93 = arith.muli %scan3A_91, %mul3A_92 : i32
      %add3A_94 = arith.constant 0 : i32
      %add3A_95 = arith.addi %mul3A_93, %add3A_94 : i32
      %dma_wait3A_96 = arith.constant 0 : i32
      %dma_wait3A_97 = arith.constant 0 : i32
      %dma_wait3A_98 = tpu.memref_slice %arg8[%dma_wait3A_96, %dma_wait3A_97] : memref<1x128xi32, #tpu.memory_space<vmem>> -> memref<1x128xi32, #tpu.memory_space<vmem>>
      %dma_wait3A_99 = tpu.memref_squeeze %dma_wait3A_98 : memref<1x128xi32, #tpu.memory_space<vmem>> -> memref<128xi32, #tpu.memory_space<vmem>>
      %dma_wait3A_100 = arith.constant 0 : i32
      %dma_wait3A_101 = arith.constant 0 : i32
      %dma_wait3A_102 = tpu.memref_slice %arg4[%dma_wait3A_100, %dma_wait3A_101] : memref<10000x128xf32, #tpu.memory_space<hbm>> -> memref<10000x128xf32, #tpu.memory_space<hbm>>
      tpu.wait_indirect_dma semaphore(%arg13 : memref<!tpu.dma_semaphore, #tpu.memory_space<semaphore_mem>>) src(%dma_wait3A_102 : memref<10000x128xf32, #tpu.memory_space<hbm>>) dst(%arg10 : memref<128x128xf32, #tpu.memory_space<vmem>>)
      %add3A_103 = arith.addi %mul3A_2, %add3A_95 : i32
      %add3A_104 = arith.constant 2 : i32
      %add3A_105 = arith.addi %add3A_103, %add3A_104 : i32
      %dma_start3A_106 = arith.constant 0 : i32
      %dma_start3A_107 = tpu.memref_slice %arg2[%add3A_105, %dma_start3A_106] : memref<2560x128xi32, #tpu.memory_space<hbm>> -> memref<1x128xi32, #tpu.memory_space<hbm>>
      %dma_start3A_108 = arith.constant 0 : i32
      %dma_start3A_109 = tpu.memref_slice %arg2[%add3A_105, %dma_start3A_108] : memref<2560x128xi32, #tpu.memory_space<hbm>> -> memref<1x128xi32, #tpu.memory_space<hbm>>
      tpu.enqueue_dma source(%dma_start3A_109 : memref<1x128xi32, #tpu.memory_space<hbm>>) target(%arg8 : memref<1x128xi32, #tpu.memory_space<vmem>>) target_semaphore(%arg15 : memref<!tpu.dma_semaphore, #tpu.memory_space<semaphore_mem>>)
      %dma_start3A_110 = arith.constant 0 : i32
      %dma_start3A_111 = tpu.memref_slice %arg7[%add3A_95, %dma_start3A_110] : memref<80x128xi32, #tpu.memory_space<vmem>> -> memref<1x128xi32, #tpu.memory_space<vmem>>
      %dma_start3A_112 = tpu.memref_squeeze %dma_start3A_111 : memref<1x128xi32, #tpu.memory_space<vmem>> -> memref<128xi32, #tpu.memory_space<vmem>>
      %dma_start3A_113 = arith.constant 0 : i32
      %dma_start3A_114 = arith.constant 0 : i32
      %dma_start3A_115 = tpu.memref_slice %arg12[%dma_start3A_113, %dma_start3A_114] : memref<10240x128xf32, #tpu.memory_space<vmem_shared>> -> memref<10240x128xf32, #tpu.memory_space<vmem_shared>>
      tpu.enqueue_indirect_dma source(%arg10 : memref<128x128xf32, #tpu.memory_space<vmem>>) target(%dma_start3A_115 : memref<10240x128xf32, #tpu.memory_space<vmem_shared>>) offsets(%dma_start3A_112 : memref<128xi32, #tpu.memory_space<vmem>>) semaphore(%arg17 : memref<!tpu.dma_semaphore, #tpu.memory_space<semaphore_mem>>) {add = true}
      %dma_wait3A_116 = arith.constant 0 : i32
      %dma_wait3A_117 = tpu.memref_slice %arg7[%add3A_95, %dma_wait3A_116] : memref<80x128xi32, #tpu.memory_space<vmem>> -> memref<1x128xi32, #tpu.memory_space<vmem>>
      %dma_wait3A_118 = tpu.memref_squeeze %dma_wait3A_117 : memref<1x128xi32, #tpu.memory_space<vmem>> -> memref<128xi32, #tpu.memory_space<vmem>>
      %dma_wait3A_119 = arith.constant 0 : i32
      %dma_wait3A_120 = arith.constant 0 : i32
      %dma_wait3A_121 = tpu.memref_slice %arg12[%dma_wait3A_119, %dma_wait3A_120] : memref<10240x128xf32, #tpu.memory_space<vmem_shared>> -> memref<10240x128xf32, #tpu.memory_space<vmem_shared>>
      tpu.wait_indirect_dma semaphore(%arg17 : memref<!tpu.dma_semaphore, #tpu.memory_space<semaphore_mem>>) src(%arg10 : memref<128x128xf32, #tpu.memory_space<vmem>>) dst(%dma_wait3A_121 : memref<10240x128xf32, #tpu.memory_space<vmem_shared>>)
      %dma_wait3A_122 = arith.constant 0 : i32
      %dma_wait3A_123 = tpu.memref_slice %arg2[%mul3A_2, %dma_wait3A_122] : memref<2560x128xi32, #tpu.memory_space<hbm>> -> memref<1x128xi32, #tpu.memory_space<hbm>>
      %dma_wait3A_124 = arith.constant 0 : i32
      %dma_wait3A_125 = tpu.memref_slice %arg2[%mul3A_2, %dma_wait3A_124] : memref<2560x128xi32, #tpu.memory_space<hbm>> -> memref<1x128xi32, #tpu.memory_space<hbm>>
      tpu.wait_dma2 semaphore(%arg15 : memref<!tpu.dma_semaphore, #tpu.memory_space<semaphore_mem>>) src(%dma_wait3A_125 : memref<1x128xi32, #tpu.memory_space<hbm>>) dst(%arg8 : memref<1x128xi32, #tpu.memory_space<vmem>>)
      %dma_start3A_126 = arith.constant 0 : i32
      %dma_start3A_127 = arith.constant 0 : i32
      %dma_start3A_128 = tpu.memref_slice %arg8[%dma_start3A_126, %dma_start3A_127] : memref<1x128xi32, #tpu.memory_space<vmem>> -> memref<1x128xi32, #tpu.memory_space<vmem>>
      %dma_start3A_129 = tpu.memref_squeeze %dma_start3A_128 : memref<1x128xi32, #tpu.memory_space<vmem>> -> memref<128xi32, #tpu.memory_space<vmem>>
      %dma_start3A_130 = arith.constant 0 : i32
      %dma_start3A_131 = arith.constant 0 : i32
      %dma_start3A_132 = tpu.memref_slice %arg4[%dma_start3A_130, %dma_start3A_131] : memref<10000x128xf32, #tpu.memory_space<hbm>> -> memref<10000x128xf32, #tpu.memory_space<hbm>>
      tpu.enqueue_indirect_dma source(%dma_start3A_132 : memref<10000x128xf32, #tpu.memory_space<hbm>>) target(%arg10 : memref<128x128xf32, #tpu.memory_space<vmem>>) offsets(%dma_start3A_129 : memref<128xi32, #tpu.memory_space<vmem>>) semaphore(%arg13 : memref<!tpu.dma_semaphore, #tpu.memory_space<semaphore_mem>>)
      %mul3A_133 = arith.constant 2 : i32
      %mul3A_134 = arith.muli %scan3A_91, %mul3A_133 : i32
      %add3A_135 = arith.constant 1 : i32
      %add3A_136 = arith.addi %mul3A_134, %add3A_135 : i32
      %dma_wait3A_137 = arith.constant 0 : i32
      %dma_wait3A_138 = arith.constant 0 : i32
      %dma_wait3A_139 = tpu.memref_slice %arg9[%dma_wait3A_137, %dma_wait3A_138] : memref<1x128xi32, #tpu.memory_space<vmem>> -> memref<1x128xi32, #tpu.memory_space<vmem>>
      %dma_wait3A_140 = tpu.memref_squeeze %dma_wait3A_139 : memref<1x128xi32, #tpu.memory_space<vmem>> -> memref<128xi32, #tpu.memory_space<vmem>>
      %dma_wait3A_141 = arith.constant 0 : i32
      %dma_wait3A_142 = arith.constant 0 : i32
      %dma_wait3A_143 = tpu.memref_slice %arg4[%dma_wait3A_141, %dma_wait3A_142] : memref<10000x128xf32, #tpu.memory_space<hbm>> -> memref<10000x128xf32, #tpu.memory_space<hbm>>
      tpu.wait_indirect_dma semaphore(%arg14 : memref<!tpu.dma_semaphore, #tpu.memory_space<semaphore_mem>>) src(%dma_wait3A_143 : memref<10000x128xf32, #tpu.memory_space<hbm>>) dst(%arg11 : memref<128x128xf32, #tpu.memory_space<vmem>>)
      %add3A_144 = arith.addi %mul3A_2, %add3A_136 : i32
      %add3A_145 = arith.constant 2 : i32
      %add3A_146 = arith.addi %add3A_144, %add3A_145 : i32
      %dma_start3A_147 = arith.constant 0 : i32
      %dma_start3A_148 = tpu.memref_slice %arg2[%add3A_146, %dma_start3A_147] : memref<2560x128xi32, #tpu.memory_space<hbm>> -> memref<1x128xi32, #tpu.memory_space<hbm>>
      %dma_start3A_149 = arith.constant 0 : i32
      %dma_start3A_150 = tpu.memref_slice %arg2[%add3A_146, %dma_start3A_149] : memref<2560x128xi32, #tpu.memory_space<hbm>> -> memref<1x128xi32, #tpu.memory_space<hbm>>
      tpu.enqueue_dma source(%dma_start3A_150 : memref<1x128xi32, #tpu.memory_space<hbm>>) target(%arg9 : memref<1x128xi32, #tpu.memory_space<vmem>>) target_semaphore(%arg16 : memref<!tpu.dma_semaphore, #tpu.memory_space<semaphore_mem>>)
      %dma_start3A_151 = arith.constant 0 : i32
      %dma_start3A_152 = tpu.memref_slice %arg7[%add3A_136, %dma_start3A_151] : memref<80x128xi32, #tpu.memory_space<vmem>> -> memref<1x128xi32, #tpu.memory_space<vmem>>
      %dma_start3A_153 = tpu.memref_squeeze %dma_start3A_152 : memref<1x128xi32, #tpu.memory_space<vmem>> -> memref<128xi32, #tpu.memory_space<vmem>>
      %dma_start3A_154 = arith.constant 0 : i32
      %dma_start3A_155 = arith.constant 0 : i32
      %dma_start3A_156 = tpu.memref_slice %arg12[%dma_start3A_154, %dma_start3A_155] : memref<10240x128xf32, #tpu.memory_space<vmem_shared>> -> memref<10240x128xf32, #tpu.memory_space<vmem_shared>>
      tpu.enqueue_indirect_dma source(%arg11 : memref<128x128xf32, #tpu.memory_space<vmem>>) target(%dma_start3A_156 : memref<10240x128xf32, #tpu.memory_space<vmem_shared>>) offsets(%dma_start3A_153 : memref<128xi32, #tpu.memory_space<vmem>>) semaphore(%arg18 : memref<!tpu.dma_semaphore, #tpu.memory_space<semaphore_mem>>) {add = true}
      %dma_wait3A_157 = arith.constant 0 : i32
      %dma_wait3A_158 = tpu.memref_slice %arg7[%add3A_136, %dma_wait3A_157] : memref<80x128xi32, #tpu.memory_space<vmem>> -> memref<1x128xi32, #tpu.memory_space<vmem>>
      %dma_wait3A_159 = tpu.memref_squeeze %dma_wait3A_158 : memref<1x128xi32, #tpu.memory_space<vmem>> -> memref<128xi32, #tpu.memory_space<vmem>>
      %dma_wait3A_160 = arith.constant 0 : i32
      %dma_wait3A_161 = arith.constant 0 : i32
      %dma_wait3A_162 = tpu.memref_slice %arg12[%dma_wait3A_160, %dma_wait3A_161] : memref<10240x128xf32, #tpu.memory_space<vmem_shared>> -> memref<10240x128xf32, #tpu.memory_space<vmem_shared>>
      tpu.wait_indirect_dma semaphore(%arg18 : memref<!tpu.dma_semaphore, #tpu.memory_space<semaphore_mem>>) src(%arg11 : memref<128x128xf32, #tpu.memory_space<vmem>>) dst(%dma_wait3A_162 : memref<10240x128xf32, #tpu.memory_space<vmem_shared>>)
      %dma_wait3A_163 = arith.constant 0 : i32
      %dma_wait3A_164 = tpu.memref_slice %arg2[%mul3A_2, %dma_wait3A_163] : memref<2560x128xi32, #tpu.memory_space<hbm>> -> memref<1x128xi32, #tpu.memory_space<hbm>>
      %dma_wait3A_165 = arith.constant 0 : i32
      %dma_wait3A_166 = tpu.memref_slice %arg2[%mul3A_2, %dma_wait3A_165] : memref<2560x128xi32, #tpu.memory_space<hbm>> -> memref<1x128xi32, #tpu.memory_space<hbm>>
      tpu.wait_dma2 semaphore(%arg16 : memref<!tpu.dma_semaphore, #tpu.memory_space<semaphore_mem>>) src(%dma_wait3A_166 : memref<1x128xi32, #tpu.memory_space<hbm>>) dst(%arg9 : memref<1x128xi32, #tpu.memory_space<vmem>>)
      %dma_start3A_167 = arith.constant 0 : i32
      %dma_start3A_168 = arith.constant 0 : i32
      %dma_start3A_169 = tpu.memref_slice %arg9[%dma_start3A_167, %dma_start3A_168] : memref<1x128xi32, #tpu.memory_space<vmem>> -> memref<1x128xi32, #tpu.memory_space<vmem>>
      %dma_start3A_170 = tpu.memref_squeeze %dma_start3A_169 : memref<1x128xi32, #tpu.memory_space<vmem>> -> memref<128xi32, #tpu.memory_space<vmem>>
      %dma_start3A_171 = arith.constant 0 : i32
      %dma_start3A_172 = arith.constant 0 : i32
      %dma_start3A_173 = tpu.memref_slice %arg4[%dma_start3A_171, %dma_start3A_172] : memref<10000x128xf32, #tpu.memory_space<hbm>> -> memref<10000x128xf32, #tpu.memory_space<hbm>>
      tpu.enqueue_indirect_dma source(%dma_start3A_173 : memref<10000x128xf32, #tpu.memory_space<hbm>>) target(%arg11 : memref<128x128xf32, #tpu.memory_space<vmem>>) offsets(%dma_start3A_170 : memref<128xi32, #tpu.memory_space<vmem>>) semaphore(%arg14 : memref<!tpu.dma_semaphore, #tpu.memory_space<semaphore_mem>>)
    }
    %scan3A_44 = arith.constant 39 : i32
    %dma_wait3A = arith.constant 0 : i32
    %dma_wait3A_45 = arith.constant 0 : i32
    %dma_wait3A_46 = tpu.memref_slice %arg8[%dma_wait3A, %dma_wait3A_45] : memref<1x128xi32, #tpu.memory_space<vmem>> -> memref<1x128xi32, #tpu.memory_space<vmem>>
    %dma_wait3A_47 = tpu.memref_squeeze %dma_wait3A_46 : memref<1x128xi32, #tpu.memory_space<vmem>> -> memref<128xi32, #tpu.memory_space<vmem>>
    %dma_wait3A_48 = arith.constant 0 : i32
    %dma_wait3A_49 = arith.constant 0 : i32
    %dma_wait3A_50 = tpu.memref_slice %arg4[%dma_wait3A_48, %dma_wait3A_49] : memref<10000x128xf32, #tpu.memory_space<hbm>> -> memref<10000x128xf32, #tpu.memory_space<hbm>>
    tpu.wait_indirect_dma semaphore(%arg13 : memref<!tpu.dma_semaphore, #tpu.memory_space<semaphore_mem>>) src(%dma_wait3A_50 : memref<10000x128xf32, #tpu.memory_space<hbm>>) dst(%arg10 : memref<128x128xf32, #tpu.memory_space<vmem>>)
    %dma_start3A_51 = arith.constant 78 : i32
    %dma_start3A_52 = arith.constant 0 : i32
    %dma_start3A_53 = tpu.memref_slice %arg7[%dma_start3A_51, %dma_start3A_52] : memref<80x128xi32, #tpu.memory_space<vmem>> -> memref<1x128xi32, #tpu.memory_space<vmem>>
    %dma_start3A_54 = tpu.memref_squeeze %dma_start3A_53 : memref<1x128xi32, #tpu.memory_space<vmem>> -> memref<128xi32, #tpu.memory_space<vmem>>
    %dma_start3A_55 = arith.constant 0 : i32
    %dma_start3A_56 = arith.constant 0 : i32
    %dma_start3A_57 = tpu.memref_slice %arg12[%dma_start3A_55, %dma_start3A_56] : memref<10240x128xf32, #tpu.memory_space<vmem_shared>> -> memref<10240x128xf32, #tpu.memory_space<vmem_shared>>
    tpu.enqueue_indirect_dma source(%arg10 : memref<128x128xf32, #tpu.memory_space<vmem>>) target(%dma_start3A_57 : memref<10240x128xf32, #tpu.memory_space<vmem_shared>>) offsets(%dma_start3A_54 : memref<128xi32, #tpu.memory_space<vmem>>) semaphore(%arg17 : memref<!tpu.dma_semaphore, #tpu.memory_space<semaphore_mem>>) {add = true}
    %dma_wait3A_58 = arith.constant 0 : i32
    %dma_wait3A_59 = arith.constant 0 : i32
    %dma_wait3A_60 = tpu.memref_slice %arg9[%dma_wait3A_58, %dma_wait3A_59] : memref<1x128xi32, #tpu.memory_space<vmem>> -> memref<1x128xi32, #tpu.memory_space<vmem>>
    %dma_wait3A_61 = tpu.memref_squeeze %dma_wait3A_60 : memref<1x128xi32, #tpu.memory_space<vmem>> -> memref<128xi32, #tpu.memory_space<vmem>>
    %dma_wait3A_62 = arith.constant 0 : i32
    %dma_wait3A_63 = arith.constant 0 : i32
    %dma_wait3A_64 = tpu.memref_slice %arg4[%dma_wait3A_62, %dma_wait3A_63] : memref<10000x128xf32, #tpu.memory_space<hbm>> -> memref<10000x128xf32, #tpu.memory_space<hbm>>
    tpu.wait_indirect_dma semaphore(%arg14 : memref<!tpu.dma_semaphore, #tpu.memory_space<semaphore_mem>>) src(%dma_wait3A_64 : memref<10000x128xf32, #tpu.memory_space<hbm>>) dst(%arg11 : memref<128x128xf32, #tpu.memory_space<vmem>>)
    %dma_start3A_65 = arith.constant 79 : i32
    %dma_start3A_66 = arith.constant 0 : i32
    %dma_start3A_67 = tpu.memref_slice %arg7[%dma_start3A_65, %dma_start3A_66] : memref<80x128xi32, #tpu.memory_space<vmem>> -> memref<1x128xi32, #tpu.memory_space<vmem>>
    %dma_start3A_68 = tpu.memref_squeeze %dma_start3A_67 : memref<1x128xi32, #tpu.memory_space<vmem>> -> memref<128xi32, #tpu.memory_space<vmem>>
    %dma_start3A_69 = arith.constant 0 : i32
    %dma_start3A_70 = arith.constant 0 : i32
    %dma_start3A_71 = tpu.memref_slice %arg12[%dma_start3A_69, %dma_start3A_70] : memref<10240x128xf32, #tpu.memory_space<vmem_shared>> -> memref<10240x128xf32, #tpu.memory_space<vmem_shared>>
    tpu.enqueue_indirect_dma source(%arg11 : memref<128x128xf32, #tpu.memory_space<vmem>>) target(%dma_start3A_71 : memref<10240x128xf32, #tpu.memory_space<vmem_shared>>) offsets(%dma_start3A_68 : memref<128xi32, #tpu.memory_space<vmem>>) semaphore(%arg18 : memref<!tpu.dma_semaphore, #tpu.memory_space<semaphore_mem>>) {add = true}
    %dma_wait3A_72 = arith.constant 78 : i32
    %dma_wait3A_73 = arith.constant 0 : i32
    %dma_wait3A_74 = tpu.memref_slice %arg7[%dma_wait3A_72, %dma_wait3A_73] : memref<80x128xi32, #tpu.memory_space<vmem>> -> memref<1x128xi32, #tpu.memory_space<vmem>>
    %dma_wait3A_75 = tpu.memref_squeeze %dma_wait3A_74 : memref<1x128xi32, #tpu.memory_space<vmem>> -> memref<128xi32, #tpu.memory_space<vmem>>
    %dma_wait3A_76 = arith.constant 0 : i32
    %dma_wait3A_77 = arith.constant 0 : i32
    %dma_wait3A_78 = tpu.memref_slice %arg12[%dma_wait3A_76, %dma_wait3A_77] : memref<10240x128xf32, #tpu.memory_space<vmem_shared>> -> memref<10240x128xf32, #tpu.memory_space<vmem_shared>>
    tpu.wait_indirect_dma semaphore(%arg17 : memref<!tpu.dma_semaphore, #tpu.memory_space<semaphore_mem>>) src(%arg10 : memref<128x128xf32, #tpu.memory_space<vmem>>) dst(%dma_wait3A_78 : memref<10240x128xf32, #tpu.memory_space<vmem_shared>>)
    %dma_wait3A_79 = arith.constant 79 : i32
    %dma_wait3A_80 = arith.constant 0 : i32
    %dma_wait3A_81 = tpu.memref_slice %arg7[%dma_wait3A_79, %dma_wait3A_80] : memref<80x128xi32, #tpu.memory_space<vmem>> -> memref<1x128xi32, #tpu.memory_space<vmem>>
    %dma_wait3A_82 = tpu.memref_squeeze %dma_wait3A_81 : memref<1x128xi32, #tpu.memory_space<vmem>> -> memref<128xi32, #tpu.memory_space<vmem>>
    %dma_wait3A_83 = arith.constant 0 : i32
    %dma_wait3A_84 = arith.constant 0 : i32
    %dma_wait3A_85 = tpu.memref_slice %arg12[%dma_wait3A_83, %dma_wait3A_84] : memref<10240x128xf32, #tpu.memory_space<vmem_shared>> -> memref<10240x128xf32, #tpu.memory_space<vmem_shared>>
    tpu.wait_indirect_dma semaphore(%arg18 : memref<!tpu.dma_semaphore, #tpu.memory_space<semaphore_mem>>) src(%arg11 : memref<128x128xf32, #tpu.memory_space<vmem>>) dst(%dma_wait3A_85 : memref<10240x128xf32, #tpu.memory_space<vmem_shared>>)
    %barrier3A_86 = arith.constant 0 : index
    tpu.barrier barrier_id(%barrier3A_86)
    %mul3A_87 = arith.constant 640 : i32
    %mul3A_88 = arith.muli %arg1, %mul3A_87 : i32
    %mul3A_89 = arith.constant 640 : i32
    %mul3A_90 = arith.muli %arg1, %mul3A_89 : i32
    "tpu.region"() ({
      %run_scoped3A = tpu.sem_alloc : memref<!tpu.dma_semaphore, #tpu.memory_space<semaphore_mem>>
      %dma_start3A_91 = arith.constant 0 : i32
      %dma_start3A_92 = tpu.memref_slice %arg6[%arg0, %mul3A_90, %dma_start3A_91] : memref<2x10240x128xf32, #tpu.memory_space<hbm>> -> memref<1x640x128xf32, #tpu.memory_space<hbm>>
      %dma_start3A_93 = tpu.memref_squeeze %dma_start3A_92 : memref<1x640x128xf32, #tpu.memory_space<hbm>> -> memref<640x128xf32, #tpu.memory_space<hbm>>
      %dma_start3A_94 = arith.constant 0 : i32
      %dma_start3A_95 = tpu.memref_slice %arg12[%mul3A_88, %dma_start3A_94] : memref<10240x128xf32, #tpu.memory_space<vmem_shared>> -> memref<640x128xf32, #tpu.memory_space<vmem_shared>>
      tpu.enqueue_dma source(%dma_start3A_95 : memref<640x128xf32, #tpu.memory_space<vmem_shared>>) target(%dma_start3A_93 : memref<640x128xf32, #tpu.memory_space<hbm>>) target_semaphore(%run_scoped3A : memref<!tpu.dma_semaphore, #tpu.memory_space<semaphore_mem>>)
      %dma_wait3A_96 = arith.constant 0 : i32
      %dma_wait3A_97 = tpu.memref_slice %arg6[%arg0, %mul3A_90, %dma_wait3A_96] : memref<2x10240x128xf32, #tpu.memory_space<hbm>> -> memref<1x640x128xf32, #tpu.memory_space<hbm>>
      %dma_wait3A_98 = tpu.memref_squeeze %dma_wait3A_97 : memref<1x640x128xf32, #tpu.memory_space<hbm>> -> memref<640x128xf32, #tpu.memory_space<hbm>>
      %dma_wait3A_99 = arith.constant 0 : i32
      %dma_wait3A_100 = tpu.memref_slice %arg12[%mul3A_88, %dma_wait3A_99] : memref<10240x128xf32, #tpu.memory_space<vmem_shared>> -> memref<640x128xf32, #tpu.memory_space<vmem_shared>>
      tpu.wait_dma2 semaphore(%run_scoped3A : memref<!tpu.dma_semaphore, #tpu.memory_space<semaphore_mem>>) src(%dma_wait3A_100 : memref<640x128xf32, #tpu.memory_space<vmem_shared>>) dst(%dma_wait3A_98 : memref<640x128xf32, #tpu.memory_space<hbm>>)
      tpu.yield
    }) : () -> ()
    return
  }
}

#map = affine_map<(d0, d1) -> (0, 0)>
#map1 = affine_map<(d0, d1) -> (0, 0, 0)>
module attributes {stable_mosaic.version = 14 : i64} {
  func.func @_sc_deg_body(%arg0: i32, %arg1: i32, %arg2: memref<2560x128xi32, #tpu.memory_space<hbm>>, %arg3: memref<128x128xf32, #tpu.memory_space<hbm>>, %arg4: memref<128x128xf32, #tpu.memory_space<hbm>>, %arg5: memref<2x10240x128xf32, #tpu.memory_space<hbm>>, %arg6: memref<80x128xi32, #tpu.memory_space<vmem>>, %arg7: memref<128x128xf32, #tpu.memory_space<vmem>>, %arg8: memref<128x128xf32, #tpu.memory_space<vmem>>, %arg9: memref<10240x128xf32, #tpu.memory_space<vmem_shared>>, %arg10: memref<!tpu.dma_semaphore, #tpu.memory_space<semaphore_mem>>, %arg11: memref<!tpu.dma_semaphore, #tpu.memory_space<semaphore_mem>>) attributes {dimension_semantics = [#tpu.dimension_semantics<core_parallel>, #tpu.dimension_semantics<subcore_parallel>], iteration_bounds = array<i64: 2, 16>, scalar_prefetch = 0 : i64, scratch_operands = 6 : i64, tpu.core_type = #tpu.core_type<sc_vector_subcore>, window_params = [{transform_indices = #map}, {transform_indices = #map}, {transform_indices = #map}, {transform_indices = #map1}]} {
    %mul3A = arith.constant 2 : i32
    %mul3A_0 = arith.muli %arg1, %mul3A : i32
    %add3A = arith.addi %mul3A_0, %arg0 : i32
    %mul3A_1 = arith.constant 80 : i32
    %mul3A_2 = arith.muli %add3A, %mul3A_1 : i32
    "tpu.region"() ({
      %run_scoped3A = tpu.sem_alloc : memref<!tpu.dma_semaphore, #tpu.memory_space<semaphore_mem>>
      %dma_start3A_59 = arith.constant 0 : i32
      %dma_start3A_60 = tpu.memref_slice %arg2[%mul3A_2, %dma_start3A_59] : memref<2560x128xi32, #tpu.memory_space<hbm>> -> memref<80x128xi32, #tpu.memory_space<hbm>>
      %dma_start3A_61 = arith.constant 0 : i32
      %dma_start3A_62 = tpu.memref_slice %arg2[%mul3A_2, %dma_start3A_61] : memref<2560x128xi32, #tpu.memory_space<hbm>> -> memref<80x128xi32, #tpu.memory_space<hbm>>
      tpu.enqueue_dma source(%dma_start3A_62 : memref<80x128xi32, #tpu.memory_space<hbm>>) target(%arg6 : memref<80x128xi32, #tpu.memory_space<vmem>>) target_semaphore(%run_scoped3A : memref<!tpu.dma_semaphore, #tpu.memory_space<semaphore_mem>>)
      %dma_wait3A_63 = arith.constant 0 : i32
      %dma_wait3A_64 = tpu.memref_slice %arg2[%mul3A_2, %dma_wait3A_63] : memref<2560x128xi32, #tpu.memory_space<hbm>> -> memref<80x128xi32, #tpu.memory_space<hbm>>
      %dma_wait3A_65 = arith.constant 0 : i32
      %dma_wait3A_66 = tpu.memref_slice %arg2[%mul3A_2, %dma_wait3A_65] : memref<2560x128xi32, #tpu.memory_space<hbm>> -> memref<80x128xi32, #tpu.memory_space<hbm>>
      tpu.wait_dma2 semaphore(%run_scoped3A : memref<!tpu.dma_semaphore, #tpu.memory_space<semaphore_mem>>) src(%dma_wait3A_66 : memref<80x128xi32, #tpu.memory_space<hbm>>) dst(%arg6 : memref<80x128xi32, #tpu.memory_space<vmem>>)
      tpu.yield
    }) : () -> ()
    "tpu.region"() ({
      %run_scoped3A = tpu.sem_alloc : memref<!tpu.dma_semaphore, #tpu.memory_space<semaphore_mem>>
      tpu.enqueue_dma source(%arg3 : memref<128x128xf32, #tpu.memory_space<hbm>>) target(%arg7 : memref<128x128xf32, #tpu.memory_space<vmem>>) target_semaphore(%run_scoped3A : memref<!tpu.dma_semaphore, #tpu.memory_space<semaphore_mem>>)
      tpu.wait_dma2 semaphore(%run_scoped3A : memref<!tpu.dma_semaphore, #tpu.memory_space<semaphore_mem>>) src(%arg3 : memref<128x128xf32, #tpu.memory_space<hbm>>) dst(%arg7 : memref<128x128xf32, #tpu.memory_space<vmem>>)
      tpu.yield
    }) : () -> ()
    "tpu.region"() ({
      %run_scoped3A = tpu.sem_alloc : memref<!tpu.dma_semaphore, #tpu.memory_space<semaphore_mem>>
      tpu.enqueue_dma source(%arg4 : memref<128x128xf32, #tpu.memory_space<hbm>>) target(%arg8 : memref<128x128xf32, #tpu.memory_space<vmem>>) target_semaphore(%run_scoped3A : memref<!tpu.dma_semaphore, #tpu.memory_space<semaphore_mem>>)
      tpu.wait_dma2 semaphore(%run_scoped3A : memref<!tpu.dma_semaphore, #tpu.memory_space<semaphore_mem>>) src(%arg4 : memref<128x128xf32, #tpu.memory_space<hbm>>) dst(%arg8 : memref<128x128xf32, #tpu.memory_space<vmem>>)
      tpu.yield
    }) : () -> ()
    %mul3A_3 = arith.constant 640 : i32
    %mul3A_4 = arith.muli %arg1, %mul3A_3 : i32
    %add3A_5 = arith.constant 0 : i32
    %add3A_6 = arith.addi %mul3A_4, %add3A_5 : i32
    "tpu.region"() ({
      %run_scoped3A = tpu.sem_alloc : memref<!tpu.dma_semaphore, #tpu.memory_space<semaphore_mem>>
      %dma_start3A_59 = arith.constant 0 : i32
      %dma_start3A_60 = tpu.memref_slice %arg9[%add3A_6, %dma_start3A_59] : memref<10240x128xf32, #tpu.memory_space<vmem_shared>> -> memref<128x128xf32, #tpu.memory_space<vmem_shared>>
      %dma_start3A_61 = arith.constant 0 : i32
      %dma_start3A_62 = tpu.memref_slice %arg9[%add3A_6, %dma_start3A_61] : memref<10240x128xf32, #tpu.memory_space<vmem_shared>> -> memref<128x128xf32, #tpu.memory_space<vmem_shared>>
      tpu.enqueue_dma source(%arg8 : memref<128x128xf32, #tpu.memory_space<vmem>>) target(%dma_start3A_62 : memref<128x128xf32, #tpu.memory_space<vmem_shared>>) target_semaphore(%run_scoped3A : memref<!tpu.dma_semaphore, #tpu.memory_space<semaphore_mem>>)
      %dma_wait3A_63 = arith.constant 0 : i32
      %dma_wait3A_64 = tpu.memref_slice %arg9[%add3A_6, %dma_wait3A_63] : memref<10240x128xf32, #tpu.memory_space<vmem_shared>> -> memref<128x128xf32, #tpu.memory_space<vmem_shared>>
      %dma_wait3A_65 = arith.constant 0 : i32
      %dma_wait3A_66 = tpu.memref_slice %arg9[%add3A_6, %dma_wait3A_65] : memref<10240x128xf32, #tpu.memory_space<vmem_shared>> -> memref<128x128xf32, #tpu.memory_space<vmem_shared>>
      tpu.wait_dma2 semaphore(%run_scoped3A : memref<!tpu.dma_semaphore, #tpu.memory_space<semaphore_mem>>) src(%arg8 : memref<128x128xf32, #tpu.memory_space<vmem>>) dst(%dma_wait3A_66 : memref<128x128xf32, #tpu.memory_space<vmem_shared>>)
      tpu.yield
    }) : () -> ()
    %mul3A_7 = arith.constant 640 : i32
    %mul3A_8 = arith.muli %arg1, %mul3A_7 : i32
    %add3A_9 = arith.constant 128 : i32
    %add3A_10 = arith.addi %mul3A_8, %add3A_9 : i32
    "tpu.region"() ({
      %run_scoped3A = tpu.sem_alloc : memref<!tpu.dma_semaphore, #tpu.memory_space<semaphore_mem>>
      %dma_start3A_59 = arith.constant 0 : i32
      %dma_start3A_60 = tpu.memref_slice %arg9[%add3A_10, %dma_start3A_59] : memref<10240x128xf32, #tpu.memory_space<vmem_shared>> -> memref<128x128xf32, #tpu.memory_space<vmem_shared>>
      %dma_start3A_61 = arith.constant 0 : i32
      %dma_start3A_62 = tpu.memref_slice %arg9[%add3A_10, %dma_start3A_61] : memref<10240x128xf32, #tpu.memory_space<vmem_shared>> -> memref<128x128xf32, #tpu.memory_space<vmem_shared>>
      tpu.enqueue_dma source(%arg8 : memref<128x128xf32, #tpu.memory_space<vmem>>) target(%dma_start3A_62 : memref<128x128xf32, #tpu.memory_space<vmem_shared>>) target_semaphore(%run_scoped3A : memref<!tpu.dma_semaphore, #tpu.memory_space<semaphore_mem>>)
      %dma_wait3A_63 = arith.constant 0 : i32
      %dma_wait3A_64 = tpu.memref_slice %arg9[%add3A_10, %dma_wait3A_63] : memref<10240x128xf32, #tpu.memory_space<vmem_shared>> -> memref<128x128xf32, #tpu.memory_space<vmem_shared>>
      %dma_wait3A_65 = arith.constant 0 : i32
      %dma_wait3A_66 = tpu.memref_slice %arg9[%add3A_10, %dma_wait3A_65] : memref<10240x128xf32, #tpu.memory_space<vmem_shared>> -> memref<128x128xf32, #tpu.memory_space<vmem_shared>>
      tpu.wait_dma2 semaphore(%run_scoped3A : memref<!tpu.dma_semaphore, #tpu.memory_space<semaphore_mem>>) src(%arg8 : memref<128x128xf32, #tpu.memory_space<vmem>>) dst(%dma_wait3A_66 : memref<128x128xf32, #tpu.memory_space<vmem_shared>>)
      tpu.yield
    }) : () -> ()
    %mul3A_11 = arith.constant 640 : i32
    %mul3A_12 = arith.muli %arg1, %mul3A_11 : i32
    %add3A_13 = arith.constant 256 : i32
    %add3A_14 = arith.addi %mul3A_12, %add3A_13 : i32
    "tpu.region"() ({
      %run_scoped3A = tpu.sem_alloc : memref<!tpu.dma_semaphore, #tpu.memory_space<semaphore_mem>>
      %dma_start3A_59 = arith.constant 0 : i32
      %dma_start3A_60 = tpu.memref_slice %arg9[%add3A_14, %dma_start3A_59] : memref<10240x128xf32, #tpu.memory_space<vmem_shared>> -> memref<128x128xf32, #tpu.memory_space<vmem_shared>>
      %dma_start3A_61 = arith.constant 0 : i32
      %dma_start3A_62 = tpu.memref_slice %arg9[%add3A_14, %dma_start3A_61] : memref<10240x128xf32, #tpu.memory_space<vmem_shared>> -> memref<128x128xf32, #tpu.memory_space<vmem_shared>>
      tpu.enqueue_dma source(%arg8 : memref<128x128xf32, #tpu.memory_space<vmem>>) target(%dma_start3A_62 : memref<128x128xf32, #tpu.memory_space<vmem_shared>>) target_semaphore(%run_scoped3A : memref<!tpu.dma_semaphore, #tpu.memory_space<semaphore_mem>>)
      %dma_wait3A_63 = arith.constant 0 : i32
      %dma_wait3A_64 = tpu.memref_slice %arg9[%add3A_14, %dma_wait3A_63] : memref<10240x128xf32, #tpu.memory_space<vmem_shared>> -> memref<128x128xf32, #tpu.memory_space<vmem_shared>>
      %dma_wait3A_65 = arith.constant 0 : i32
      %dma_wait3A_66 = tpu.memref_slice %arg9[%add3A_14, %dma_wait3A_65] : memref<10240x128xf32, #tpu.memory_space<vmem_shared>> -> memref<128x128xf32, #tpu.memory_space<vmem_shared>>
      tpu.wait_dma2 semaphore(%run_scoped3A : memref<!tpu.dma_semaphore, #tpu.memory_space<semaphore_mem>>) src(%arg8 : memref<128x128xf32, #tpu.memory_space<vmem>>) dst(%dma_wait3A_66 : memref<128x128xf32, #tpu.memory_space<vmem_shared>>)
      tpu.yield
    }) : () -> ()
    %mul3A_15 = arith.constant 640 : i32
    %mul3A_16 = arith.muli %arg1, %mul3A_15 : i32
    %add3A_17 = arith.constant 384 : i32
    %add3A_18 = arith.addi %mul3A_16, %add3A_17 : i32
    "tpu.region"() ({
      %run_scoped3A = tpu.sem_alloc : memref<!tpu.dma_semaphore, #tpu.memory_space<semaphore_mem>>
      %dma_start3A_59 = arith.constant 0 : i32
      %dma_start3A_60 = tpu.memref_slice %arg9[%add3A_18, %dma_start3A_59] : memref<10240x128xf32, #tpu.memory_space<vmem_shared>> -> memref<128x128xf32, #tpu.memory_space<vmem_shared>>
      %dma_start3A_61 = arith.constant 0 : i32
      %dma_start3A_62 = tpu.memref_slice %arg9[%add3A_18, %dma_start3A_61] : memref<10240x128xf32, #tpu.memory_space<vmem_shared>> -> memref<128x128xf32, #tpu.memory_space<vmem_shared>>
      tpu.enqueue_dma source(%arg8 : memref<128x128xf32, #tpu.memory_space<vmem>>) target(%dma_start3A_62 : memref<128x128xf32, #tpu.memory_space<vmem_shared>>) target_semaphore(%run_scoped3A : memref<!tpu.dma_semaphore, #tpu.memory_space<semaphore_mem>>)
      %dma_wait3A_63 = arith.constant 0 : i32
      %dma_wait3A_64 = tpu.memref_slice %arg9[%add3A_18, %dma_wait3A_63] : memref<10240x128xf32, #tpu.memory_space<vmem_shared>> -> memref<128x128xf32, #tpu.memory_space<vmem_shared>>
      %dma_wait3A_65 = arith.constant 0 : i32
      %dma_wait3A_66 = tpu.memref_slice %arg9[%add3A_18, %dma_wait3A_65] : memref<10240x128xf32, #tpu.memory_space<vmem_shared>> -> memref<128x128xf32, #tpu.memory_space<vmem_shared>>
      tpu.wait_dma2 semaphore(%run_scoped3A : memref<!tpu.dma_semaphore, #tpu.memory_space<semaphore_mem>>) src(%arg8 : memref<128x128xf32, #tpu.memory_space<vmem>>) dst(%dma_wait3A_66 : memref<128x128xf32, #tpu.memory_space<vmem_shared>>)
      tpu.yield
    }) : () -> ()
    %mul3A_19 = arith.constant 640 : i32
    %mul3A_20 = arith.muli %arg1, %mul3A_19 : i32
    %add3A_21 = arith.constant 512 : i32
    %add3A_22 = arith.addi %mul3A_20, %add3A_21 : i32
    "tpu.region"() ({
      %run_scoped3A = tpu.sem_alloc : memref<!tpu.dma_semaphore, #tpu.memory_space<semaphore_mem>>
      %dma_start3A_59 = arith.constant 0 : i32
      %dma_start3A_60 = tpu.memref_slice %arg9[%add3A_22, %dma_start3A_59] : memref<10240x128xf32, #tpu.memory_space<vmem_shared>> -> memref<128x128xf32, #tpu.memory_space<vmem_shared>>
      %dma_start3A_61 = arith.constant 0 : i32
      %dma_start3A_62 = tpu.memref_slice %arg9[%add3A_22, %dma_start3A_61] : memref<10240x128xf32, #tpu.memory_space<vmem_shared>> -> memref<128x128xf32, #tpu.memory_space<vmem_shared>>
      tpu.enqueue_dma source(%arg8 : memref<128x128xf32, #tpu.memory_space<vmem>>) target(%dma_start3A_62 : memref<128x128xf32, #tpu.memory_space<vmem_shared>>) target_semaphore(%run_scoped3A : memref<!tpu.dma_semaphore, #tpu.memory_space<semaphore_mem>>)
      %dma_wait3A_63 = arith.constant 0 : i32
      %dma_wait3A_64 = tpu.memref_slice %arg9[%add3A_22, %dma_wait3A_63] : memref<10240x128xf32, #tpu.memory_space<vmem_shared>> -> memref<128x128xf32, #tpu.memory_space<vmem_shared>>
      %dma_wait3A_65 = arith.constant 0 : i32
      %dma_wait3A_66 = tpu.memref_slice %arg9[%add3A_22, %dma_wait3A_65] : memref<10240x128xf32, #tpu.memory_space<vmem_shared>> -> memref<128x128xf32, #tpu.memory_space<vmem_shared>>
      tpu.wait_dma2 semaphore(%run_scoped3A : memref<!tpu.dma_semaphore, #tpu.memory_space<semaphore_mem>>) src(%arg8 : memref<128x128xf32, #tpu.memory_space<vmem>>) dst(%dma_wait3A_66 : memref<128x128xf32, #tpu.memory_space<vmem_shared>>)
      tpu.yield
    }) : () -> ()
    %barrier3A = arith.constant 0 : index
    tpu.barrier barrier_id(%barrier3A)
    %dma_start3A = arith.constant 0 : i32
    %dma_start3A_23 = arith.constant 0 : i32
    %dma_start3A_24 = tpu.memref_slice %arg6[%dma_start3A, %dma_start3A_23] : memref<80x128xi32, #tpu.memory_space<vmem>> -> memref<1x128xi32, #tpu.memory_space<vmem>>
    %dma_start3A_25 = tpu.memref_squeeze %dma_start3A_24 : memref<1x128xi32, #tpu.memory_space<vmem>> -> memref<128xi32, #tpu.memory_space<vmem>>
    %dma_start3A_26 = arith.constant 0 : i32
    %dma_start3A_27 = arith.constant 0 : i32
    %dma_start3A_28 = tpu.memref_slice %arg9[%dma_start3A_26, %dma_start3A_27] : memref<10240x128xf32, #tpu.memory_space<vmem_shared>> -> memref<10240x128xf32, #tpu.memory_space<vmem_shared>>
    tpu.enqueue_indirect_dma source(%arg7 : memref<128x128xf32, #tpu.memory_space<vmem>>) target(%dma_start3A_28 : memref<10240x128xf32, #tpu.memory_space<vmem_shared>>) offsets(%dma_start3A_25 : memref<128xi32, #tpu.memory_space<vmem>>) semaphore(%arg10 : memref<!tpu.dma_semaphore, #tpu.memory_space<semaphore_mem>>) {add = true}
    %dma_start3A_29 = arith.constant 1 : i32
    %dma_start3A_30 = arith.constant 0 : i32
    %dma_start3A_31 = tpu.memref_slice %arg6[%dma_start3A_29, %dma_start3A_30] : memref<80x128xi32, #tpu.memory_space<vmem>> -> memref<1x128xi32, #tpu.memory_space<vmem>>
    %dma_start3A_32 = tpu.memref_squeeze %dma_start3A_31 : memref<1x128xi32, #tpu.memory_space<vmem>> -> memref<128xi32, #tpu.memory_space<vmem>>
    %dma_start3A_33 = arith.constant 0 : i32
    %dma_start3A_34 = arith.constant 0 : i32
    %dma_start3A_35 = tpu.memref_slice %arg9[%dma_start3A_33, %dma_start3A_34] : memref<10240x128xf32, #tpu.memory_space<vmem_shared>> -> memref<10240x128xf32, #tpu.memory_space<vmem_shared>>
    tpu.enqueue_indirect_dma source(%arg7 : memref<128x128xf32, #tpu.memory_space<vmem>>) target(%dma_start3A_35 : memref<10240x128xf32, #tpu.memory_space<vmem_shared>>) offsets(%dma_start3A_32 : memref<128xi32, #tpu.memory_space<vmem>>) semaphore(%arg11 : memref<!tpu.dma_semaphore, #tpu.memory_space<semaphore_mem>>) {add = true}
    %scan3A = arith.constant 0 : i32
    %scan3A_36 = arith.constant 0 : i32
    %scan3A_37 = arith.constant 39 : i32
    %scan3A_38 = arith.addi %scan3A_36, %scan3A_37 : i32
    %scan3A_39 = arith.constant 1 : i32
    scf.for %scan3A_59 = %scan3A_36 to %scan3A_38 step %scan3A_39  : i32 {
      %mul3A_60 = arith.constant 2 : i32
      %mul3A_61 = arith.muli %scan3A_59, %mul3A_60 : i32
      %add3A_62 = arith.constant 0 : i32
      %add3A_63 = arith.addi %mul3A_61, %add3A_62 : i32
      %dma_wait3A_64 = arith.constant 0 : i32
      %dma_wait3A_65 = tpu.memref_slice %arg6[%add3A_63, %dma_wait3A_64] : memref<80x128xi32, #tpu.memory_space<vmem>> -> memref<1x128xi32, #tpu.memory_space<vmem>>
      %dma_wait3A_66 = tpu.memref_squeeze %dma_wait3A_65 : memref<1x128xi32, #tpu.memory_space<vmem>> -> memref<128xi32, #tpu.memory_space<vmem>>
      %dma_wait3A_67 = arith.constant 0 : i32
      %dma_wait3A_68 = arith.constant 0 : i32
      %dma_wait3A_69 = tpu.memref_slice %arg9[%dma_wait3A_67, %dma_wait3A_68] : memref<10240x128xf32, #tpu.memory_space<vmem_shared>> -> memref<10240x128xf32, #tpu.memory_space<vmem_shared>>
      tpu.wait_indirect_dma semaphore(%arg10 : memref<!tpu.dma_semaphore, #tpu.memory_space<semaphore_mem>>) src(%arg7 : memref<128x128xf32, #tpu.memory_space<vmem>>) dst(%dma_wait3A_69 : memref<10240x128xf32, #tpu.memory_space<vmem_shared>>)
      %add3A_70 = arith.constant 2 : i32
      %add3A_71 = arith.addi %add3A_63, %add3A_70 : i32
      %dma_start3A_72 = arith.constant 0 : i32
      %dma_start3A_73 = tpu.memref_slice %arg6[%add3A_71, %dma_start3A_72] : memref<80x128xi32, #tpu.memory_space<vmem>> -> memref<1x128xi32, #tpu.memory_space<vmem>>
      %dma_start3A_74 = tpu.memref_squeeze %dma_start3A_73 : memref<1x128xi32, #tpu.memory_space<vmem>> -> memref<128xi32, #tpu.memory_space<vmem>>
      %dma_start3A_75 = arith.constant 0 : i32
      %dma_start3A_76 = arith.constant 0 : i32
      %dma_start3A_77 = tpu.memref_slice %arg9[%dma_start3A_75, %dma_start3A_76] : memref<10240x128xf32, #tpu.memory_space<vmem_shared>> -> memref<10240x128xf32, #tpu.memory_space<vmem_shared>>
      tpu.enqueue_indirect_dma source(%arg7 : memref<128x128xf32, #tpu.memory_space<vmem>>) target(%dma_start3A_77 : memref<10240x128xf32, #tpu.memory_space<vmem_shared>>) offsets(%dma_start3A_74 : memref<128xi32, #tpu.memory_space<vmem>>) semaphore(%arg10 : memref<!tpu.dma_semaphore, #tpu.memory_space<semaphore_mem>>) {add = true}
      %mul3A_78 = arith.constant 2 : i32
      %mul3A_79 = arith.muli %scan3A_59, %mul3A_78 : i32
      %add3A_80 = arith.constant 1 : i32
      %add3A_81 = arith.addi %mul3A_79, %add3A_80 : i32
      %dma_wait3A_82 = arith.constant 0 : i32
      %dma_wait3A_83 = tpu.memref_slice %arg6[%add3A_81, %dma_wait3A_82] : memref<80x128xi32, #tpu.memory_space<vmem>> -> memref<1x128xi32, #tpu.memory_space<vmem>>
      %dma_wait3A_84 = tpu.memref_squeeze %dma_wait3A_83 : memref<1x128xi32, #tpu.memory_space<vmem>> -> memref<128xi32, #tpu.memory_space<vmem>>
      %dma_wait3A_85 = arith.constant 0 : i32
      %dma_wait3A_86 = arith.constant 0 : i32
      %dma_wait3A_87 = tpu.memref_slice %arg9[%dma_wait3A_85, %dma_wait3A_86] : memref<10240x128xf32, #tpu.memory_space<vmem_shared>> -> memref<10240x128xf32, #tpu.memory_space<vmem_shared>>
      tpu.wait_indirect_dma semaphore(%arg11 : memref<!tpu.dma_semaphore, #tpu.memory_space<semaphore_mem>>) src(%arg7 : memref<128x128xf32, #tpu.memory_space<vmem>>) dst(%dma_wait3A_87 : memref<10240x128xf32, #tpu.memory_space<vmem_shared>>)
      %add3A_88 = arith.constant 2 : i32
      %add3A_89 = arith.addi %add3A_81, %add3A_88 : i32
      %dma_start3A_90 = arith.constant 0 : i32
      %dma_start3A_91 = tpu.memref_slice %arg6[%add3A_89, %dma_start3A_90] : memref<80x128xi32, #tpu.memory_space<vmem>> -> memref<1x128xi32, #tpu.memory_space<vmem>>
      %dma_start3A_92 = tpu.memref_squeeze %dma_start3A_91 : memref<1x128xi32, #tpu.memory_space<vmem>> -> memref<128xi32, #tpu.memory_space<vmem>>
      %dma_start3A_93 = arith.constant 0 : i32
      %dma_start3A_94 = arith.constant 0 : i32
      %dma_start3A_95 = tpu.memref_slice %arg9[%dma_start3A_93, %dma_start3A_94] : memref<10240x128xf32, #tpu.memory_space<vmem_shared>> -> memref<10240x128xf32, #tpu.memory_space<vmem_shared>>
      tpu.enqueue_indirect_dma source(%arg7 : memref<128x128xf32, #tpu.memory_space<vmem>>) target(%dma_start3A_95 : memref<10240x128xf32, #tpu.memory_space<vmem_shared>>) offsets(%dma_start3A_92 : memref<128xi32, #tpu.memory_space<vmem>>) semaphore(%arg11 : memref<!tpu.dma_semaphore, #tpu.memory_space<semaphore_mem>>) {add = true}
    }
    %scan3A_40 = arith.constant 39 : i32
    %dma_wait3A = arith.constant 0 : i32
    %dma_wait3A_41 = arith.constant 0 : i32
    %dma_wait3A_42 = tpu.memref_slice %arg6[%dma_wait3A, %dma_wait3A_41] : memref<80x128xi32, #tpu.memory_space<vmem>> -> memref<1x128xi32, #tpu.memory_space<vmem>>
    %dma_wait3A_43 = tpu.memref_squeeze %dma_wait3A_42 : memref<1x128xi32, #tpu.memory_space<vmem>> -> memref<128xi32, #tpu.memory_space<vmem>>
    %dma_wait3A_44 = arith.constant 0 : i32
    %dma_wait3A_45 = arith.constant 0 : i32
    %dma_wait3A_46 = tpu.memref_slice %arg9[%dma_wait3A_44, %dma_wait3A_45] : memref<10240x128xf32, #tpu.memory_space<vmem_shared>> -> memref<10240x128xf32, #tpu.memory_space<vmem_shared>>
    tpu.wait_indirect_dma semaphore(%arg10 : memref<!tpu.dma_semaphore, #tpu.memory_space<semaphore_mem>>) src(%arg7 : memref<128x128xf32, #tpu.memory_space<vmem>>) dst(%dma_wait3A_46 : memref<10240x128xf32, #tpu.memory_space<vmem_shared>>)
    %dma_wait3A_47 = arith.constant 0 : i32
    %dma_wait3A_48 = arith.constant 0 : i32
    %dma_wait3A_49 = tpu.memref_slice %arg6[%dma_wait3A_47, %dma_wait3A_48] : memref<80x128xi32, #tpu.memory_space<vmem>> -> memref<1x128xi32, #tpu.memory_space<vmem>>
    %dma_wait3A_50 = tpu.memref_squeeze %dma_wait3A_49 : memref<1x128xi32, #tpu.memory_space<vmem>> -> memref<128xi32, #tpu.memory_space<vmem>>
    %dma_wait3A_51 = arith.constant 0 : i32
    %dma_wait3A_52 = arith.constant 0 : i32
    %dma_wait3A_53 = tpu.memref_slice %arg9[%dma_wait3A_51, %dma_wait3A_52] : memref<10240x128xf32, #tpu.memory_space<vmem_shared>> -> memref<10240x128xf32, #tpu.memory_space<vmem_shared>>
    tpu.wait_indirect_dma semaphore(%arg11 : memref<!tpu.dma_semaphore, #tpu.memory_space<semaphore_mem>>) src(%arg7 : memref<128x128xf32, #tpu.memory_space<vmem>>) dst(%dma_wait3A_53 : memref<10240x128xf32, #tpu.memory_space<vmem_shared>>)
    %barrier3A_54 = arith.constant 0 : index
    tpu.barrier barrier_id(%barrier3A_54)
    %mul3A_55 = arith.constant 640 : i32
    %mul3A_56 = arith.muli %arg1, %mul3A_55 : i32
    %mul3A_57 = arith.constant 640 : i32
    %mul3A_58 = arith.muli %arg1, %mul3A_57 : i32
    "tpu.region"() ({
      %run_scoped3A = tpu.sem_alloc : memref<!tpu.dma_semaphore, #tpu.memory_space<semaphore_mem>>
      %dma_start3A_59 = arith.constant 0 : i32
      %dma_start3A_60 = tpu.memref_slice %arg5[%arg0, %mul3A_58, %dma_start3A_59] : memref<2x10240x128xf32, #tpu.memory_space<hbm>> -> memref<1x640x128xf32, #tpu.memory_space<hbm>>
      %dma_start3A_61 = tpu.memref_squeeze %dma_start3A_60 : memref<1x640x128xf32, #tpu.memory_space<hbm>> -> memref<640x128xf32, #tpu.memory_space<hbm>>
      %dma_start3A_62 = arith.constant 0 : i32
      %dma_start3A_63 = tpu.memref_slice %arg9[%mul3A_56, %dma_start3A_62] : memref<10240x128xf32, #tpu.memory_space<vmem_shared>> -> memref<640x128xf32, #tpu.memory_space<vmem_shared>>
      tpu.enqueue_dma source(%dma_start3A_63 : memref<640x128xf32, #tpu.memory_space<vmem_shared>>) target(%dma_start3A_61 : memref<640x128xf32, #tpu.memory_space<hbm>>) target_semaphore(%run_scoped3A : memref<!tpu.dma_semaphore, #tpu.memory_space<semaphore_mem>>)
      %dma_wait3A_64 = arith.constant 0 : i32
      %dma_wait3A_65 = tpu.memref_slice %arg5[%arg0, %mul3A_58, %dma_wait3A_64] : memref<2x10240x128xf32, #tpu.memory_space<hbm>> -> memref<1x640x128xf32, #tpu.memory_space<hbm>>
      %dma_wait3A_66 = tpu.memref_squeeze %dma_wait3A_65 : memref<1x640x128xf32, #tpu.memory_space<hbm>> -> memref<640x128xf32, #tpu.memory_space<hbm>>
      %dma_wait3A_67 = arith.constant 0 : i32
      %dma_wait3A_68 = tpu.memref_slice %arg9[%mul3A_56, %dma_wait3A_67] : memref<10240x128xf32, #tpu.memory_space<vmem_shared>> -> memref<640x128xf32, #tpu.memory_space<vmem_shared>>
      tpu.wait_dma2 semaphore(%run_scoped3A : memref<!tpu.dma_semaphore, #tpu.memory_space<semaphore_mem>>) src(%dma_wait3A_68 : memref<640x128xf32, #tpu.memory_space<vmem_shared>>) dst(%dma_wait3A_66 : memref<640x128xf32, #tpu.memory_space<hbm>>)
      tpu.yield
    }) : () -> ()
    return
  }
}

#map = affine_map<(d0, d1) -> (0, 0)>
#map1 = affine_map<(d0, d1) -> (0, 0, 0)>
module attributes {stable_mosaic.version = 14 : i64} {
  func.func @_sc_agg_body(%arg0: i32, %arg1: i32, %arg2: memref<2560x128xi32, #tpu.memory_space<hbm>>, %arg3: memref<2560x128xi32, #tpu.memory_space<hbm>>, %arg4: memref<10000x128xf32, #tpu.memory_space<hbm>>, %arg5: memref<128x128xf32, #tpu.memory_space<hbm>>, %arg6: memref<2x10240x128xf32, #tpu.memory_space<hbm>>, %arg7: memref<80x128xi32, #tpu.memory_space<vmem>>, %arg8: memref<1x128xi32, #tpu.memory_space<vmem>>, %arg9: memref<1x128xi32, #tpu.memory_space<vmem>>, %arg10: memref<128x128xf32, #tpu.memory_space<vmem>>, %arg11: memref<128x128xf32, #tpu.memory_space<vmem>>, %arg12: memref<10240x128xf32, #tpu.memory_space<vmem_shared>>, %arg13: memref<!tpu.dma_semaphore, #tpu.memory_space<semaphore_mem>>, %arg14: memref<!tpu.dma_semaphore, #tpu.memory_space<semaphore_mem>>, %arg15: memref<!tpu.dma_semaphore, #tpu.memory_space<semaphore_mem>>, %arg16: memref<!tpu.dma_semaphore, #tpu.memory_space<semaphore_mem>>, %arg17: memref<!tpu.dma_semaphore, #tpu.memory_space<semaphore_mem>>, %arg18: memref<!tpu.dma_semaphore, #tpu.memory_space<semaphore_mem>>) attributes {dimension_semantics = [#tpu.dimension_semantics<core_parallel>, #tpu.dimension_semantics<subcore_parallel>], iteration_bounds = array<i64: 2, 16>, scalar_prefetch = 0 : i64, scratch_operands = 12 : i64, tpu.core_type = #tpu.core_type<sc_vector_subcore>, window_params = [{transform_indices = #map}, {transform_indices = #map}, {transform_indices = #map}, {transform_indices = #map}, {transform_indices = #map1}]} {
    %mul3A = arith.constant 2 : i32
    %mul3A_0 = arith.muli %arg1, %mul3A : i32
    %add3A = arith.addi %mul3A_0, %arg0 : i32
    %mul3A_1 = arith.constant 80 : i32
    %mul3A_2 = arith.muli %add3A, %mul3A_1 : i32
    "tpu.region"() ({
      %run_scoped3A = tpu.sem_alloc : memref<!tpu.dma_semaphore, #tpu.memory_space<semaphore_mem>>
      %dma_start3A_91 = arith.constant 0 : i32
      %dma_start3A_92 = tpu.memref_slice %arg3[%mul3A_2, %dma_start3A_91] : memref<2560x128xi32, #tpu.memory_space<hbm>> -> memref<80x128xi32, #tpu.memory_space<hbm>>
      %dma_start3A_93 = arith.constant 0 : i32
      %dma_start3A_94 = tpu.memref_slice %arg3[%mul3A_2, %dma_start3A_93] : memref<2560x128xi32, #tpu.memory_space<hbm>> -> memref<80x128xi32, #tpu.memory_space<hbm>>
      tpu.enqueue_dma source(%dma_start3A_94 : memref<80x128xi32, #tpu.memory_space<hbm>>) target(%arg7 : memref<80x128xi32, #tpu.memory_space<vmem>>) target_semaphore(%run_scoped3A : memref<!tpu.dma_semaphore, #tpu.memory_space<semaphore_mem>>)
      %dma_wait3A_95 = arith.constant 0 : i32
      %dma_wait3A_96 = tpu.memref_slice %arg3[%mul3A_2, %dma_wait3A_95] : memref<2560x128xi32, #tpu.memory_space<hbm>> -> memref<80x128xi32, #tpu.memory_space<hbm>>
      %dma_wait3A_97 = arith.constant 0 : i32
      %dma_wait3A_98 = tpu.memref_slice %arg3[%mul3A_2, %dma_wait3A_97] : memref<2560x128xi32, #tpu.memory_space<hbm>> -> memref<80x128xi32, #tpu.memory_space<hbm>>
      tpu.wait_dma2 semaphore(%run_scoped3A : memref<!tpu.dma_semaphore, #tpu.memory_space<semaphore_mem>>) src(%dma_wait3A_98 : memref<80x128xi32, #tpu.memory_space<hbm>>) dst(%arg7 : memref<80x128xi32, #tpu.memory_space<vmem>>)
      tpu.yield
    }) : () -> ()
    "tpu.region"() ({
      %run_scoped3A = tpu.sem_alloc : memref<!tpu.dma_semaphore, #tpu.memory_space<semaphore_mem>>
      tpu.enqueue_dma source(%arg5 : memref<128x128xf32, #tpu.memory_space<hbm>>) target(%arg10 : memref<128x128xf32, #tpu.memory_space<vmem>>) target_semaphore(%run_scoped3A : memref<!tpu.dma_semaphore, #tpu.memory_space<semaphore_mem>>)
      tpu.wait_dma2 semaphore(%run_scoped3A : memref<!tpu.dma_semaphore, #tpu.memory_space<semaphore_mem>>) src(%arg5 : memref<128x128xf32, #tpu.memory_space<hbm>>) dst(%arg10 : memref<128x128xf32, #tpu.memory_space<vmem>>)
      tpu.yield
    }) : () -> ()
    %mul3A_3 = arith.constant 640 : i32
    %mul3A_4 = arith.muli %arg1, %mul3A_3 : i32
    %add3A_5 = arith.constant 0 : i32
    %add3A_6 = arith.addi %mul3A_4, %add3A_5 : i32
    "tpu.region"() ({
      %run_scoped3A = tpu.sem_alloc : memref<!tpu.dma_semaphore, #tpu.memory_space<semaphore_mem>>
      %dma_start3A_91 = arith.constant 0 : i32
      %dma_start3A_92 = tpu.memref_slice %arg12[%add3A_6, %dma_start3A_91] : memref<10240x128xf32, #tpu.memory_space<vmem_shared>> -> memref<128x128xf32, #tpu.memory_space<vmem_shared>>
      %dma_start3A_93 = arith.constant 0 : i32
      %dma_start3A_94 = tpu.memref_slice %arg12[%add3A_6, %dma_start3A_93] : memref<10240x128xf32, #tpu.memory_space<vmem_shared>> -> memref<128x128xf32, #tpu.memory_space<vmem_shared>>
      tpu.enqueue_dma source(%arg10 : memref<128x128xf32, #tpu.memory_space<vmem>>) target(%dma_start3A_94 : memref<128x128xf32, #tpu.memory_space<vmem_shared>>) target_semaphore(%run_scoped3A : memref<!tpu.dma_semaphore, #tpu.memory_space<semaphore_mem>>)
      %dma_wait3A_95 = arith.constant 0 : i32
      %dma_wait3A_96 = tpu.memref_slice %arg12[%add3A_6, %dma_wait3A_95] : memref<10240x128xf32, #tpu.memory_space<vmem_shared>> -> memref<128x128xf32, #tpu.memory_space<vmem_shared>>
      %dma_wait3A_97 = arith.constant 0 : i32
      %dma_wait3A_98 = tpu.memref_slice %arg12[%add3A_6, %dma_wait3A_97] : memref<10240x128xf32, #tpu.memory_space<vmem_shared>> -> memref<128x128xf32, #tpu.memory_space<vmem_shared>>
      tpu.wait_dma2 semaphore(%run_scoped3A : memref<!tpu.dma_semaphore, #tpu.memory_space<semaphore_mem>>) src(%arg10 : memref<128x128xf32, #tpu.memory_space<vmem>>) dst(%dma_wait3A_98 : memref<128x128xf32, #tpu.memory_space<vmem_shared>>)
      tpu.yield
    }) : () -> ()
    %mul3A_7 = arith.constant 640 : i32
    %mul3A_8 = arith.muli %arg1, %mul3A_7 : i32
    %add3A_9 = arith.constant 128 : i32
    %add3A_10 = arith.addi %mul3A_8, %add3A_9 : i32
    "tpu.region"() ({
      %run_scoped3A = tpu.sem_alloc : memref<!tpu.dma_semaphore, #tpu.memory_space<semaphore_mem>>
      %dma_start3A_91 = arith.constant 0 : i32
      %dma_start3A_92 = tpu.memref_slice %arg12[%add3A_10, %dma_start3A_91] : memref<10240x128xf32, #tpu.memory_space<vmem_shared>> -> memref<128x128xf32, #tpu.memory_space<vmem_shared>>
      %dma_start3A_93 = arith.constant 0 : i32
      %dma_start3A_94 = tpu.memref_slice %arg12[%add3A_10, %dma_start3A_93] : memref<10240x128xf32, #tpu.memory_space<vmem_shared>> -> memref<128x128xf32, #tpu.memory_space<vmem_shared>>
      tpu.enqueue_dma source(%arg10 : memref<128x128xf32, #tpu.memory_space<vmem>>) target(%dma_start3A_94 : memref<128x128xf32, #tpu.memory_space<vmem_shared>>) target_semaphore(%run_scoped3A : memref<!tpu.dma_semaphore, #tpu.memory_space<semaphore_mem>>)
      %dma_wait3A_95 = arith.constant 0 : i32
      %dma_wait3A_96 = tpu.memref_slice %arg12[%add3A_10, %dma_wait3A_95] : memref<10240x128xf32, #tpu.memory_space<vmem_shared>> -> memref<128x128xf32, #tpu.memory_space<vmem_shared>>
      %dma_wait3A_97 = arith.constant 0 : i32
      %dma_wait3A_98 = tpu.memref_slice %arg12[%add3A_10, %dma_wait3A_97] : memref<10240x128xf32, #tpu.memory_space<vmem_shared>> -> memref<128x128xf32, #tpu.memory_space<vmem_shared>>
      tpu.wait_dma2 semaphore(%run_scoped3A : memref<!tpu.dma_semaphore, #tpu.memory_space<semaphore_mem>>) src(%arg10 : memref<128x128xf32, #tpu.memory_space<vmem>>) dst(%dma_wait3A_98 : memref<128x128xf32, #tpu.memory_space<vmem_shared>>)
      tpu.yield
    }) : () -> ()
    %mul3A_11 = arith.constant 640 : i32
    %mul3A_12 = arith.muli %arg1, %mul3A_11 : i32
    %add3A_13 = arith.constant 256 : i32
    %add3A_14 = arith.addi %mul3A_12, %add3A_13 : i32
    "tpu.region"() ({
      %run_scoped3A = tpu.sem_alloc : memref<!tpu.dma_semaphore, #tpu.memory_space<semaphore_mem>>
      %dma_start3A_91 = arith.constant 0 : i32
      %dma_start3A_92 = tpu.memref_slice %arg12[%add3A_14, %dma_start3A_91] : memref<10240x128xf32, #tpu.memory_space<vmem_shared>> -> memref<128x128xf32, #tpu.memory_space<vmem_shared>>
      %dma_start3A_93 = arith.constant 0 : i32
      %dma_start3A_94 = tpu.memref_slice %arg12[%add3A_14, %dma_start3A_93] : memref<10240x128xf32, #tpu.memory_space<vmem_shared>> -> memref<128x128xf32, #tpu.memory_space<vmem_shared>>
      tpu.enqueue_dma source(%arg10 : memref<128x128xf32, #tpu.memory_space<vmem>>) target(%dma_start3A_94 : memref<128x128xf32, #tpu.memory_space<vmem_shared>>) target_semaphore(%run_scoped3A : memref<!tpu.dma_semaphore, #tpu.memory_space<semaphore_mem>>)
      %dma_wait3A_95 = arith.constant 0 : i32
      %dma_wait3A_96 = tpu.memref_slice %arg12[%add3A_14, %dma_wait3A_95] : memref<10240x128xf32, #tpu.memory_space<vmem_shared>> -> memref<128x128xf32, #tpu.memory_space<vmem_shared>>
      %dma_wait3A_97 = arith.constant 0 : i32
      %dma_wait3A_98 = tpu.memref_slice %arg12[%add3A_14, %dma_wait3A_97] : memref<10240x128xf32, #tpu.memory_space<vmem_shared>> -> memref<128x128xf32, #tpu.memory_space<vmem_shared>>
      tpu.wait_dma2 semaphore(%run_scoped3A : memref<!tpu.dma_semaphore, #tpu.memory_space<semaphore_mem>>) src(%arg10 : memref<128x128xf32, #tpu.memory_space<vmem>>) dst(%dma_wait3A_98 : memref<128x128xf32, #tpu.memory_space<vmem_shared>>)
      tpu.yield
    }) : () -> ()
    %mul3A_15 = arith.constant 640 : i32
    %mul3A_16 = arith.muli %arg1, %mul3A_15 : i32
    %add3A_17 = arith.constant 384 : i32
    %add3A_18 = arith.addi %mul3A_16, %add3A_17 : i32
    "tpu.region"() ({
      %run_scoped3A = tpu.sem_alloc : memref<!tpu.dma_semaphore, #tpu.memory_space<semaphore_mem>>
      %dma_start3A_91 = arith.constant 0 : i32
      %dma_start3A_92 = tpu.memref_slice %arg12[%add3A_18, %dma_start3A_91] : memref<10240x128xf32, #tpu.memory_space<vmem_shared>> -> memref<128x128xf32, #tpu.memory_space<vmem_shared>>
      %dma_start3A_93 = arith.constant 0 : i32
      %dma_start3A_94 = tpu.memref_slice %arg12[%add3A_18, %dma_start3A_93] : memref<10240x128xf32, #tpu.memory_space<vmem_shared>> -> memref<128x128xf32, #tpu.memory_space<vmem_shared>>
      tpu.enqueue_dma source(%arg10 : memref<128x128xf32, #tpu.memory_space<vmem>>) target(%dma_start3A_94 : memref<128x128xf32, #tpu.memory_space<vmem_shared>>) target_semaphore(%run_scoped3A : memref<!tpu.dma_semaphore, #tpu.memory_space<semaphore_mem>>)
      %dma_wait3A_95 = arith.constant 0 : i32
      %dma_wait3A_96 = tpu.memref_slice %arg12[%add3A_18, %dma_wait3A_95] : memref<10240x128xf32, #tpu.memory_space<vmem_shared>> -> memref<128x128xf32, #tpu.memory_space<vmem_shared>>
      %dma_wait3A_97 = arith.constant 0 : i32
      %dma_wait3A_98 = tpu.memref_slice %arg12[%add3A_18, %dma_wait3A_97] : memref<10240x128xf32, #tpu.memory_space<vmem_shared>> -> memref<128x128xf32, #tpu.memory_space<vmem_shared>>
      tpu.wait_dma2 semaphore(%run_scoped3A : memref<!tpu.dma_semaphore, #tpu.memory_space<semaphore_mem>>) src(%arg10 : memref<128x128xf32, #tpu.memory_space<vmem>>) dst(%dma_wait3A_98 : memref<128x128xf32, #tpu.memory_space<vmem_shared>>)
      tpu.yield
    }) : () -> ()
    %mul3A_19 = arith.constant 640 : i32
    %mul3A_20 = arith.muli %arg1, %mul3A_19 : i32
    %add3A_21 = arith.constant 512 : i32
    %add3A_22 = arith.addi %mul3A_20, %add3A_21 : i32
    "tpu.region"() ({
      %run_scoped3A = tpu.sem_alloc : memref<!tpu.dma_semaphore, #tpu.memory_space<semaphore_mem>>
      %dma_start3A_91 = arith.constant 0 : i32
      %dma_start3A_92 = tpu.memref_slice %arg12[%add3A_22, %dma_start3A_91] : memref<10240x128xf32, #tpu.memory_space<vmem_shared>> -> memref<128x128xf32, #tpu.memory_space<vmem_shared>>
      %dma_start3A_93 = arith.constant 0 : i32
      %dma_start3A_94 = tpu.memref_slice %arg12[%add3A_22, %dma_start3A_93] : memref<10240x128xf32, #tpu.memory_space<vmem_shared>> -> memref<128x128xf32, #tpu.memory_space<vmem_shared>>
      tpu.enqueue_dma source(%arg10 : memref<128x128xf32, #tpu.memory_space<vmem>>) target(%dma_start3A_94 : memref<128x128xf32, #tpu.memory_space<vmem_shared>>) target_semaphore(%run_scoped3A : memref<!tpu.dma_semaphore, #tpu.memory_space<semaphore_mem>>)
      %dma_wait3A_95 = arith.constant 0 : i32
      %dma_wait3A_96 = tpu.memref_slice %arg12[%add3A_22, %dma_wait3A_95] : memref<10240x128xf32, #tpu.memory_space<vmem_shared>> -> memref<128x128xf32, #tpu.memory_space<vmem_shared>>
      %dma_wait3A_97 = arith.constant 0 : i32
      %dma_wait3A_98 = tpu.memref_slice %arg12[%add3A_22, %dma_wait3A_97] : memref<10240x128xf32, #tpu.memory_space<vmem_shared>> -> memref<128x128xf32, #tpu.memory_space<vmem_shared>>
      tpu.wait_dma2 semaphore(%run_scoped3A : memref<!tpu.dma_semaphore, #tpu.memory_space<semaphore_mem>>) src(%arg10 : memref<128x128xf32, #tpu.memory_space<vmem>>) dst(%dma_wait3A_98 : memref<128x128xf32, #tpu.memory_space<vmem_shared>>)
      tpu.yield
    }) : () -> ()
    %barrier3A = arith.constant 0 : index
    tpu.barrier barrier_id(%barrier3A)
    %add3A_23 = arith.constant 0 : i32
    %add3A_24 = arith.addi %mul3A_2, %add3A_23 : i32
    "tpu.region"() ({
      %run_scoped3A = tpu.sem_alloc : memref<!tpu.dma_semaphore, #tpu.memory_space<semaphore_mem>>
      %dma_start3A_91 = arith.constant 0 : i32
      %dma_start3A_92 = tpu.memref_slice %arg2[%add3A_24, %dma_start3A_91] : memref<2560x128xi32, #tpu.memory_space<hbm>> -> memref<1x128xi32, #tpu.memory_space<hbm>>
      %dma_start3A_93 = arith.constant 0 : i32
      %dma_start3A_94 = tpu.memref_slice %arg2[%add3A_24, %dma_start3A_93] : memref<2560x128xi32, #tpu.memory_space<hbm>> -> memref<1x128xi32, #tpu.memory_space<hbm>>
      tpu.enqueue_dma source(%dma_start3A_94 : memref<1x128xi32, #tpu.memory_space<hbm>>) target(%arg8 : memref<1x128xi32, #tpu.memory_space<vmem>>) target_semaphore(%run_scoped3A : memref<!tpu.dma_semaphore, #tpu.memory_space<semaphore_mem>>)
      %dma_wait3A_95 = arith.constant 0 : i32
      %dma_wait3A_96 = tpu.memref_slice %arg2[%add3A_24, %dma_wait3A_95] : memref<2560x128xi32, #tpu.memory_space<hbm>> -> memref<1x128xi32, #tpu.memory_space<hbm>>
      %dma_wait3A_97 = arith.constant 0 : i32
      %dma_wait3A_98 = tpu.memref_slice %arg2[%add3A_24, %dma_wait3A_97] : memref<2560x128xi32, #tpu.memory_space<hbm>> -> memref<1x128xi32, #tpu.memory_space<hbm>>
      tpu.wait_dma2 semaphore(%run_scoped3A : memref<!tpu.dma_semaphore, #tpu.memory_space<semaphore_mem>>) src(%dma_wait3A_98 : memref<1x128xi32, #tpu.memory_space<hbm>>) dst(%arg8 : memref<1x128xi32, #tpu.memory_space<vmem>>)
      tpu.yield
    }) : () -> ()
    %dma_start3A = arith.constant 0 : i32
    %dma_start3A_25 = arith.constant 0 : i32
    %dma_start3A_26 = tpu.memref_slice %arg8[%dma_start3A, %dma_start3A_25] : memref<1x128xi32, #tpu.memory_space<vmem>> -> memref<1x128xi32, #tpu.memory_space<vmem>>
    %dma_start3A_27 = tpu.memref_squeeze %dma_start3A_26 : memref<1x128xi32, #tpu.memory_space<vmem>> -> memref<128xi32, #tpu.memory_space<vmem>>
    %dma_start3A_28 = arith.constant 0 : i32
    %dma_start3A_29 = arith.constant 0 : i32
    %dma_start3A_30 = tpu.memref_slice %arg4[%dma_start3A_28, %dma_start3A_29] : memref<10000x128xf32, #tpu.memory_space<hbm>> -> memref<10000x128xf32, #tpu.memory_space<hbm>>
    tpu.enqueue_indirect_dma source(%dma_start3A_30 : memref<10000x128xf32, #tpu.memory_space<hbm>>) target(%arg10 : memref<128x128xf32, #tpu.memory_space<vmem>>) offsets(%dma_start3A_27 : memref<128xi32, #tpu.memory_space<vmem>>) semaphore(%arg13 : memref<!tpu.dma_semaphore, #tpu.memory_space<semaphore_mem>>)
    %add3A_31 = arith.constant 1 : i32
    %add3A_32 = arith.addi %mul3A_2, %add3A_31 : i32
    "tpu.region"() ({
      %run_scoped3A = tpu.sem_alloc : memref<!tpu.dma_semaphore, #tpu.memory_space<semaphore_mem>>
      %dma_start3A_91 = arith.constant 0 : i32
      %dma_start3A_92 = tpu.memref_slice %arg2[%add3A_32, %dma_start3A_91] : memref<2560x128xi32, #tpu.memory_space<hbm>> -> memref<1x128xi32, #tpu.memory_space<hbm>>
      %dma_start3A_93 = arith.constant 0 : i32
      %dma_start3A_94 = tpu.memref_slice %arg2[%add3A_32, %dma_start3A_93] : memref<2560x128xi32, #tpu.memory_space<hbm>> -> memref<1x128xi32, #tpu.memory_space<hbm>>
      tpu.enqueue_dma source(%dma_start3A_94 : memref<1x128xi32, #tpu.memory_space<hbm>>) target(%arg9 : memref<1x128xi32, #tpu.memory_space<vmem>>) target_semaphore(%run_scoped3A : memref<!tpu.dma_semaphore, #tpu.memory_space<semaphore_mem>>)
      %dma_wait3A_95 = arith.constant 0 : i32
      %dma_wait3A_96 = tpu.memref_slice %arg2[%add3A_32, %dma_wait3A_95] : memref<2560x128xi32, #tpu.memory_space<hbm>> -> memref<1x128xi32, #tpu.memory_space<hbm>>
      %dma_wait3A_97 = arith.constant 0 : i32
      %dma_wait3A_98 = tpu.memref_slice %arg2[%add3A_32, %dma_wait3A_97] : memref<2560x128xi32, #tpu.memory_space<hbm>> -> memref<1x128xi32, #tpu.memory_space<hbm>>
      tpu.wait_dma2 semaphore(%run_scoped3A : memref<!tpu.dma_semaphore, #tpu.memory_space<semaphore_mem>>) src(%dma_wait3A_98 : memref<1x128xi32, #tpu.memory_space<hbm>>) dst(%arg9 : memref<1x128xi32, #tpu.memory_space<vmem>>)
      tpu.yield
    }) : () -> ()
    %dma_start3A_33 = arith.constant 0 : i32
    %dma_start3A_34 = arith.constant 0 : i32
    %dma_start3A_35 = tpu.memref_slice %arg9[%dma_start3A_33, %dma_start3A_34] : memref<1x128xi32, #tpu.memory_space<vmem>> -> memref<1x128xi32, #tpu.memory_space<vmem>>
    %dma_start3A_36 = tpu.memref_squeeze %dma_start3A_35 : memref<1x128xi32, #tpu.memory_space<vmem>> -> memref<128xi32, #tpu.memory_space<vmem>>
    %dma_start3A_37 = arith.constant 0 : i32
    %dma_start3A_38 = arith.constant 0 : i32
    %dma_start3A_39 = tpu.memref_slice %arg4[%dma_start3A_37, %dma_start3A_38] : memref<10000x128xf32, #tpu.memory_space<hbm>> -> memref<10000x128xf32, #tpu.memory_space<hbm>>
    tpu.enqueue_indirect_dma source(%dma_start3A_39 : memref<10000x128xf32, #tpu.memory_space<hbm>>) target(%arg11 : memref<128x128xf32, #tpu.memory_space<vmem>>) offsets(%dma_start3A_36 : memref<128xi32, #tpu.memory_space<vmem>>) semaphore(%arg14 : memref<!tpu.dma_semaphore, #tpu.memory_space<semaphore_mem>>)
    %scan3A = arith.constant 0 : i32
    %scan3A_40 = arith.constant 0 : i32
    %scan3A_41 = arith.constant 39 : i32
    %scan3A_42 = arith.addi %scan3A_40, %scan3A_41 : i32
    %scan3A_43 = arith.constant 1 : i32
    scf.for %scan3A_91 = %scan3A_40 to %scan3A_42 step %scan3A_43  : i32 {
      %mul3A_92 = arith.constant 2 : i32
      %mul3A_93 = arith.muli %scan3A_91, %mul3A_92 : i32
      %add3A_94 = arith.constant 0 : i32
      %add3A_95 = arith.addi %mul3A_93, %add3A_94 : i32
      %dma_wait3A_96 = arith.constant 0 : i32
      %dma_wait3A_97 = arith.constant 0 : i32
      %dma_wait3A_98 = tpu.memref_slice %arg8[%dma_wait3A_96, %dma_wait3A_97] : memref<1x128xi32, #tpu.memory_space<vmem>> -> memref<1x128xi32, #tpu.memory_space<vmem>>
      %dma_wait3A_99 = tpu.memref_squeeze %dma_wait3A_98 : memref<1x128xi32, #tpu.memory_space<vmem>> -> memref<128xi32, #tpu.memory_space<vmem>>
      %dma_wait3A_100 = arith.constant 0 : i32
      %dma_wait3A_101 = arith.constant 0 : i32
      %dma_wait3A_102 = tpu.memref_slice %arg4[%dma_wait3A_100, %dma_wait3A_101] : memref<10000x128xf32, #tpu.memory_space<hbm>> -> memref<10000x128xf32, #tpu.memory_space<hbm>>
      tpu.wait_indirect_dma semaphore(%arg13 : memref<!tpu.dma_semaphore, #tpu.memory_space<semaphore_mem>>) src(%dma_wait3A_102 : memref<10000x128xf32, #tpu.memory_space<hbm>>) dst(%arg10 : memref<128x128xf32, #tpu.memory_space<vmem>>)
      %add3A_103 = arith.addi %mul3A_2, %add3A_95 : i32
      %add3A_104 = arith.constant 2 : i32
      %add3A_105 = arith.addi %add3A_103, %add3A_104 : i32
      %dma_start3A_106 = arith.constant 0 : i32
      %dma_start3A_107 = tpu.memref_slice %arg2[%add3A_105, %dma_start3A_106] : memref<2560x128xi32, #tpu.memory_space<hbm>> -> memref<1x128xi32, #tpu.memory_space<hbm>>
      %dma_start3A_108 = arith.constant 0 : i32
      %dma_start3A_109 = tpu.memref_slice %arg2[%add3A_105, %dma_start3A_108] : memref<2560x128xi32, #tpu.memory_space<hbm>> -> memref<1x128xi32, #tpu.memory_space<hbm>>
      tpu.enqueue_dma source(%dma_start3A_109 : memref<1x128xi32, #tpu.memory_space<hbm>>) target(%arg8 : memref<1x128xi32, #tpu.memory_space<vmem>>) target_semaphore(%arg15 : memref<!tpu.dma_semaphore, #tpu.memory_space<semaphore_mem>>)
      %dma_start3A_110 = arith.constant 0 : i32
      %dma_start3A_111 = tpu.memref_slice %arg7[%add3A_95, %dma_start3A_110] : memref<80x128xi32, #tpu.memory_space<vmem>> -> memref<1x128xi32, #tpu.memory_space<vmem>>
      %dma_start3A_112 = tpu.memref_squeeze %dma_start3A_111 : memref<1x128xi32, #tpu.memory_space<vmem>> -> memref<128xi32, #tpu.memory_space<vmem>>
      %dma_start3A_113 = arith.constant 0 : i32
      %dma_start3A_114 = arith.constant 0 : i32
      %dma_start3A_115 = tpu.memref_slice %arg12[%dma_start3A_113, %dma_start3A_114] : memref<10240x128xf32, #tpu.memory_space<vmem_shared>> -> memref<10240x128xf32, #tpu.memory_space<vmem_shared>>
      tpu.enqueue_indirect_dma source(%arg10 : memref<128x128xf32, #tpu.memory_space<vmem>>) target(%dma_start3A_115 : memref<10240x128xf32, #tpu.memory_space<vmem_shared>>) offsets(%dma_start3A_112 : memref<128xi32, #tpu.memory_space<vmem>>) semaphore(%arg17 : memref<!tpu.dma_semaphore, #tpu.memory_space<semaphore_mem>>) {add = true}
      %dma_wait3A_116 = arith.constant 0 : i32
      %dma_wait3A_117 = tpu.memref_slice %arg7[%add3A_95, %dma_wait3A_116] : memref<80x128xi32, #tpu.memory_space<vmem>> -> memref<1x128xi32, #tpu.memory_space<vmem>>
      %dma_wait3A_118 = tpu.memref_squeeze %dma_wait3A_117 : memref<1x128xi32, #tpu.memory_space<vmem>> -> memref<128xi32, #tpu.memory_space<vmem>>
      %dma_wait3A_119 = arith.constant 0 : i32
      %dma_wait3A_120 = arith.constant 0 : i32
      %dma_wait3A_121 = tpu.memref_slice %arg12[%dma_wait3A_119, %dma_wait3A_120] : memref<10240x128xf32, #tpu.memory_space<vmem_shared>> -> memref<10240x128xf32, #tpu.memory_space<vmem_shared>>
      tpu.wait_indirect_dma semaphore(%arg17 : memref<!tpu.dma_semaphore, #tpu.memory_space<semaphore_mem>>) src(%arg10 : memref<128x128xf32, #tpu.memory_space<vmem>>) dst(%dma_wait3A_121 : memref<10240x128xf32, #tpu.memory_space<vmem_shared>>)
      %dma_wait3A_122 = arith.constant 0 : i32
      %dma_wait3A_123 = tpu.memref_slice %arg2[%mul3A_2, %dma_wait3A_122] : memref<2560x128xi32, #tpu.memory_space<hbm>> -> memref<1x128xi32, #tpu.memory_space<hbm>>
      %dma_wait3A_124 = arith.constant 0 : i32
      %dma_wait3A_125 = tpu.memref_slice %arg2[%mul3A_2, %dma_wait3A_124] : memref<2560x128xi32, #tpu.memory_space<hbm>> -> memref<1x128xi32, #tpu.memory_space<hbm>>
      tpu.wait_dma2 semaphore(%arg15 : memref<!tpu.dma_semaphore, #tpu.memory_space<semaphore_mem>>) src(%dma_wait3A_125 : memref<1x128xi32, #tpu.memory_space<hbm>>) dst(%arg8 : memref<1x128xi32, #tpu.memory_space<vmem>>)
      %dma_start3A_126 = arith.constant 0 : i32
      %dma_start3A_127 = arith.constant 0 : i32
      %dma_start3A_128 = tpu.memref_slice %arg8[%dma_start3A_126, %dma_start3A_127] : memref<1x128xi32, #tpu.memory_space<vmem>> -> memref<1x128xi32, #tpu.memory_space<vmem>>
      %dma_start3A_129 = tpu.memref_squeeze %dma_start3A_128 : memref<1x128xi32, #tpu.memory_space<vmem>> -> memref<128xi32, #tpu.memory_space<vmem>>
      %dma_start3A_130 = arith.constant 0 : i32
      %dma_start3A_131 = arith.constant 0 : i32
      %dma_start3A_132 = tpu.memref_slice %arg4[%dma_start3A_130, %dma_start3A_131] : memref<10000x128xf32, #tpu.memory_space<hbm>> -> memref<10000x128xf32, #tpu.memory_space<hbm>>
      tpu.enqueue_indirect_dma source(%dma_start3A_132 : memref<10000x128xf32, #tpu.memory_space<hbm>>) target(%arg10 : memref<128x128xf32, #tpu.memory_space<vmem>>) offsets(%dma_start3A_129 : memref<128xi32, #tpu.memory_space<vmem>>) semaphore(%arg13 : memref<!tpu.dma_semaphore, #tpu.memory_space<semaphore_mem>>)
      %mul3A_133 = arith.constant 2 : i32
      %mul3A_134 = arith.muli %scan3A_91, %mul3A_133 : i32
      %add3A_135 = arith.constant 1 : i32
      %add3A_136 = arith.addi %mul3A_134, %add3A_135 : i32
      %dma_wait3A_137 = arith.constant 0 : i32
      %dma_wait3A_138 = arith.constant 0 : i32
      %dma_wait3A_139 = tpu.memref_slice %arg9[%dma_wait3A_137, %dma_wait3A_138] : memref<1x128xi32, #tpu.memory_space<vmem>> -> memref<1x128xi32, #tpu.memory_space<vmem>>
      %dma_wait3A_140 = tpu.memref_squeeze %dma_wait3A_139 : memref<1x128xi32, #tpu.memory_space<vmem>> -> memref<128xi32, #tpu.memory_space<vmem>>
      %dma_wait3A_141 = arith.constant 0 : i32
      %dma_wait3A_142 = arith.constant 0 : i32
      %dma_wait3A_143 = tpu.memref_slice %arg4[%dma_wait3A_141, %dma_wait3A_142] : memref<10000x128xf32, #tpu.memory_space<hbm>> -> memref<10000x128xf32, #tpu.memory_space<hbm>>
      tpu.wait_indirect_dma semaphore(%arg14 : memref<!tpu.dma_semaphore, #tpu.memory_space<semaphore_mem>>) src(%dma_wait3A_143 : memref<10000x128xf32, #tpu.memory_space<hbm>>) dst(%arg11 : memref<128x128xf32, #tpu.memory_space<vmem>>)
      %add3A_144 = arith.addi %mul3A_2, %add3A_136 : i32
      %add3A_145 = arith.constant 2 : i32
      %add3A_146 = arith.addi %add3A_144, %add3A_145 : i32
      %dma_start3A_147 = arith.constant 0 : i32
      %dma_start3A_148 = tpu.memref_slice %arg2[%add3A_146, %dma_start3A_147] : memref<2560x128xi32, #tpu.memory_space<hbm>> -> memref<1x128xi32, #tpu.memory_space<hbm>>
      %dma_start3A_149 = arith.constant 0 : i32
      %dma_start3A_150 = tpu.memref_slice %arg2[%add3A_146, %dma_start3A_149] : memref<2560x128xi32, #tpu.memory_space<hbm>> -> memref<1x128xi32, #tpu.memory_space<hbm>>
      tpu.enqueue_dma source(%dma_start3A_150 : memref<1x128xi32, #tpu.memory_space<hbm>>) target(%arg9 : memref<1x128xi32, #tpu.memory_space<vmem>>) target_semaphore(%arg16 : memref<!tpu.dma_semaphore, #tpu.memory_space<semaphore_mem>>)
      %dma_start3A_151 = arith.constant 0 : i32
      %dma_start3A_152 = tpu.memref_slice %arg7[%add3A_136, %dma_start3A_151] : memref<80x128xi32, #tpu.memory_space<vmem>> -> memref<1x128xi32, #tpu.memory_space<vmem>>
      %dma_start3A_153 = tpu.memref_squeeze %dma_start3A_152 : memref<1x128xi32, #tpu.memory_space<vmem>> -> memref<128xi32, #tpu.memory_space<vmem>>
      %dma_start3A_154 = arith.constant 0 : i32
      %dma_start3A_155 = arith.constant 0 : i32
      %dma_start3A_156 = tpu.memref_slice %arg12[%dma_start3A_154, %dma_start3A_155] : memref<10240x128xf32, #tpu.memory_space<vmem_shared>> -> memref<10240x128xf32, #tpu.memory_space<vmem_shared>>
      tpu.enqueue_indirect_dma source(%arg11 : memref<128x128xf32, #tpu.memory_space<vmem>>) target(%dma_start3A_156 : memref<10240x128xf32, #tpu.memory_space<vmem_shared>>) offsets(%dma_start3A_153 : memref<128xi32, #tpu.memory_space<vmem>>) semaphore(%arg18 : memref<!tpu.dma_semaphore, #tpu.memory_space<semaphore_mem>>) {add = true}
      %dma_wait3A_157 = arith.constant 0 : i32
      %dma_wait3A_158 = tpu.memref_slice %arg7[%add3A_136, %dma_wait3A_157] : memref<80x128xi32, #tpu.memory_space<vmem>> -> memref<1x128xi32, #tpu.memory_space<vmem>>
      %dma_wait3A_159 = tpu.memref_squeeze %dma_wait3A_158 : memref<1x128xi32, #tpu.memory_space<vmem>> -> memref<128xi32, #tpu.memory_space<vmem>>
      %dma_wait3A_160 = arith.constant 0 : i32
      %dma_wait3A_161 = arith.constant 0 : i32
      %dma_wait3A_162 = tpu.memref_slice %arg12[%dma_wait3A_160, %dma_wait3A_161] : memref<10240x128xf32, #tpu.memory_space<vmem_shared>> -> memref<10240x128xf32, #tpu.memory_space<vmem_shared>>
      tpu.wait_indirect_dma semaphore(%arg18 : memref<!tpu.dma_semaphore, #tpu.memory_space<semaphore_mem>>) src(%arg11 : memref<128x128xf32, #tpu.memory_space<vmem>>) dst(%dma_wait3A_162 : memref<10240x128xf32, #tpu.memory_space<vmem_shared>>)
      %dma_wait3A_163 = arith.constant 0 : i32
      %dma_wait3A_164 = tpu.memref_slice %arg2[%mul3A_2, %dma_wait3A_163] : memref<2560x128xi32, #tpu.memory_space<hbm>> -> memref<1x128xi32, #tpu.memory_space<hbm>>
      %dma_wait3A_165 = arith.constant 0 : i32
      %dma_wait3A_166 = tpu.memref_slice %arg2[%mul3A_2, %dma_wait3A_165] : memref<2560x128xi32, #tpu.memory_space<hbm>> -> memref<1x128xi32, #tpu.memory_space<hbm>>
      tpu.wait_dma2 semaphore(%arg16 : memref<!tpu.dma_semaphore, #tpu.memory_space<semaphore_mem>>) src(%dma_wait3A_166 : memref<1x128xi32, #tpu.memory_space<hbm>>) dst(%arg9 : memref<1x128xi32, #tpu.memory_space<vmem>>)
      %dma_start3A_167 = arith.constant 0 : i32
      %dma_start3A_168 = arith.constant 0 : i32
      %dma_start3A_169 = tpu.memref_slice %arg9[%dma_start3A_167, %dma_start3A_168] : memref<1x128xi32, #tpu.memory_space<vmem>> -> memref<1x128xi32, #tpu.memory_space<vmem>>
      %dma_start3A_170 = tpu.memref_squeeze %dma_start3A_169 : memref<1x128xi32, #tpu.memory_space<vmem>> -> memref<128xi32, #tpu.memory_space<vmem>>
      %dma_start3A_171 = arith.constant 0 : i32
      %dma_start3A_172 = arith.constant 0 : i32
      %dma_start3A_173 = tpu.memref_slice %arg4[%dma_start3A_171, %dma_start3A_172] : memref<10000x128xf32, #tpu.memory_space<hbm>> -> memref<10000x128xf32, #tpu.memory_space<hbm>>
      tpu.enqueue_indirect_dma source(%dma_start3A_173 : memref<10000x128xf32, #tpu.memory_space<hbm>>) target(%arg11 : memref<128x128xf32, #tpu.memory_space<vmem>>) offsets(%dma_start3A_170 : memref<128xi32, #tpu.memory_space<vmem>>) semaphore(%arg14 : memref<!tpu.dma_semaphore, #tpu.memory_space<semaphore_mem>>)
    }
    %scan3A_44 = arith.constant 39 : i32
    %dma_wait3A = arith.constant 0 : i32
    %dma_wait3A_45 = arith.constant 0 : i32
    %dma_wait3A_46 = tpu.memref_slice %arg8[%dma_wait3A, %dma_wait3A_45] : memref<1x128xi32, #tpu.memory_space<vmem>> -> memref<1x128xi32, #tpu.memory_space<vmem>>
    %dma_wait3A_47 = tpu.memref_squeeze %dma_wait3A_46 : memref<1x128xi32, #tpu.memory_space<vmem>> -> memref<128xi32, #tpu.memory_space<vmem>>
    %dma_wait3A_48 = arith.constant 0 : i32
    %dma_wait3A_49 = arith.constant 0 : i32
    %dma_wait3A_50 = tpu.memref_slice %arg4[%dma_wait3A_48, %dma_wait3A_49] : memref<10000x128xf32, #tpu.memory_space<hbm>> -> memref<10000x128xf32, #tpu.memory_space<hbm>>
    tpu.wait_indirect_dma semaphore(%arg13 : memref<!tpu.dma_semaphore, #tpu.memory_space<semaphore_mem>>) src(%dma_wait3A_50 : memref<10000x128xf32, #tpu.memory_space<hbm>>) dst(%arg10 : memref<128x128xf32, #tpu.memory_space<vmem>>)
    %dma_start3A_51 = arith.constant 78 : i32
    %dma_start3A_52 = arith.constant 0 : i32
    %dma_start3A_53 = tpu.memref_slice %arg7[%dma_start3A_51, %dma_start3A_52] : memref<80x128xi32, #tpu.memory_space<vmem>> -> memref<1x128xi32, #tpu.memory_space<vmem>>
    %dma_start3A_54 = tpu.memref_squeeze %dma_start3A_53 : memref<1x128xi32, #tpu.memory_space<vmem>> -> memref<128xi32, #tpu.memory_space<vmem>>
    %dma_start3A_55 = arith.constant 0 : i32
    %dma_start3A_56 = arith.constant 0 : i32
    %dma_start3A_57 = tpu.memref_slice %arg12[%dma_start3A_55, %dma_start3A_56] : memref<10240x128xf32, #tpu.memory_space<vmem_shared>> -> memref<10240x128xf32, #tpu.memory_space<vmem_shared>>
    tpu.enqueue_indirect_dma source(%arg10 : memref<128x128xf32, #tpu.memory_space<vmem>>) target(%dma_start3A_57 : memref<10240x128xf32, #tpu.memory_space<vmem_shared>>) offsets(%dma_start3A_54 : memref<128xi32, #tpu.memory_space<vmem>>) semaphore(%arg17 : memref<!tpu.dma_semaphore, #tpu.memory_space<semaphore_mem>>) {add = true}
    %dma_wait3A_58 = arith.constant 0 : i32
    %dma_wait3A_59 = arith.constant 0 : i32
    %dma_wait3A_60 = tpu.memref_slice %arg9[%dma_wait3A_58, %dma_wait3A_59] : memref<1x128xi32, #tpu.memory_space<vmem>> -> memref<1x128xi32, #tpu.memory_space<vmem>>
    %dma_wait3A_61 = tpu.memref_squeeze %dma_wait3A_60 : memref<1x128xi32, #tpu.memory_space<vmem>> -> memref<128xi32, #tpu.memory_space<vmem>>
    %dma_wait3A_62 = arith.constant 0 : i32
    %dma_wait3A_63 = arith.constant 0 : i32
    %dma_wait3A_64 = tpu.memref_slice %arg4[%dma_wait3A_62, %dma_wait3A_63] : memref<10000x128xf32, #tpu.memory_space<hbm>> -> memref<10000x128xf32, #tpu.memory_space<hbm>>
    tpu.wait_indirect_dma semaphore(%arg14 : memref<!tpu.dma_semaphore, #tpu.memory_space<semaphore_mem>>) src(%dma_wait3A_64 : memref<10000x128xf32, #tpu.memory_space<hbm>>) dst(%arg11 : memref<128x128xf32, #tpu.memory_space<vmem>>)
    %dma_start3A_65 = arith.constant 79 : i32
    %dma_start3A_66 = arith.constant 0 : i32
    %dma_start3A_67 = tpu.memref_slice %arg7[%dma_start3A_65, %dma_start3A_66] : memref<80x128xi32, #tpu.memory_space<vmem>> -> memref<1x128xi32, #tpu.memory_space<vmem>>
    %dma_start3A_68 = tpu.memref_squeeze %dma_start3A_67 : memref<1x128xi32, #tpu.memory_space<vmem>> -> memref<128xi32, #tpu.memory_space<vmem>>
    %dma_start3A_69 = arith.constant 0 : i32
    %dma_start3A_70 = arith.constant 0 : i32
    %dma_start3A_71 = tpu.memref_slice %arg12[%dma_start3A_69, %dma_start3A_70] : memref<10240x128xf32, #tpu.memory_space<vmem_shared>> -> memref<10240x128xf32, #tpu.memory_space<vmem_shared>>
    tpu.enqueue_indirect_dma source(%arg11 : memref<128x128xf32, #tpu.memory_space<vmem>>) target(%dma_start3A_71 : memref<10240x128xf32, #tpu.memory_space<vmem_shared>>) offsets(%dma_start3A_68 : memref<128xi32, #tpu.memory_space<vmem>>) semaphore(%arg18 : memref<!tpu.dma_semaphore, #tpu.memory_space<semaphore_mem>>) {add = true}
    %dma_wait3A_72 = arith.constant 78 : i32
    %dma_wait3A_73 = arith.constant 0 : i32
    %dma_wait3A_74 = tpu.memref_slice %arg7[%dma_wait3A_72, %dma_wait3A_73] : memref<80x128xi32, #tpu.memory_space<vmem>> -> memref<1x128xi32, #tpu.memory_space<vmem>>
    %dma_wait3A_75 = tpu.memref_squeeze %dma_wait3A_74 : memref<1x128xi32, #tpu.memory_space<vmem>> -> memref<128xi32, #tpu.memory_space<vmem>>
    %dma_wait3A_76 = arith.constant 0 : i32
    %dma_wait3A_77 = arith.constant 0 : i32
    %dma_wait3A_78 = tpu.memref_slice %arg12[%dma_wait3A_76, %dma_wait3A_77] : memref<10240x128xf32, #tpu.memory_space<vmem_shared>> -> memref<10240x128xf32, #tpu.memory_space<vmem_shared>>
    tpu.wait_indirect_dma semaphore(%arg17 : memref<!tpu.dma_semaphore, #tpu.memory_space<semaphore_mem>>) src(%arg10 : memref<128x128xf32, #tpu.memory_space<vmem>>) dst(%dma_wait3A_78 : memref<10240x128xf32, #tpu.memory_space<vmem_shared>>)
    %dma_wait3A_79 = arith.constant 79 : i32
    %dma_wait3A_80 = arith.constant 0 : i32
    %dma_wait3A_81 = tpu.memref_slice %arg7[%dma_wait3A_79, %dma_wait3A_80] : memref<80x128xi32, #tpu.memory_space<vmem>> -> memref<1x128xi32, #tpu.memory_space<vmem>>
    %dma_wait3A_82 = tpu.memref_squeeze %dma_wait3A_81 : memref<1x128xi32, #tpu.memory_space<vmem>> -> memref<128xi32, #tpu.memory_space<vmem>>
    %dma_wait3A_83 = arith.constant 0 : i32
    %dma_wait3A_84 = arith.constant 0 : i32
    %dma_wait3A_85 = tpu.memref_slice %arg12[%dma_wait3A_83, %dma_wait3A_84] : memref<10240x128xf32, #tpu.memory_space<vmem_shared>> -> memref<10240x128xf32, #tpu.memory_space<vmem_shared>>
    tpu.wait_indirect_dma semaphore(%arg18 : memref<!tpu.dma_semaphore, #tpu.memory_space<semaphore_mem>>) src(%arg11 : memref<128x128xf32, #tpu.memory_space<vmem>>) dst(%dma_wait3A_85 : memref<10240x128xf32, #tpu.memory_space<vmem_shared>>)
    %barrier3A_86 = arith.constant 0 : index
    tpu.barrier barrier_id(%barrier3A_86)
    %mul3A_87 = arith.constant 640 : i32
    %mul3A_88 = arith.muli %arg1, %mul3A_87 : i32
    %mul3A_89 = arith.constant 640 : i32
    %mul3A_90 = arith.muli %arg1, %mul3A_89 : i32
    "tpu.region"() ({
      %run_scoped3A = tpu.sem_alloc : memref<!tpu.dma_semaphore, #tpu.memory_space<semaphore_mem>>
      %dma_start3A_91 = arith.constant 0 : i32
      %dma_start3A_92 = tpu.memref_slice %arg6[%arg0, %mul3A_90, %dma_start3A_91] : memref<2x10240x128xf32, #tpu.memory_space<hbm>> -> memref<1x640x128xf32, #tpu.memory_space<hbm>>
      %dma_start3A_93 = tpu.memref_squeeze %dma_start3A_92 : memref<1x640x128xf32, #tpu.memory_space<hbm>> -> memref<640x128xf32, #tpu.memory_space<hbm>>
      %dma_start3A_94 = arith.constant 0 : i32
      %dma_start3A_95 = tpu.memref_slice %arg12[%mul3A_88, %dma_start3A_94] : memref<10240x128xf32, #tpu.memory_space<vmem_shared>> -> memref<640x128xf32, #tpu.memory_space<vmem_shared>>
      tpu.enqueue_dma source(%dma_start3A_95 : memref<640x128xf32, #tpu.memory_space<vmem_shared>>) target(%dma_start3A_93 : memref<640x128xf32, #tpu.memory_space<hbm>>) target_semaphore(%run_scoped3A : memref<!tpu.dma_semaphore, #tpu.memory_space<semaphore_mem>>)
      %dma_wait3A_96 = arith.constant 0 : i32
      %dma_wait3A_97 = tpu.memref_slice %arg6[%arg0, %mul3A_90, %dma_wait3A_96] : memref<2x10240x128xf32, #tpu.memory_space<hbm>> -> memref<1x640x128xf32, #tpu.memory_space<hbm>>
      %dma_wait3A_98 = tpu.memref_squeeze %dma_wait3A_97 : memref<1x640x128xf32, #tpu.memory_space<hbm>> -> memref<640x128xf32, #tpu.memory_space<hbm>>
      %dma_wait3A_99 = arith.constant 0 : i32
      %dma_wait3A_100 = tpu.memref_slice %arg12[%mul3A_88, %dma_wait3A_99] : memref<10240x128xf32, #tpu.memory_space<vmem_shared>> -> memref<640x128xf32, #tpu.memory_space<vmem_shared>>
      tpu.wait_dma2 semaphore(%run_scoped3A : memref<!tpu.dma_semaphore, #tpu.memory_space<semaphore_mem>>) src(%dma_wait3A_100 : memref<640x128xf32, #tpu.memory_space<vmem_shared>>) dst(%dma_wait3A_98 : memref<640x128xf32, #tpu.memory_space<hbm>>)
      tpu.yield
    }) : () -> ()
    return
  }
}

#map = affine_map<(d0, d1) -> (0, 0)>
#map1 = affine_map<(d0, d1) -> (0, 0, 0)>
module attributes {stable_mosaic.version = 14 : i64} {
  func.func @_sc_agg_body(%arg0: i32, %arg1: i32, %arg2: memref<2560x128xi32, #tpu.memory_space<hbm>>, %arg3: memref<2560x128xi32, #tpu.memory_space<hbm>>, %arg4: memref<10000x128xf32, #tpu.memory_space<hbm>>, %arg5: memref<128x128xf32, #tpu.memory_space<hbm>>, %arg6: memref<2x10240x128xf32, #tpu.memory_space<hbm>>, %arg7: memref<80x128xi32, #tpu.memory_space<vmem>>, %arg8: memref<1x128xi32, #tpu.memory_space<vmem>>, %arg9: memref<1x128xi32, #tpu.memory_space<vmem>>, %arg10: memref<128x128xf32, #tpu.memory_space<vmem>>, %arg11: memref<128x128xf32, #tpu.memory_space<vmem>>, %arg12: memref<10240x128xf32, #tpu.memory_space<vmem_shared>>, %arg13: memref<!tpu.dma_semaphore, #tpu.memory_space<semaphore_mem>>, %arg14: memref<!tpu.dma_semaphore, #tpu.memory_space<semaphore_mem>>, %arg15: memref<!tpu.dma_semaphore, #tpu.memory_space<semaphore_mem>>, %arg16: memref<!tpu.dma_semaphore, #tpu.memory_space<semaphore_mem>>, %arg17: memref<!tpu.dma_semaphore, #tpu.memory_space<semaphore_mem>>, %arg18: memref<!tpu.dma_semaphore, #tpu.memory_space<semaphore_mem>>) attributes {dimension_semantics = [#tpu.dimension_semantics<core_parallel>, #tpu.dimension_semantics<subcore_parallel>], iteration_bounds = array<i64: 2, 16>, scalar_prefetch = 0 : i64, scratch_operands = 12 : i64, tpu.core_type = #tpu.core_type<sc_vector_subcore>, window_params = [{transform_indices = #map}, {transform_indices = #map}, {transform_indices = #map}, {transform_indices = #map}, {transform_indices = #map1}]} {
    %mul3A = arith.constant 2 : i32
    %mul3A_0 = arith.muli %arg1, %mul3A : i32
    %add3A = arith.addi %mul3A_0, %arg0 : i32
    %mul3A_1 = arith.constant 80 : i32
    %mul3A_2 = arith.muli %add3A, %mul3A_1 : i32
    "tpu.region"() ({
      %run_scoped3A = tpu.sem_alloc : memref<!tpu.dma_semaphore, #tpu.memory_space<semaphore_mem>>
      %dma_start3A_91 = arith.constant 0 : i32
      %dma_start3A_92 = tpu.memref_slice %arg3[%mul3A_2, %dma_start3A_91] : memref<2560x128xi32, #tpu.memory_space<hbm>> -> memref<80x128xi32, #tpu.memory_space<hbm>>
      %dma_start3A_93 = arith.constant 0 : i32
      %dma_start3A_94 = tpu.memref_slice %arg3[%mul3A_2, %dma_start3A_93] : memref<2560x128xi32, #tpu.memory_space<hbm>> -> memref<80x128xi32, #tpu.memory_space<hbm>>
      tpu.enqueue_dma source(%dma_start3A_94 : memref<80x128xi32, #tpu.memory_space<hbm>>) target(%arg7 : memref<80x128xi32, #tpu.memory_space<vmem>>) target_semaphore(%run_scoped3A : memref<!tpu.dma_semaphore, #tpu.memory_space<semaphore_mem>>)
      %dma_wait3A_95 = arith.constant 0 : i32
      %dma_wait3A_96 = tpu.memref_slice %arg3[%mul3A_2, %dma_wait3A_95] : memref<2560x128xi32, #tpu.memory_space<hbm>> -> memref<80x128xi32, #tpu.memory_space<hbm>>
      %dma_wait3A_97 = arith.constant 0 : i32
      %dma_wait3A_98 = tpu.memref_slice %arg3[%mul3A_2, %dma_wait3A_97] : memref<2560x128xi32, #tpu.memory_space<hbm>> -> memref<80x128xi32, #tpu.memory_space<hbm>>
      tpu.wait_dma2 semaphore(%run_scoped3A : memref<!tpu.dma_semaphore, #tpu.memory_space<semaphore_mem>>) src(%dma_wait3A_98 : memref<80x128xi32, #tpu.memory_space<hbm>>) dst(%arg7 : memref<80x128xi32, #tpu.memory_space<vmem>>)
      tpu.yield
    }) : () -> ()
    "tpu.region"() ({
      %run_scoped3A = tpu.sem_alloc : memref<!tpu.dma_semaphore, #tpu.memory_space<semaphore_mem>>
      tpu.enqueue_dma source(%arg5 : memref<128x128xf32, #tpu.memory_space<hbm>>) target(%arg10 : memref<128x128xf32, #tpu.memory_space<vmem>>) target_semaphore(%run_scoped3A : memref<!tpu.dma_semaphore, #tpu.memory_space<semaphore_mem>>)
      tpu.wait_dma2 semaphore(%run_scoped3A : memref<!tpu.dma_semaphore, #tpu.memory_space<semaphore_mem>>) src(%arg5 : memref<128x128xf32, #tpu.memory_space<hbm>>) dst(%arg10 : memref<128x128xf32, #tpu.memory_space<vmem>>)
      tpu.yield
    }) : () -> ()
    %mul3A_3 = arith.constant 640 : i32
    %mul3A_4 = arith.muli %arg1, %mul3A_3 : i32
    %add3A_5 = arith.constant 0 : i32
    %add3A_6 = arith.addi %mul3A_4, %add3A_5 : i32
    "tpu.region"() ({
      %run_scoped3A = tpu.sem_alloc : memref<!tpu.dma_semaphore, #tpu.memory_space<semaphore_mem>>
      %dma_start3A_91 = arith.constant 0 : i32
      %dma_start3A_92 = tpu.memref_slice %arg12[%add3A_6, %dma_start3A_91] : memref<10240x128xf32, #tpu.memory_space<vmem_shared>> -> memref<128x128xf32, #tpu.memory_space<vmem_shared>>
      %dma_start3A_93 = arith.constant 0 : i32
      %dma_start3A_94 = tpu.memref_slice %arg12[%add3A_6, %dma_start3A_93] : memref<10240x128xf32, #tpu.memory_space<vmem_shared>> -> memref<128x128xf32, #tpu.memory_space<vmem_shared>>
      tpu.enqueue_dma source(%arg10 : memref<128x128xf32, #tpu.memory_space<vmem>>) target(%dma_start3A_94 : memref<128x128xf32, #tpu.memory_space<vmem_shared>>) target_semaphore(%run_scoped3A : memref<!tpu.dma_semaphore, #tpu.memory_space<semaphore_mem>>)
      %dma_wait3A_95 = arith.constant 0 : i32
      %dma_wait3A_96 = tpu.memref_slice %arg12[%add3A_6, %dma_wait3A_95] : memref<10240x128xf32, #tpu.memory_space<vmem_shared>> -> memref<128x128xf32, #tpu.memory_space<vmem_shared>>
      %dma_wait3A_97 = arith.constant 0 : i32
      %dma_wait3A_98 = tpu.memref_slice %arg12[%add3A_6, %dma_wait3A_97] : memref<10240x128xf32, #tpu.memory_space<vmem_shared>> -> memref<128x128xf32, #tpu.memory_space<vmem_shared>>
      tpu.wait_dma2 semaphore(%run_scoped3A : memref<!tpu.dma_semaphore, #tpu.memory_space<semaphore_mem>>) src(%arg10 : memref<128x128xf32, #tpu.memory_space<vmem>>) dst(%dma_wait3A_98 : memref<128x128xf32, #tpu.memory_space<vmem_shared>>)
      tpu.yield
    }) : () -> ()
    %mul3A_7 = arith.constant 640 : i32
    %mul3A_8 = arith.muli %arg1, %mul3A_7 : i32
    %add3A_9 = arith.constant 128 : i32
    %add3A_10 = arith.addi %mul3A_8, %add3A_9 : i32
    "tpu.region"() ({
      %run_scoped3A = tpu.sem_alloc : memref<!tpu.dma_semaphore, #tpu.memory_space<semaphore_mem>>
      %dma_start3A_91 = arith.constant 0 : i32
      %dma_start3A_92 = tpu.memref_slice %arg12[%add3A_10, %dma_start3A_91] : memref<10240x128xf32, #tpu.memory_space<vmem_shared>> -> memref<128x128xf32, #tpu.memory_space<vmem_shared>>
      %dma_start3A_93 = arith.constant 0 : i32
      %dma_start3A_94 = tpu.memref_slice %arg12[%add3A_10, %dma_start3A_93] : memref<10240x128xf32, #tpu.memory_space<vmem_shared>> -> memref<128x128xf32, #tpu.memory_space<vmem_shared>>
      tpu.enqueue_dma source(%arg10 : memref<128x128xf32, #tpu.memory_space<vmem>>) target(%dma_start3A_94 : memref<128x128xf32, #tpu.memory_space<vmem_shared>>) target_semaphore(%run_scoped3A : memref<!tpu.dma_semaphore, #tpu.memory_space<semaphore_mem>>)
      %dma_wait3A_95 = arith.constant 0 : i32
      %dma_wait3A_96 = tpu.memref_slice %arg12[%add3A_10, %dma_wait3A_95] : memref<10240x128xf32, #tpu.memory_space<vmem_shared>> -> memref<128x128xf32, #tpu.memory_space<vmem_shared>>
      %dma_wait3A_97 = arith.constant 0 : i32
      %dma_wait3A_98 = tpu.memref_slice %arg12[%add3A_10, %dma_wait3A_97] : memref<10240x128xf32, #tpu.memory_space<vmem_shared>> -> memref<128x128xf32, #tpu.memory_space<vmem_shared>>
      tpu.wait_dma2 semaphore(%run_scoped3A : memref<!tpu.dma_semaphore, #tpu.memory_space<semaphore_mem>>) src(%arg10 : memref<128x128xf32, #tpu.memory_space<vmem>>) dst(%dma_wait3A_98 : memref<128x128xf32, #tpu.memory_space<vmem_shared>>)
      tpu.yield
    }) : () -> ()
    %mul3A_11 = arith.constant 640 : i32
    %mul3A_12 = arith.muli %arg1, %mul3A_11 : i32
    %add3A_13 = arith.constant 256 : i32
    %add3A_14 = arith.addi %mul3A_12, %add3A_13 : i32
    "tpu.region"() ({
      %run_scoped3A = tpu.sem_alloc : memref<!tpu.dma_semaphore, #tpu.memory_space<semaphore_mem>>
      %dma_start3A_91 = arith.constant 0 : i32
      %dma_start3A_92 = tpu.memref_slice %arg12[%add3A_14, %dma_start3A_91] : memref<10240x128xf32, #tpu.memory_space<vmem_shared>> -> memref<128x128xf32, #tpu.memory_space<vmem_shared>>
      %dma_start3A_93 = arith.constant 0 : i32
      %dma_start3A_94 = tpu.memref_slice %arg12[%add3A_14, %dma_start3A_93] : memref<10240x128xf32, #tpu.memory_space<vmem_shared>> -> memref<128x128xf32, #tpu.memory_space<vmem_shared>>
      tpu.enqueue_dma source(%arg10 : memref<128x128xf32, #tpu.memory_space<vmem>>) target(%dma_start3A_94 : memref<128x128xf32, #tpu.memory_space<vmem_shared>>) target_semaphore(%run_scoped3A : memref<!tpu.dma_semaphore, #tpu.memory_space<semaphore_mem>>)
      %dma_wait3A_95 = arith.constant 0 : i32
      %dma_wait3A_96 = tpu.memref_slice %arg12[%add3A_14, %dma_wait3A_95] : memref<10240x128xf32, #tpu.memory_space<vmem_shared>> -> memref<128x128xf32, #tpu.memory_space<vmem_shared>>
      %dma_wait3A_97 = arith.constant 0 : i32
      %dma_wait3A_98 = tpu.memref_slice %arg12[%add3A_14, %dma_wait3A_97] : memref<10240x128xf32, #tpu.memory_space<vmem_shared>> -> memref<128x128xf32, #tpu.memory_space<vmem_shared>>
      tpu.wait_dma2 semaphore(%run_scoped3A : memref<!tpu.dma_semaphore, #tpu.memory_space<semaphore_mem>>) src(%arg10 : memref<128x128xf32, #tpu.memory_space<vmem>>) dst(%dma_wait3A_98 : memref<128x128xf32, #tpu.memory_space<vmem_shared>>)
      tpu.yield
    }) : () -> ()
    %mul3A_15 = arith.constant 640 : i32
    %mul3A_16 = arith.muli %arg1, %mul3A_15 : i32
    %add3A_17 = arith.constant 384 : i32
    %add3A_18 = arith.addi %mul3A_16, %add3A_17 : i32
    "tpu.region"() ({
      %run_scoped3A = tpu.sem_alloc : memref<!tpu.dma_semaphore, #tpu.memory_space<semaphore_mem>>
      %dma_start3A_91 = arith.constant 0 : i32
      %dma_start3A_92 = tpu.memref_slice %arg12[%add3A_18, %dma_start3A_91] : memref<10240x128xf32, #tpu.memory_space<vmem_shared>> -> memref<128x128xf32, #tpu.memory_space<vmem_shared>>
      %dma_start3A_93 = arith.constant 0 : i32
      %dma_start3A_94 = tpu.memref_slice %arg12[%add3A_18, %dma_start3A_93] : memref<10240x128xf32, #tpu.memory_space<vmem_shared>> -> memref<128x128xf32, #tpu.memory_space<vmem_shared>>
      tpu.enqueue_dma source(%arg10 : memref<128x128xf32, #tpu.memory_space<vmem>>) target(%dma_start3A_94 : memref<128x128xf32, #tpu.memory_space<vmem_shared>>) target_semaphore(%run_scoped3A : memref<!tpu.dma_semaphore, #tpu.memory_space<semaphore_mem>>)
      %dma_wait3A_95 = arith.constant 0 : i32
      %dma_wait3A_96 = tpu.memref_slice %arg12[%add3A_18, %dma_wait3A_95] : memref<10240x128xf32, #tpu.memory_space<vmem_shared>> -> memref<128x128xf32, #tpu.memory_space<vmem_shared>>
      %dma_wait3A_97 = arith.constant 0 : i32
      %dma_wait3A_98 = tpu.memref_slice %arg12[%add3A_18, %dma_wait3A_97] : memref<10240x128xf32, #tpu.memory_space<vmem_shared>> -> memref<128x128xf32, #tpu.memory_space<vmem_shared>>
      tpu.wait_dma2 semaphore(%run_scoped3A : memref<!tpu.dma_semaphore, #tpu.memory_space<semaphore_mem>>) src(%arg10 : memref<128x128xf32, #tpu.memory_space<vmem>>) dst(%dma_wait3A_98 : memref<128x128xf32, #tpu.memory_space<vmem_shared>>)
      tpu.yield
    }) : () -> ()
    %mul3A_19 = arith.constant 640 : i32
    %mul3A_20 = arith.muli %arg1, %mul3A_19 : i32
    %add3A_21 = arith.constant 512 : i32
    %add3A_22 = arith.addi %mul3A_20, %add3A_21 : i32
    "tpu.region"() ({
      %run_scoped3A = tpu.sem_alloc : memref<!tpu.dma_semaphore, #tpu.memory_space<semaphore_mem>>
      %dma_start3A_91 = arith.constant 0 : i32
      %dma_start3A_92 = tpu.memref_slice %arg12[%add3A_22, %dma_start3A_91] : memref<10240x128xf32, #tpu.memory_space<vmem_shared>> -> memref<128x128xf32, #tpu.memory_space<vmem_shared>>
      %dma_start3A_93 = arith.constant 0 : i32
      %dma_start3A_94 = tpu.memref_slice %arg12[%add3A_22, %dma_start3A_93] : memref<10240x128xf32, #tpu.memory_space<vmem_shared>> -> memref<128x128xf32, #tpu.memory_space<vmem_shared>>
      tpu.enqueue_dma source(%arg10 : memref<128x128xf32, #tpu.memory_space<vmem>>) target(%dma_start3A_94 : memref<128x128xf32, #tpu.memory_space<vmem_shared>>) target_semaphore(%run_scoped3A : memref<!tpu.dma_semaphore, #tpu.memory_space<semaphore_mem>>)
      %dma_wait3A_95 = arith.constant 0 : i32
      %dma_wait3A_96 = tpu.memref_slice %arg12[%add3A_22, %dma_wait3A_95] : memref<10240x128xf32, #tpu.memory_space<vmem_shared>> -> memref<128x128xf32, #tpu.memory_space<vmem_shared>>
      %dma_wait3A_97 = arith.constant 0 : i32
      %dma_wait3A_98 = tpu.memref_slice %arg12[%add3A_22, %dma_wait3A_97] : memref<10240x128xf32, #tpu.memory_space<vmem_shared>> -> memref<128x128xf32, #tpu.memory_space<vmem_shared>>
      tpu.wait_dma2 semaphore(%run_scoped3A : memref<!tpu.dma_semaphore, #tpu.memory_space<semaphore_mem>>) src(%arg10 : memref<128x128xf32, #tpu.memory_space<vmem>>) dst(%dma_wait3A_98 : memref<128x128xf32, #tpu.memory_space<vmem_shared>>)
      tpu.yield
    }) : () -> ()
    %barrier3A = arith.constant 0 : index
    tpu.barrier barrier_id(%barrier3A)
    %add3A_23 = arith.constant 0 : i32
    %add3A_24 = arith.addi %mul3A_2, %add3A_23 : i32
    "tpu.region"() ({
      %run_scoped3A = tpu.sem_alloc : memref<!tpu.dma_semaphore, #tpu.memory_space<semaphore_mem>>
      %dma_start3A_91 = arith.constant 0 : i32
      %dma_start3A_92 = tpu.memref_slice %arg2[%add3A_24, %dma_start3A_91] : memref<2560x128xi32, #tpu.memory_space<hbm>> -> memref<1x128xi32, #tpu.memory_space<hbm>>
      %dma_start3A_93 = arith.constant 0 : i32
      %dma_start3A_94 = tpu.memref_slice %arg2[%add3A_24, %dma_start3A_93] : memref<2560x128xi32, #tpu.memory_space<hbm>> -> memref<1x128xi32, #tpu.memory_space<hbm>>
      tpu.enqueue_dma source(%dma_start3A_94 : memref<1x128xi32, #tpu.memory_space<hbm>>) target(%arg8 : memref<1x128xi32, #tpu.memory_space<vmem>>) target_semaphore(%run_scoped3A : memref<!tpu.dma_semaphore, #tpu.memory_space<semaphore_mem>>)
      %dma_wait3A_95 = arith.constant 0 : i32
      %dma_wait3A_96 = tpu.memref_slice %arg2[%add3A_24, %dma_wait3A_95] : memref<2560x128xi32, #tpu.memory_space<hbm>> -> memref<1x128xi32, #tpu.memory_space<hbm>>
      %dma_wait3A_97 = arith.constant 0 : i32
      %dma_wait3A_98 = tpu.memref_slice %arg2[%add3A_24, %dma_wait3A_97] : memref<2560x128xi32, #tpu.memory_space<hbm>> -> memref<1x128xi32, #tpu.memory_space<hbm>>
      tpu.wait_dma2 semaphore(%run_scoped3A : memref<!tpu.dma_semaphore, #tpu.memory_space<semaphore_mem>>) src(%dma_wait3A_98 : memref<1x128xi32, #tpu.memory_space<hbm>>) dst(%arg8 : memref<1x128xi32, #tpu.memory_space<vmem>>)
      tpu.yield
    }) : () -> ()
    %dma_start3A = arith.constant 0 : i32
    %dma_start3A_25 = arith.constant 0 : i32
    %dma_start3A_26 = tpu.memref_slice %arg8[%dma_start3A, %dma_start3A_25] : memref<1x128xi32, #tpu.memory_space<vmem>> -> memref<1x128xi32, #tpu.memory_space<vmem>>
    %dma_start3A_27 = tpu.memref_squeeze %dma_start3A_26 : memref<1x128xi32, #tpu.memory_space<vmem>> -> memref<128xi32, #tpu.memory_space<vmem>>
    %dma_start3A_28 = arith.constant 0 : i32
    %dma_start3A_29 = arith.constant 0 : i32
    %dma_start3A_30 = tpu.memref_slice %arg4[%dma_start3A_28, %dma_start3A_29] : memref<10000x128xf32, #tpu.memory_space<hbm>> -> memref<10000x128xf32, #tpu.memory_space<hbm>>
    tpu.enqueue_indirect_dma source(%dma_start3A_30 : memref<10000x128xf32, #tpu.memory_space<hbm>>) target(%arg10 : memref<128x128xf32, #tpu.memory_space<vmem>>) offsets(%dma_start3A_27 : memref<128xi32, #tpu.memory_space<vmem>>) semaphore(%arg13 : memref<!tpu.dma_semaphore, #tpu.memory_space<semaphore_mem>>)
    %add3A_31 = arith.constant 1 : i32
    %add3A_32 = arith.addi %mul3A_2, %add3A_31 : i32
    "tpu.region"() ({
      %run_scoped3A = tpu.sem_alloc : memref<!tpu.dma_semaphore, #tpu.memory_space<semaphore_mem>>
      %dma_start3A_91 = arith.constant 0 : i32
      %dma_start3A_92 = tpu.memref_slice %arg2[%add3A_32, %dma_start3A_91] : memref<2560x128xi32, #tpu.memory_space<hbm>> -> memref<1x128xi32, #tpu.memory_space<hbm>>
      %dma_start3A_93 = arith.constant 0 : i32
      %dma_start3A_94 = tpu.memref_slice %arg2[%add3A_32, %dma_start3A_93] : memref<2560x128xi32, #tpu.memory_space<hbm>> -> memref<1x128xi32, #tpu.memory_space<hbm>>
      tpu.enqueue_dma source(%dma_start3A_94 : memref<1x128xi32, #tpu.memory_space<hbm>>) target(%arg9 : memref<1x128xi32, #tpu.memory_space<vmem>>) target_semaphore(%run_scoped3A : memref<!tpu.dma_semaphore, #tpu.memory_space<semaphore_mem>>)
      %dma_wait3A_95 = arith.constant 0 : i32
      %dma_wait3A_96 = tpu.memref_slice %arg2[%add3A_32, %dma_wait3A_95] : memref<2560x128xi32, #tpu.memory_space<hbm>> -> memref<1x128xi32, #tpu.memory_space<hbm>>
      %dma_wait3A_97 = arith.constant 0 : i32
      %dma_wait3A_98 = tpu.memref_slice %arg2[%add3A_32, %dma_wait3A_97] : memref<2560x128xi32, #tpu.memory_space<hbm>> -> memref<1x128xi32, #tpu.memory_space<hbm>>
      tpu.wait_dma2 semaphore(%run_scoped3A : memref<!tpu.dma_semaphore, #tpu.memory_space<semaphore_mem>>) src(%dma_wait3A_98 : memref<1x128xi32, #tpu.memory_space<hbm>>) dst(%arg9 : memref<1x128xi32, #tpu.memory_space<vmem>>)
      tpu.yield
    }) : () -> ()
    %dma_start3A_33 = arith.constant 0 : i32
    %dma_start3A_34 = arith.constant 0 : i32
    %dma_start3A_35 = tpu.memref_slice %arg9[%dma_start3A_33, %dma_start3A_34] : memref<1x128xi32, #tpu.memory_space<vmem>> -> memref<1x128xi32, #tpu.memory_space<vmem>>
    %dma_start3A_36 = tpu.memref_squeeze %dma_start3A_35 : memref<1x128xi32, #tpu.memory_space<vmem>> -> memref<128xi32, #tpu.memory_space<vmem>>
    %dma_start3A_37 = arith.constant 0 : i32
    %dma_start3A_38 = arith.constant 0 : i32
    %dma_start3A_39 = tpu.memref_slice %arg4[%dma_start3A_37, %dma_start3A_38] : memref<10000x128xf32, #tpu.memory_space<hbm>> -> memref<10000x128xf32, #tpu.memory_space<hbm>>
    tpu.enqueue_indirect_dma source(%dma_start3A_39 : memref<10000x128xf32, #tpu.memory_space<hbm>>) target(%arg11 : memref<128x128xf32, #tpu.memory_space<vmem>>) offsets(%dma_start3A_36 : memref<128xi32, #tpu.memory_space<vmem>>) semaphore(%arg14 : memref<!tpu.dma_semaphore, #tpu.memory_space<semaphore_mem>>)
    %scan3A = arith.constant 0 : i32
    %scan3A_40 = arith.constant 0 : i32
    %scan3A_41 = arith.constant 39 : i32
    %scan3A_42 = arith.addi %scan3A_40, %scan3A_41 : i32
    %scan3A_43 = arith.constant 1 : i32
    scf.for %scan3A_91 = %scan3A_40 to %scan3A_42 step %scan3A_43  : i32 {
      %mul3A_92 = arith.constant 2 : i32
      %mul3A_93 = arith.muli %scan3A_91, %mul3A_92 : i32
      %add3A_94 = arith.constant 0 : i32
      %add3A_95 = arith.addi %mul3A_93, %add3A_94 : i32
      %dma_wait3A_96 = arith.constant 0 : i32
      %dma_wait3A_97 = arith.constant 0 : i32
      %dma_wait3A_98 = tpu.memref_slice %arg8[%dma_wait3A_96, %dma_wait3A_97] : memref<1x128xi32, #tpu.memory_space<vmem>> -> memref<1x128xi32, #tpu.memory_space<vmem>>
      %dma_wait3A_99 = tpu.memref_squeeze %dma_wait3A_98 : memref<1x128xi32, #tpu.memory_space<vmem>> -> memref<128xi32, #tpu.memory_space<vmem>>
      %dma_wait3A_100 = arith.constant 0 : i32
      %dma_wait3A_101 = arith.constant 0 : i32
      %dma_wait3A_102 = tpu.memref_slice %arg4[%dma_wait3A_100, %dma_wait3A_101] : memref<10000x128xf32, #tpu.memory_space<hbm>> -> memref<10000x128xf32, #tpu.memory_space<hbm>>
      tpu.wait_indirect_dma semaphore(%arg13 : memref<!tpu.dma_semaphore, #tpu.memory_space<semaphore_mem>>) src(%dma_wait3A_102 : memref<10000x128xf32, #tpu.memory_space<hbm>>) dst(%arg10 : memref<128x128xf32, #tpu.memory_space<vmem>>)
      %add3A_103 = arith.addi %mul3A_2, %add3A_95 : i32
      %add3A_104 = arith.constant 2 : i32
      %add3A_105 = arith.addi %add3A_103, %add3A_104 : i32
      %dma_start3A_106 = arith.constant 0 : i32
      %dma_start3A_107 = tpu.memref_slice %arg2[%add3A_105, %dma_start3A_106] : memref<2560x128xi32, #tpu.memory_space<hbm>> -> memref<1x128xi32, #tpu.memory_space<hbm>>
      %dma_start3A_108 = arith.constant 0 : i32
      %dma_start3A_109 = tpu.memref_slice %arg2[%add3A_105, %dma_start3A_108] : memref<2560x128xi32, #tpu.memory_space<hbm>> -> memref<1x128xi32, #tpu.memory_space<hbm>>
      tpu.enqueue_dma source(%dma_start3A_109 : memref<1x128xi32, #tpu.memory_space<hbm>>) target(%arg8 : memref<1x128xi32, #tpu.memory_space<vmem>>) target_semaphore(%arg15 : memref<!tpu.dma_semaphore, #tpu.memory_space<semaphore_mem>>)
      %dma_start3A_110 = arith.constant 0 : i32
      %dma_start3A_111 = tpu.memref_slice %arg7[%add3A_95, %dma_start3A_110] : memref<80x128xi32, #tpu.memory_space<vmem>> -> memref<1x128xi32, #tpu.memory_space<vmem>>
      %dma_start3A_112 = tpu.memref_squeeze %dma_start3A_111 : memref<1x128xi32, #tpu.memory_space<vmem>> -> memref<128xi32, #tpu.memory_space<vmem>>
      %dma_start3A_113 = arith.constant 0 : i32
      %dma_start3A_114 = arith.constant 0 : i32
      %dma_start3A_115 = tpu.memref_slice %arg12[%dma_start3A_113, %dma_start3A_114] : memref<10240x128xf32, #tpu.memory_space<vmem_shared>> -> memref<10240x128xf32, #tpu.memory_space<vmem_shared>>
      tpu.enqueue_indirect_dma source(%arg10 : memref<128x128xf32, #tpu.memory_space<vmem>>) target(%dma_start3A_115 : memref<10240x128xf32, #tpu.memory_space<vmem_shared>>) offsets(%dma_start3A_112 : memref<128xi32, #tpu.memory_space<vmem>>) semaphore(%arg17 : memref<!tpu.dma_semaphore, #tpu.memory_space<semaphore_mem>>) {add = true}
      %dma_wait3A_116 = arith.constant 0 : i32
      %dma_wait3A_117 = tpu.memref_slice %arg7[%add3A_95, %dma_wait3A_116] : memref<80x128xi32, #tpu.memory_space<vmem>> -> memref<1x128xi32, #tpu.memory_space<vmem>>
      %dma_wait3A_118 = tpu.memref_squeeze %dma_wait3A_117 : memref<1x128xi32, #tpu.memory_space<vmem>> -> memref<128xi32, #tpu.memory_space<vmem>>
      %dma_wait3A_119 = arith.constant 0 : i32
      %dma_wait3A_120 = arith.constant 0 : i32
      %dma_wait3A_121 = tpu.memref_slice %arg12[%dma_wait3A_119, %dma_wait3A_120] : memref<10240x128xf32, #tpu.memory_space<vmem_shared>> -> memref<10240x128xf32, #tpu.memory_space<vmem_shared>>
      tpu.wait_indirect_dma semaphore(%arg17 : memref<!tpu.dma_semaphore, #tpu.memory_space<semaphore_mem>>) src(%arg10 : memref<128x128xf32, #tpu.memory_space<vmem>>) dst(%dma_wait3A_121 : memref<10240x128xf32, #tpu.memory_space<vmem_shared>>)
      %dma_wait3A_122 = arith.constant 0 : i32
      %dma_wait3A_123 = tpu.memref_slice %arg2[%mul3A_2, %dma_wait3A_122] : memref<2560x128xi32, #tpu.memory_space<hbm>> -> memref<1x128xi32, #tpu.memory_space<hbm>>
      %dma_wait3A_124 = arith.constant 0 : i32
      %dma_wait3A_125 = tpu.memref_slice %arg2[%mul3A_2, %dma_wait3A_124] : memref<2560x128xi32, #tpu.memory_space<hbm>> -> memref<1x128xi32, #tpu.memory_space<hbm>>
      tpu.wait_dma2 semaphore(%arg15 : memref<!tpu.dma_semaphore, #tpu.memory_space<semaphore_mem>>) src(%dma_wait3A_125 : memref<1x128xi32, #tpu.memory_space<hbm>>) dst(%arg8 : memref<1x128xi32, #tpu.memory_space<vmem>>)
      %dma_start3A_126 = arith.constant 0 : i32
      %dma_start3A_127 = arith.constant 0 : i32
      %dma_start3A_128 = tpu.memref_slice %arg8[%dma_start3A_126, %dma_start3A_127] : memref<1x128xi32, #tpu.memory_space<vmem>> -> memref<1x128xi32, #tpu.memory_space<vmem>>
      %dma_start3A_129 = tpu.memref_squeeze %dma_start3A_128 : memref<1x128xi32, #tpu.memory_space<vmem>> -> memref<128xi32, #tpu.memory_space<vmem>>
      %dma_start3A_130 = arith.constant 0 : i32
      %dma_start3A_131 = arith.constant 0 : i32
      %dma_start3A_132 = tpu.memref_slice %arg4[%dma_start3A_130, %dma_start3A_131] : memref<10000x128xf32, #tpu.memory_space<hbm>> -> memref<10000x128xf32, #tpu.memory_space<hbm>>
      tpu.enqueue_indirect_dma source(%dma_start3A_132 : memref<10000x128xf32, #tpu.memory_space<hbm>>) target(%arg10 : memref<128x128xf32, #tpu.memory_space<vmem>>) offsets(%dma_start3A_129 : memref<128xi32, #tpu.memory_space<vmem>>) semaphore(%arg13 : memref<!tpu.dma_semaphore, #tpu.memory_space<semaphore_mem>>)
      %mul3A_133 = arith.constant 2 : i32
      %mul3A_134 = arith.muli %scan3A_91, %mul3A_133 : i32
      %add3A_135 = arith.constant 1 : i32
      %add3A_136 = arith.addi %mul3A_134, %add3A_135 : i32
      %dma_wait3A_137 = arith.constant 0 : i32
      %dma_wait3A_138 = arith.constant 0 : i32
      %dma_wait3A_139 = tpu.memref_slice %arg9[%dma_wait3A_137, %dma_wait3A_138] : memref<1x128xi32, #tpu.memory_space<vmem>> -> memref<1x128xi32, #tpu.memory_space<vmem>>
      %dma_wait3A_140 = tpu.memref_squeeze %dma_wait3A_139 : memref<1x128xi32, #tpu.memory_space<vmem>> -> memref<128xi32, #tpu.memory_space<vmem>>
      %dma_wait3A_141 = arith.constant 0 : i32
      %dma_wait3A_142 = arith.constant 0 : i32
      %dma_wait3A_143 = tpu.memref_slice %arg4[%dma_wait3A_141, %dma_wait3A_142] : memref<10000x128xf32, #tpu.memory_space<hbm>> -> memref<10000x128xf32, #tpu.memory_space<hbm>>
      tpu.wait_indirect_dma semaphore(%arg14 : memref<!tpu.dma_semaphore, #tpu.memory_space<semaphore_mem>>) src(%dma_wait3A_143 : memref<10000x128xf32, #tpu.memory_space<hbm>>) dst(%arg11 : memref<128x128xf32, #tpu.memory_space<vmem>>)
      %add3A_144 = arith.addi %mul3A_2, %add3A_136 : i32
      %add3A_145 = arith.constant 2 : i32
      %add3A_146 = arith.addi %add3A_144, %add3A_145 : i32
      %dma_start3A_147 = arith.constant 0 : i32
      %dma_start3A_148 = tpu.memref_slice %arg2[%add3A_146, %dma_start3A_147] : memref<2560x128xi32, #tpu.memory_space<hbm>> -> memref<1x128xi32, #tpu.memory_space<hbm>>
      %dma_start3A_149 = arith.constant 0 : i32
      %dma_start3A_150 = tpu.memref_slice %arg2[%add3A_146, %dma_start3A_149] : memref<2560x128xi32, #tpu.memory_space<hbm>> -> memref<1x128xi32, #tpu.memory_space<hbm>>
      tpu.enqueue_dma source(%dma_start3A_150 : memref<1x128xi32, #tpu.memory_space<hbm>>) target(%arg9 : memref<1x128xi32, #tpu.memory_space<vmem>>) target_semaphore(%arg16 : memref<!tpu.dma_semaphore, #tpu.memory_space<semaphore_mem>>)
      %dma_start3A_151 = arith.constant 0 : i32
      %dma_start3A_152 = tpu.memref_slice %arg7[%add3A_136, %dma_start3A_151] : memref<80x128xi32, #tpu.memory_space<vmem>> -> memref<1x128xi32, #tpu.memory_space<vmem>>
      %dma_start3A_153 = tpu.memref_squeeze %dma_start3A_152 : memref<1x128xi32, #tpu.memory_space<vmem>> -> memref<128xi32, #tpu.memory_space<vmem>>
      %dma_start3A_154 = arith.constant 0 : i32
      %dma_start3A_155 = arith.constant 0 : i32
      %dma_start3A_156 = tpu.memref_slice %arg12[%dma_start3A_154, %dma_start3A_155] : memref<10240x128xf32, #tpu.memory_space<vmem_shared>> -> memref<10240x128xf32, #tpu.memory_space<vmem_shared>>
      tpu.enqueue_indirect_dma source(%arg11 : memref<128x128xf32, #tpu.memory_space<vmem>>) target(%dma_start3A_156 : memref<10240x128xf32, #tpu.memory_space<vmem_shared>>) offsets(%dma_start3A_153 : memref<128xi32, #tpu.memory_space<vmem>>) semaphore(%arg18 : memref<!tpu.dma_semaphore, #tpu.memory_space<semaphore_mem>>) {add = true}
      %dma_wait3A_157 = arith.constant 0 : i32
      %dma_wait3A_158 = tpu.memref_slice %arg7[%add3A_136, %dma_wait3A_157] : memref<80x128xi32, #tpu.memory_space<vmem>> -> memref<1x128xi32, #tpu.memory_space<vmem>>
      %dma_wait3A_159 = tpu.memref_squeeze %dma_wait3A_158 : memref<1x128xi32, #tpu.memory_space<vmem>> -> memref<128xi32, #tpu.memory_space<vmem>>
      %dma_wait3A_160 = arith.constant 0 : i32
      %dma_wait3A_161 = arith.constant 0 : i32
      %dma_wait3A_162 = tpu.memref_slice %arg12[%dma_wait3A_160, %dma_wait3A_161] : memref<10240x128xf32, #tpu.memory_space<vmem_shared>> -> memref<10240x128xf32, #tpu.memory_space<vmem_shared>>
      tpu.wait_indirect_dma semaphore(%arg18 : memref<!tpu.dma_semaphore, #tpu.memory_space<semaphore_mem>>) src(%arg11 : memref<128x128xf32, #tpu.memory_space<vmem>>) dst(%dma_wait3A_162 : memref<10240x128xf32, #tpu.memory_space<vmem_shared>>)
      %dma_wait3A_163 = arith.constant 0 : i32
      %dma_wait3A_164 = tpu.memref_slice %arg2[%mul3A_2, %dma_wait3A_163] : memref<2560x128xi32, #tpu.memory_space<hbm>> -> memref<1x128xi32, #tpu.memory_space<hbm>>
      %dma_wait3A_165 = arith.constant 0 : i32
      %dma_wait3A_166 = tpu.memref_slice %arg2[%mul3A_2, %dma_wait3A_165] : memref<2560x128xi32, #tpu.memory_space<hbm>> -> memref<1x128xi32, #tpu.memory_space<hbm>>
      tpu.wait_dma2 semaphore(%arg16 : memref<!tpu.dma_semaphore, #tpu.memory_space<semaphore_mem>>) src(%dma_wait3A_166 : memref<1x128xi32, #tpu.memory_space<hbm>>) dst(%arg9 : memref<1x128xi32, #tpu.memory_space<vmem>>)
      %dma_start3A_167 = arith.constant 0 : i32
      %dma_start3A_168 = arith.constant 0 : i32
      %dma_start3A_169 = tpu.memref_slice %arg9[%dma_start3A_167, %dma_start3A_168] : memref<1x128xi32, #tpu.memory_space<vmem>> -> memref<1x128xi32, #tpu.memory_space<vmem>>
      %dma_start3A_170 = tpu.memref_squeeze %dma_start3A_169 : memref<1x128xi32, #tpu.memory_space<vmem>> -> memref<128xi32, #tpu.memory_space<vmem>>
      %dma_start3A_171 = arith.constant 0 : i32
      %dma_start3A_172 = arith.constant 0 : i32
      %dma_start3A_173 = tpu.memref_slice %arg4[%dma_start3A_171, %dma_start3A_172] : memref<10000x128xf32, #tpu.memory_space<hbm>> -> memref<10000x128xf32, #tpu.memory_space<hbm>>
      tpu.enqueue_indirect_dma source(%dma_start3A_173 : memref<10000x128xf32, #tpu.memory_space<hbm>>) target(%arg11 : memref<128x128xf32, #tpu.memory_space<vmem>>) offsets(%dma_start3A_170 : memref<128xi32, #tpu.memory_space<vmem>>) semaphore(%arg14 : memref<!tpu.dma_semaphore, #tpu.memory_space<semaphore_mem>>)
    }
    %scan3A_44 = arith.constant 39 : i32
    %dma_wait3A = arith.constant 0 : i32
    %dma_wait3A_45 = arith.constant 0 : i32
    %dma_wait3A_46 = tpu.memref_slice %arg8[%dma_wait3A, %dma_wait3A_45] : memref<1x128xi32, #tpu.memory_space<vmem>> -> memref<1x128xi32, #tpu.memory_space<vmem>>
    %dma_wait3A_47 = tpu.memref_squeeze %dma_wait3A_46 : memref<1x128xi32, #tpu.memory_space<vmem>> -> memref<128xi32, #tpu.memory_space<vmem>>
    %dma_wait3A_48 = arith.constant 0 : i32
    %dma_wait3A_49 = arith.constant 0 : i32
    %dma_wait3A_50 = tpu.memref_slice %arg4[%dma_wait3A_48, %dma_wait3A_49] : memref<10000x128xf32, #tpu.memory_space<hbm>> -> memref<10000x128xf32, #tpu.memory_space<hbm>>
    tpu.wait_indirect_dma semaphore(%arg13 : memref<!tpu.dma_semaphore, #tpu.memory_space<semaphore_mem>>) src(%dma_wait3A_50 : memref<10000x128xf32, #tpu.memory_space<hbm>>) dst(%arg10 : memref<128x128xf32, #tpu.memory_space<vmem>>)
    %dma_start3A_51 = arith.constant 78 : i32
    %dma_start3A_52 = arith.constant 0 : i32
    %dma_start3A_53 = tpu.memref_slice %arg7[%dma_start3A_51, %dma_start3A_52] : memref<80x128xi32, #tpu.memory_space<vmem>> -> memref<1x128xi32, #tpu.memory_space<vmem>>
    %dma_start3A_54 = tpu.memref_squeeze %dma_start3A_53 : memref<1x128xi32, #tpu.memory_space<vmem>> -> memref<128xi32, #tpu.memory_space<vmem>>
    %dma_start3A_55 = arith.constant 0 : i32
    %dma_start3A_56 = arith.constant 0 : i32
    %dma_start3A_57 = tpu.memref_slice %arg12[%dma_start3A_55, %dma_start3A_56] : memref<10240x128xf32, #tpu.memory_space<vmem_shared>> -> memref<10240x128xf32, #tpu.memory_space<vmem_shared>>
    tpu.enqueue_indirect_dma source(%arg10 : memref<128x128xf32, #tpu.memory_space<vmem>>) target(%dma_start3A_57 : memref<10240x128xf32, #tpu.memory_space<vmem_shared>>) offsets(%dma_start3A_54 : memref<128xi32, #tpu.memory_space<vmem>>) semaphore(%arg17 : memref<!tpu.dma_semaphore, #tpu.memory_space<semaphore_mem>>) {add = true}
    %dma_wait3A_58 = arith.constant 0 : i32
    %dma_wait3A_59 = arith.constant 0 : i32
    %dma_wait3A_60 = tpu.memref_slice %arg9[%dma_wait3A_58, %dma_wait3A_59] : memref<1x128xi32, #tpu.memory_space<vmem>> -> memref<1x128xi32, #tpu.memory_space<vmem>>
    %dma_wait3A_61 = tpu.memref_squeeze %dma_wait3A_60 : memref<1x128xi32, #tpu.memory_space<vmem>> -> memref<128xi32, #tpu.memory_space<vmem>>
    %dma_wait3A_62 = arith.constant 0 : i32
    %dma_wait3A_63 = arith.constant 0 : i32
    %dma_wait3A_64 = tpu.memref_slice %arg4[%dma_wait3A_62, %dma_wait3A_63] : memref<10000x128xf32, #tpu.memory_space<hbm>> -> memref<10000x128xf32, #tpu.memory_space<hbm>>
    tpu.wait_indirect_dma semaphore(%arg14 : memref<!tpu.dma_semaphore, #tpu.memory_space<semaphore_mem>>) src(%dma_wait3A_64 : memref<10000x128xf32, #tpu.memory_space<hbm>>) dst(%arg11 : memref<128x128xf32, #tpu.memory_space<vmem>>)
    %dma_start3A_65 = arith.constant 79 : i32
    %dma_start3A_66 = arith.constant 0 : i32
    %dma_start3A_67 = tpu.memref_slice %arg7[%dma_start3A_65, %dma_start3A_66] : memref<80x128xi32, #tpu.memory_space<vmem>> -> memref<1x128xi32, #tpu.memory_space<vmem>>
    %dma_start3A_68 = tpu.memref_squeeze %dma_start3A_67 : memref<1x128xi32, #tpu.memory_space<vmem>> -> memref<128xi32, #tpu.memory_space<vmem>>
    %dma_start3A_69 = arith.constant 0 : i32
    %dma_start3A_70 = arith.constant 0 : i32
    %dma_start3A_71 = tpu.memref_slice %arg12[%dma_start3A_69, %dma_start3A_70] : memref<10240x128xf32, #tpu.memory_space<vmem_shared>> -> memref<10240x128xf32, #tpu.memory_space<vmem_shared>>
    tpu.enqueue_indirect_dma source(%arg11 : memref<128x128xf32, #tpu.memory_space<vmem>>) target(%dma_start3A_71 : memref<10240x128xf32, #tpu.memory_space<vmem_shared>>) offsets(%dma_start3A_68 : memref<128xi32, #tpu.memory_space<vmem>>) semaphore(%arg18 : memref<!tpu.dma_semaphore, #tpu.memory_space<semaphore_mem>>) {add = true}
    %dma_wait3A_72 = arith.constant 78 : i32
    %dma_wait3A_73 = arith.constant 0 : i32
    %dma_wait3A_74 = tpu.memref_slice %arg7[%dma_wait3A_72, %dma_wait3A_73] : memref<80x128xi32, #tpu.memory_space<vmem>> -> memref<1x128xi32, #tpu.memory_space<vmem>>
    %dma_wait3A_75 = tpu.memref_squeeze %dma_wait3A_74 : memref<1x128xi32, #tpu.memory_space<vmem>> -> memref<128xi32, #tpu.memory_space<vmem>>
    %dma_wait3A_76 = arith.constant 0 : i32
    %dma_wait3A_77 = arith.constant 0 : i32
    %dma_wait3A_78 = tpu.memref_slice %arg12[%dma_wait3A_76, %dma_wait3A_77] : memref<10240x128xf32, #tpu.memory_space<vmem_shared>> -> memref<10240x128xf32, #tpu.memory_space<vmem_shared>>
    tpu.wait_indirect_dma semaphore(%arg17 : memref<!tpu.dma_semaphore, #tpu.memory_space<semaphore_mem>>) src(%arg10 : memref<128x128xf32, #tpu.memory_space<vmem>>) dst(%dma_wait3A_78 : memref<10240x128xf32, #tpu.memory_space<vmem_shared>>)
    %dma_wait3A_79 = arith.constant 79 : i32
    %dma_wait3A_80 = arith.constant 0 : i32
    %dma_wait3A_81 = tpu.memref_slice %arg7[%dma_wait3A_79, %dma_wait3A_80] : memref<80x128xi32, #tpu.memory_space<vmem>> -> memref<1x128xi32, #tpu.memory_space<vmem>>
    %dma_wait3A_82 = tpu.memref_squeeze %dma_wait3A_81 : memref<1x128xi32, #tpu.memory_space<vmem>> -> memref<128xi32, #tpu.memory_space<vmem>>
    %dma_wait3A_83 = arith.constant 0 : i32
    %dma_wait3A_84 = arith.constant 0 : i32
    %dma_wait3A_85 = tpu.memref_slice %arg12[%dma_wait3A_83, %dma_wait3A_84] : memref<10240x128xf32, #tpu.memory_space<vmem_shared>> -> memref<10240x128xf32, #tpu.memory_space<vmem_shared>>
    tpu.wait_indirect_dma semaphore(%arg18 : memref<!tpu.dma_semaphore, #tpu.memory_space<semaphore_mem>>) src(%arg11 : memref<128x128xf32, #tpu.memory_space<vmem>>) dst(%dma_wait3A_85 : memref<10240x128xf32, #tpu.memory_space<vmem_shared>>)
    %barrier3A_86 = arith.constant 0 : index
    tpu.barrier barrier_id(%barrier3A_86)
    %mul3A_87 = arith.constant 640 : i32
    %mul3A_88 = arith.muli %arg1, %mul3A_87 : i32
    %mul3A_89 = arith.constant 640 : i32
    %mul3A_90 = arith.muli %arg1, %mul3A_89 : i32
    "tpu.region"() ({
      %run_scoped3A = tpu.sem_alloc : memref<!tpu.dma_semaphore, #tpu.memory_space<semaphore_mem>>
      %dma_start3A_91 = arith.constant 0 : i32
      %dma_start3A_92 = tpu.memref_slice %arg6[%arg0, %mul3A_90, %dma_start3A_91] : memref<2x10240x128xf32, #tpu.memory_space<hbm>> -> memref<1x640x128xf32, #tpu.memory_space<hbm>>
      %dma_start3A_93 = tpu.memref_squeeze %dma_start3A_92 : memref<1x640x128xf32, #tpu.memory_space<hbm>> -> memref<640x128xf32, #tpu.memory_space<hbm>>
      %dma_start3A_94 = arith.constant 0 : i32
      %dma_start3A_95 = tpu.memref_slice %arg12[%mul3A_88, %dma_start3A_94] : memref<10240x128xf32, #tpu.memory_space<vmem_shared>> -> memref<640x128xf32, #tpu.memory_space<vmem_shared>>
      tpu.enqueue_dma source(%dma_start3A_95 : memref<640x128xf32, #tpu.memory_space<vmem_shared>>) target(%dma_start3A_93 : memref<640x128xf32, #tpu.memory_space<hbm>>) target_semaphore(%run_scoped3A : memref<!tpu.dma_semaphore, #tpu.memory_space<semaphore_mem>>)
      %dma_wait3A_96 = arith.constant 0 : i32
      %dma_wait3A_97 = tpu.memref_slice %arg6[%arg0, %mul3A_90, %dma_wait3A_96] : memref<2x10240x128xf32, #tpu.memory_space<hbm>> -> memref<1x640x128xf32, #tpu.memory_space<hbm>>
      %dma_wait3A_98 = tpu.memref_squeeze %dma_wait3A_97 : memref<1x640x128xf32, #tpu.memory_space<hbm>> -> memref<640x128xf32, #tpu.memory_space<hbm>>
      %dma_wait3A_99 = arith.constant 0 : i32
      %dma_wait3A_100 = tpu.memref_slice %arg12[%mul3A_88, %dma_wait3A_99] : memref<10240x128xf32, #tpu.memory_space<vmem_shared>> -> memref<640x128xf32, #tpu.memory_space<vmem_shared>>
      tpu.wait_dma2 semaphore(%run_scoped3A : memref<!tpu.dma_semaphore, #tpu.memory_space<semaphore_mem>>) src(%dma_wait3A_100 : memref<640x128xf32, #tpu.memory_space<vmem_shared>>) dst(%dma_wait3A_98 : memref<640x128xf32, #tpu.memory_space<hbm>>)
      tpu.yield
    }) : () -> ()
    return
  }
}

module attributes {stable_mosaic.version = 14 : i64} {
  func.func @body(%arg0: i32, %arg1: memref<2x1000x128xf32, #tpu.memory_space<vmem>>, %arg2: memref<2x1000x128xf32, #tpu.memory_space<vmem>>, %arg3: memref<1000x128xf32, #tpu.memory_space<vmem>>, %arg4: memref<256x128xf32, #tpu.memory_space<vmem>>, %arg5: memref<1x128xf32, #tpu.memory_space<vmem>>, %arg6: memref<1x128xf32, #tpu.memory_space<vmem>>, %arg7: memref<1000x128xf32, #tpu.memory_space<vmem>>) attributes {dimension_semantics = [#tpu.dimension_semantics<arbitrary>], iteration_bounds = array<i64: 10>, scalar_prefetch = 0 : i64, scratch_operands = 0 : i64, tpu.core_type = #tpu.core_type<tc>, window_params = [{transform_indices = @transform_0, window_bounds = array<i64: 2, 1000, 128>}, {transform_indices = @transform_1, window_bounds = array<i64: 2, 1000, 128>}, {transform_indices = @transform_2, window_bounds = array<i64: 1000, 128>}, {pipeline_mode = #tpu.pipeline_mode<synchronous>, transform_indices = @transform_3, window_bounds = array<i64: 256, 128>}, {pipeline_mode = #tpu.pipeline_mode<synchronous>, transform_indices = @transform_4, window_bounds = array<i64: 1, 128>}, {pipeline_mode = #tpu.pipeline_mode<synchronous>, transform_indices = @transform_5, window_bounds = array<i64: 1, 128>}, {transform_indices = @transform_6, window_bounds = array<i64: 1000, 128>}]} {
    %get3A = arith.constant 0 : index
    %get3A_0 = arith.constant 0 : index
    %get3A_1 = arith.constant 0 : index
    %get3A_2 = vector.load %arg2[%get3A, %get3A_0, %get3A_1] : memref<2x1000x128xf32, #tpu.memory_space<vmem>>, vector<1x1000x1xf32>
    %get3A_3 = vector.shape_cast %get3A_2 : vector<1x1000x1xf32> to vector<1000x1xf32>
    %get3A_4 = arith.constant 1 : index
    %get3A_5 = arith.constant 0 : index
    %get3A_6 = arith.constant 0 : index
    %get3A_7 = vector.load %arg2[%get3A_4, %get3A_5, %get3A_6] : memref<2x1000x128xf32, #tpu.memory_space<vmem>>, vector<1x1000x1xf32>
    %get3A_8 = vector.shape_cast %get3A_7 : vector<1x1000x1xf32> to vector<1000x1xf32>
    %add3A = arith.addf %get3A_3, %get3A_8 : vector<1000x1xf32>
    %get3A_9 = arith.constant 0 : index
    %get3A_10 = arith.constant 0 : index
    %get3A_11 = arith.constant 0 : index
    %get3A_12 = vector.load %arg1[%get3A_9, %get3A_10, %get3A_11] : memref<2x1000x128xf32, #tpu.memory_space<vmem>>, vector<1x1000x128xf32>
    %get3A_13 = vector.shape_cast %get3A_12 : vector<1x1000x128xf32> to vector<1000x128xf32>
    %get3A_14 = arith.constant 1 : index
    %get3A_15 = arith.constant 0 : index
    %get3A_16 = arith.constant 0 : index
    %get3A_17 = vector.load %arg1[%get3A_14, %get3A_15, %get3A_16] : memref<2x1000x128xf32, #tpu.memory_space<vmem>>, vector<1x1000x128xf32>
    %get3A_18 = vector.shape_cast %get3A_17 : vector<1x1000x128xf32> to vector<1000x128xf32>
    %add3A_19 = arith.addf %get3A_13, %get3A_18 : vector<1000x128xf32>
    %max3A = arith.constant 1.000000e+00 : f32
    %max3A_20 = vector.broadcast %max3A : f32 to vector<1000x1xf32>
    %max3A_21 = arith.maximumf %add3A, %max3A_20 : vector<1000x1xf32>
    %div3A = vector.broadcast %max3A_21 : vector<1000x1xf32> to vector<1000x128xf32>
    %div3A_22 = arith.divf %add3A_19, %div3A : vector<1000x128xf32>
    %get3A_23 = arith.constant 0 : index
    %get3A_24 = arith.constant 0 : index
    %get3A_25 = vector.load %arg3[%get3A_23, %get3A_24] : memref<1000x128xf32, #tpu.memory_space<vmem>>, vector<1000x128xf32>
    %concatenate3A = tpu.concatenate %div3A_22, %get3A_25 in 1 : vector<1000x128xf32>, vector<1000x128xf32> -> vector<1000x256xf32>
    %get3A_26 = arith.constant 0 : index
    %get3A_27 = arith.constant 0 : index
    %get3A_28 = vector.load %arg4[%get3A_26, %get3A_27] : memref<256x128xf32, #tpu.memory_space<vmem>>, vector<256x128xf32>
    %dot_general3A = arith.constant dense<0.000000e+00> : vector<1000x128xf32>
    %dot_general3A_29 = tpu.matmul %concatenate3A, %get3A_28, %dot_general3A {dimension_numbers = #tpu.dot_dimension_numbers<[1], [0], [0], [1], [0, 0, 1, 1], [], []>, transpose_lhs_hint = false} : vector<1000x256xf32>, vector<256x128xf32>, vector<1000x128xf32> -> vector<1000x128xf32>
    %get3A_30 = arith.constant 0 : index
    %get3A_31 = arith.constant 0 : index
    %get3A_32 = vector.load %arg5[%get3A_30, %get3A_31] : memref<1x128xf32, #tpu.memory_space<vmem>>, vector<1x128xf32>
    %mul3A = vector.broadcast %get3A_32 : vector<1x128xf32> to vector<1000x128xf32>
    %mul3A_33 = arith.mulf %dot_general3A_29, %mul3A : vector<1000x128xf32>
    %get3A_34 = arith.constant 0 : index
    %get3A_35 = arith.constant 0 : index
    %get3A_36 = vector.load %arg6[%get3A_34, %get3A_35] : memref<1x128xf32, #tpu.memory_space<vmem>>, vector<1x128xf32>
    %add3A_37 = vector.broadcast %get3A_36 : vector<1x128xf32> to vector<1000x128xf32>
    %add3A_38 = arith.addf %mul3A_33, %add3A_37 : vector<1000x128xf32>
    %max3A_39 = arith.constant 0.000000e+00 : f32
    %max3A_40 = vector.broadcast %max3A_39 : f32 to vector<1000x128xf32>
    %max3A_41 = arith.maximumf %add3A_38, %max3A_40 : vector<1000x128xf32>
    %swap3A = arith.constant 0 : index
    %swap3A_42 = arith.constant 0 : index
    %swap3A_43 = vector.load %arg7[%swap3A, %swap3A_42] : memref<1000x128xf32, #tpu.memory_space<vmem>>, vector<1000x128xf32>
    tpu.vector_store %arg7[%swap3A, %swap3A_42], %max3A_41 {strides = array<i32>} : memref<1000x128xf32, #tpu.memory_space<vmem>>, vector<1000x128xf32>,
    return
  }
  func.func @transform_0(%arg0: i32) -> (i32, i32, i32) {
    %c0_i32 = arith.constant 0 : i32
    %c0_i32_0 = arith.constant 0 : i32
    %c0_i32_1 = arith.constant 0 : i32
    return %c0_i32, %arg0, %c0_i32_0 : i32, i32, i32
  }
  func.func @transform_1(%arg0: i32) -> (i32, i32, i32) {
    %c0_i32 = arith.constant 0 : i32
    %c0_i32_0 = arith.constant 0 : i32
    %c0_i32_1 = arith.constant 0 : i32
    return %c0_i32, %arg0, %c0_i32_0 : i32, i32, i32
  }
  func.func @transform_2(%arg0: i32) -> (i32, i32) {
    %c0_i32 = arith.constant 0 : i32
    %c0_i32_0 = arith.constant 0 : i32
    return %arg0, %c0_i32 : i32, i32
  }
  func.func @transform_3(%arg0: i32) -> (i32, i32) {
    %c0_i32 = arith.constant 0 : i32
    %c0_i32_0 = arith.constant 0 : i32
    %c0_i32_1 = arith.constant 0 : i32
    return %c0_i32, %c0_i32_0 : i32, i32
  }
  func.func @transform_4(%arg0: i32) -> (i32, i32) {
    %c0_i32 = arith.constant 0 : i32
    %c0_i32_0 = arith.constant 0 : i32
    %c0_i32_1 = arith.constant 0 : i32
    return %c0_i32, %c0_i32_0 : i32, i32
  }
  func.func @transform_5(%arg0: i32) -> (i32, i32) {
    %c0_i32 = arith.constant 0 : i32
    %c0_i32_0 = arith.constant 0 : i32
    %c0_i32_1 = arith.constant 0 : i32
    return %c0_i32, %c0_i32_0 : i32, i32
  }
  func.func @transform_6(%arg0: i32) -> (i32, i32) {
    %c0_i32 = arith.constant 0 : i32
    %c0_i32_0 = arith.constant 0 : i32
    return %arg0, %c0_i32 : i32, i32
  }
}

module attributes {stable_mosaic.version = 14 : i64} {
  func.func @body(%arg0: i32, %arg1: memref<2x1000x128xf32, #tpu.memory_space<vmem>>, %arg2: memref<2x1000x128xf32, #tpu.memory_space<vmem>>, %arg3: memref<1000x128xf32, #tpu.memory_space<vmem>>, %arg4: memref<256x128xf32, #tpu.memory_space<vmem>>, %arg5: memref<1x128xf32, #tpu.memory_space<vmem>>, %arg6: memref<1x128xf32, #tpu.memory_space<vmem>>, %arg7: memref<128x128xf32, #tpu.memory_space<vmem>>, %arg8: memref<1x128xf32, #tpu.memory_space<vmem>>, %arg9: memref<128x40xf32, #tpu.memory_space<vmem>>, %arg10: memref<1x40xf32, #tpu.memory_space<vmem>>, %arg11: memref<1000x40xf32, #tpu.memory_space<vmem>>) attributes {dimension_semantics = [#tpu.dimension_semantics<arbitrary>], iteration_bounds = array<i64: 10>, scalar_prefetch = 0 : i64, scratch_operands = 0 : i64, tpu.core_type = #tpu.core_type<tc>, window_params = [{transform_indices = @transform_0, window_bounds = array<i64: 2, 1000, 128>}, {transform_indices = @transform_1, window_bounds = array<i64: 2, 1000, 128>}, {transform_indices = @transform_2, window_bounds = array<i64: 1000, 128>}, {pipeline_mode = #tpu.pipeline_mode<synchronous>, transform_indices = @transform_3, window_bounds = array<i64: 256, 128>}, {pipeline_mode = #tpu.pipeline_mode<synchronous>, transform_indices = @transform_4, window_bounds = array<i64: 1, 128>}, {pipeline_mode = #tpu.pipeline_mode<synchronous>, transform_indices = @transform_5, window_bounds = array<i64: 1, 128>}, {pipeline_mode = #tpu.pipeline_mode<synchronous>, transform_indices = @transform_6, window_bounds = array<i64: 128, 128>}, {pipeline_mode = #tpu.pipeline_mode<synchronous>, transform_indices = @transform_7, window_bounds = array<i64: 1, 128>}, {pipeline_mode = #tpu.pipeline_mode<synchronous>, transform_indices = @transform_8, window_bounds = array<i64: 128, 40>}, {pipeline_mode = #tpu.pipeline_mode<synchronous>, transform_indices = @transform_9, window_bounds = array<i64: 1, 40>}, {transform_indices = @transform_10, window_bounds = array<i64: 1000, 40>}]} {
    %get3A = arith.constant 0 : index
    %get3A_0 = arith.constant 0 : index
    %get3A_1 = arith.constant 0 : index
    %get3A_2 = vector.load %arg2[%get3A, %get3A_0, %get3A_1] : memref<2x1000x128xf32, #tpu.memory_space<vmem>>, vector<1x1000x1xf32>
    %get3A_3 = vector.shape_cast %get3A_2 : vector<1x1000x1xf32> to vector<1000x1xf32>
    %get3A_4 = arith.constant 1 : index
    %get3A_5 = arith.constant 0 : index
    %get3A_6 = arith.constant 0 : index
    %get3A_7 = vector.load %arg2[%get3A_4, %get3A_5, %get3A_6] : memref<2x1000x128xf32, #tpu.memory_space<vmem>>, vector<1x1000x1xf32>
    %get3A_8 = vector.shape_cast %get3A_7 : vector<1x1000x1xf32> to vector<1000x1xf32>
    %add3A = arith.addf %get3A_3, %get3A_8 : vector<1000x1xf32>
    %get3A_9 = arith.constant 0 : index
    %get3A_10 = arith.constant 0 : index
    %get3A_11 = arith.constant 0 : index
    %get3A_12 = vector.load %arg1[%get3A_9, %get3A_10, %get3A_11] : memref<2x1000x128xf32, #tpu.memory_space<vmem>>, vector<1x1000x128xf32>
    %get3A_13 = vector.shape_cast %get3A_12 : vector<1x1000x128xf32> to vector<1000x128xf32>
    %get3A_14 = arith.constant 1 : index
    %get3A_15 = arith.constant 0 : index
    %get3A_16 = arith.constant 0 : index
    %get3A_17 = vector.load %arg1[%get3A_14, %get3A_15, %get3A_16] : memref<2x1000x128xf32, #tpu.memory_space<vmem>>, vector<1x1000x128xf32>
    %get3A_18 = vector.shape_cast %get3A_17 : vector<1x1000x128xf32> to vector<1000x128xf32>
    %add3A_19 = arith.addf %get3A_13, %get3A_18 : vector<1000x128xf32>
    %max3A = arith.constant 1.000000e+00 : f32
    %max3A_20 = vector.broadcast %max3A : f32 to vector<1000x1xf32>
    %max3A_21 = arith.maximumf %add3A, %max3A_20 : vector<1000x1xf32>
    %div3A = vector.broadcast %max3A_21 : vector<1000x1xf32> to vector<1000x128xf32>
    %div3A_22 = arith.divf %add3A_19, %div3A : vector<1000x128xf32>
    %get3A_23 = arith.constant 0 : index
    %get3A_24 = arith.constant 0 : index
    %get3A_25 = vector.load %arg3[%get3A_23, %get3A_24] : memref<1000x128xf32, #tpu.memory_space<vmem>>, vector<1000x128xf32>
    %concatenate3A = tpu.concatenate %div3A_22, %get3A_25 in 1 : vector<1000x128xf32>, vector<1000x128xf32> -> vector<1000x256xf32>
    %get3A_26 = arith.constant 0 : index
    %get3A_27 = arith.constant 0 : index
    %get3A_28 = vector.load %arg4[%get3A_26, %get3A_27] : memref<256x128xf32, #tpu.memory_space<vmem>>, vector<256x128xf32>
    %dot_general3A = arith.constant dense<0.000000e+00> : vector<1000x128xf32>
    %dot_general3A_29 = tpu.matmul %concatenate3A, %get3A_28, %dot_general3A {dimension_numbers = #tpu.dot_dimension_numbers<[1], [0], [0], [1], [0, 0, 1, 1], [], []>, transpose_lhs_hint = false} : vector<1000x256xf32>, vector<256x128xf32>, vector<1000x128xf32> -> vector<1000x128xf32>
    %get3A_30 = arith.constant 0 : index
    %get3A_31 = arith.constant 0 : index
    %get3A_32 = vector.load %arg5[%get3A_30, %get3A_31] : memref<1x128xf32, #tpu.memory_space<vmem>>, vector<1x128xf32>
    %mul3A = vector.broadcast %get3A_32 : vector<1x128xf32> to vector<1000x128xf32>
    %mul3A_33 = arith.mulf %dot_general3A_29, %mul3A : vector<1000x128xf32>
    %get3A_34 = arith.constant 0 : index
    %get3A_35 = arith.constant 0 : index
    %get3A_36 = vector.load %arg6[%get3A_34, %get3A_35] : memref<1x128xf32, #tpu.memory_space<vmem>>, vector<1x128xf32>
    %add3A_37 = vector.broadcast %get3A_36 : vector<1x128xf32> to vector<1000x128xf32>
    %add3A_38 = arith.addf %mul3A_33, %add3A_37 : vector<1000x128xf32>
    %max3A_39 = arith.constant 0.000000e+00 : f32
    %max3A_40 = vector.broadcast %max3A_39 : f32 to vector<1000x128xf32>
    %max3A_41 = arith.maximumf %add3A_38, %max3A_40 : vector<1000x128xf32>
    %get3A_42 = arith.constant 0 : index
    %get3A_43 = arith.constant 0 : index
    %get3A_44 = vector.load %arg7[%get3A_42, %get3A_43] : memref<128x128xf32, #tpu.memory_space<vmem>>, vector<128x128xf32>
    %dot_general3A_45 = arith.constant dense<0.000000e+00> : vector<1000x128xf32>
    %dot_general3A_46 = tpu.matmul %max3A_41, %get3A_44, %dot_general3A_45 {dimension_numbers = #tpu.dot_dimension_numbers<[1], [0], [0], [1], [0, 0, 1, 1], [], []>, transpose_lhs_hint = false} : vector<1000x128xf32>, vector<128x128xf32>, vector<1000x128xf32> -> vector<1000x128xf32>
    %get3A_47 = arith.constant 0 : index
    %get3A_48 = arith.constant 0 : index
    %get3A_49 = vector.load %arg8[%get3A_47, %get3A_48] : memref<1x128xf32, #tpu.memory_space<vmem>>, vector<1x128xf32>
    %add3A_50 = vector.broadcast %get3A_49 : vector<1x128xf32> to vector<1000x128xf32>
    %add3A_51 = arith.addf %dot_general3A_46, %add3A_50 : vector<1000x128xf32>
    %max3A_52 = arith.constant 0.000000e+00 : f32
    %max3A_53 = vector.broadcast %max3A_52 : f32 to vector<1000x128xf32>
    %max3A_54 = arith.maximumf %add3A_51, %max3A_53 : vector<1000x128xf32>
    %get3A_55 = arith.constant 0 : index
    %get3A_56 = arith.constant 0 : index
    %get3A_57 = vector.load %arg9[%get3A_55, %get3A_56] : memref<128x40xf32, #tpu.memory_space<vmem>>, vector<128x40xf32>
    %dot_general3A_58 = arith.constant dense<0.000000e+00> : vector<1000x40xf32>
    %dot_general3A_59 = tpu.matmul %max3A_54, %get3A_57, %dot_general3A_58 {dimension_numbers = #tpu.dot_dimension_numbers<[1], [0], [0], [1], [0, 0, 1, 1], [], []>, transpose_lhs_hint = false} : vector<1000x128xf32>, vector<128x40xf32>, vector<1000x40xf32> -> vector<1000x40xf32>
    %get3A_60 = arith.constant 0 : index
    %get3A_61 = arith.constant 0 : index
    %get3A_62 = vector.load %arg10[%get3A_60, %get3A_61] : memref<1x40xf32, #tpu.memory_space<vmem>>, vector<1x40xf32>
    %add3A_63 = vector.broadcast %get3A_62 : vector<1x40xf32> to vector<1000x40xf32>
    %add3A_64 = arith.addf %dot_general3A_59, %add3A_63 : vector<1000x40xf32>
    %swap3A = arith.constant 0 : index
    %swap3A_65 = arith.constant 0 : index
    %swap3A_66 = vector.load %arg11[%swap3A, %swap3A_65] : memref<1000x40xf32, #tpu.memory_space<vmem>>, vector<1000x40xf32>
    tpu.vector_store %arg11[%swap3A, %swap3A_65], %add3A_64 {strides = array<i32>} : memref<1000x40xf32, #tpu.memory_space<vmem>>, vector<1000x40xf32>,
    return
  }
  func.func @transform_0(%arg0: i32) -> (i32, i32, i32) {
    %c0_i32 = arith.constant 0 : i32
    %c0_i32_0 = arith.constant 0 : i32
    %c0_i32_1 = arith.constant 0 : i32
    return %c0_i32, %arg0, %c0_i32_0 : i32, i32, i32
  }
  func.func @transform_1(%arg0: i32) -> (i32, i32, i32) {
    %c0_i32 = arith.constant 0 : i32
    %c0_i32_0 = arith.constant 0 : i32
    %c0_i32_1 = arith.constant 0 : i32
    return %c0_i32, %arg0, %c0_i32_0 : i32, i32, i32
  }
  func.func @transform_2(%arg0: i32) -> (i32, i32) {
    %c0_i32 = arith.constant 0 : i32
    %c0_i32_0 = arith.constant 0 : i32
    return %arg0, %c0_i32 : i32, i32
  }
  func.func @transform_3(%arg0: i32) -> (i32, i32) {
    %c0_i32 = arith.constant 0 : i32
    %c0_i32_0 = arith.constant 0 : i32
    %c0_i32_1 = arith.constant 0 : i32
    return %c0_i32, %c0_i32_0 : i32, i32
  }
  func.func @transform_4(%arg0: i32) -> (i32, i32) {
    %c0_i32 = arith.constant 0 : i32
    %c0_i32_0 = arith.constant 0 : i32
    %c0_i32_1 = arith.constant 0 : i32
    return %c0_i32, %c0_i32_0 : i32, i32
  }
  func.func @transform_5(%arg0: i32) -> (i32, i32) {
    %c0_i32 = arith.constant 0 : i32
    %c0_i32_0 = arith.constant 0 : i32
    %c0_i32_1 = arith.constant 0 : i32
    return %c0_i32, %c0_i32_0 : i32, i32
  }
  func.func @transform_6(%arg0: i32) -> (i32, i32) {
    %c0_i32 = arith.constant 0 : i32
    %c0_i32_0 = arith.constant 0 : i32
    %c0_i32_1 = arith.constant 0 : i32
    return %c0_i32, %c0_i32_0 : i32, i32
  }
  func.func @transform_7(%arg0: i32) -> (i32, i32) {
    %c0_i32 = arith.constant 0 : i32
    %c0_i32_0 = arith.constant 0 : i32
    %c0_i32_1 = arith.constant 0 : i32
    return %c0_i32, %c0_i32_0 : i32, i32
  }
  func.func @transform_8(%arg0: i32) -> (i32, i32) {
    %c0_i32 = arith.constant 0 : i32
    %c0_i32_0 = arith.constant 0 : i32
    %c0_i32_1 = arith.constant 0 : i32
    return %c0_i32, %c0_i32_0 : i32, i32
  }
  func.func @transform_9(%arg0: i32) -> (i32, i32) {
    %c0_i32 = arith.constant 0 : i32
    %c0_i32_0 = arith.constant 0 : i32
    %c0_i32_1 = arith.constant 0 : i32
    return %c0_i32, %c0_i32_0 : i32, i32
  }
  func.func @transform_10(%arg0: i32) -> (i32, i32) {
    %c0_i32 = arith.constant 0 : i32
    %c0_i32_0 = arith.constant 0 : i32
    return %arg0, %c0_i32 : i32, i32
  }
}

</mosaic_0001>

<sc_bundles>
// kernel: kernel.12.cloned.1.call-start
scs
__scs_entry_jumppad:
0x0: {  	(pc) =	sbr.rel $0x88, $3  }
0x1: {  	(tag) =	ssettag $0x0;
	lr =	simm.s32 $0x1  }
0x2: {  	[smem:$0x3F8C] =	sst lr;
	_ =	strace $0xD0000000  }
0x3: {  	_ = 	snop  }
0x4: {  	_ = 	snop  }
0x5: {  	_ = 	snop  }
0x6: {  	_ = 	snop  }
0x7: {  	_ = 	snop  }
__scs_overlays_trampoline_lowered:
0x8: {  	[smem:$0x3F9B] =	sst s0  }
0x9: {  	[smem:$0x3F9C] =	sst s1  }
0xa: {  	[smem:$0x3F9D] =	sst s2  }
0xb: {  	[smem:$0x3F9E] =	sst s3  }
0xc: {  	[smem:$0x3F9F] =	sst s4  }
0xd: {  	[smem:$0x3FA0] =	sst s5  }
0xe: {  	[smem:$0x3FA1] =	sst s6  }
0xf: {  	[smem:$0x3FA2] =	sst s7  }
0x10: {  	[smem:$0x3FA3] =	sst s8  }
0x11: {  	[smem:$0x3FA4] =	sst s9;
	s0 =	simm.s32 @!p0 $0x0  }
0x12: {  	s1 =	sld [smem:$0x3F8A];
	s0 =	simm.s32 @p0 $0x1  }
0x13: {  	[smem:$0x3FA5] =	sst s0;
	s0 =	simm.s32 @!p1 $0x0  }
0x14: {  	s2 =	sld [smem:$0x3F89];
	s0 =	simm.s32 @p1 $0x1  }
0x15: {  	[smem:$0x3FA6] =	sst s0;
	s0 =	simm.s32 @!p2 $0x0  }
0x16: {  	s3 =	sld [smem:$0x3FDB];
	s0 =	simm.s32 @p2 $0x1  }
0x17: {  	s4 =	simm.s32 $0x1BF5;
	[smem:$0x3FA8] =	sst s0  }
0x18: {  	s0 =	sld [smem:$0x3F8B];
	_ =	swait.ge [sflag:s4], $0x0  }
0x19: {  	s7 =	sld [smem:$0x3F8C]  }
0x1a: {  	s8 =	sadd.s32 $0xFFFFE003, lr  }
0x1b: {  	s9 =	sadd.s32 $0xFFFFFEF7, lr;
	s5 =	simm.s32 $0xFFFFFFFF;
	p2 =	slt.u32 s8, $0xFFFFF086  }
0x1c: {  	p1 =	slt.u32 s9, $0xF7A;
	s5 =	simm.s32 @!p2 $0x0  }
0x1d: {  	s5 =	simm.s32 @p1 $0x1;
	p0 =	seq.s32 s7, s2  }
0x1e: {  	s7 =	smul.u32 @!p0 $0xF7A, s2;
	p2 =	seq.s32 @!p0 s5, $0x0  }
0x1f: {  	s9 =	smul.u32 $0xF7A, s1;
	s8 =	simm.s32 @!p0 $0x1BF5;
	p2 =	por !p2, p0  }
0x20: {  	[sflag:s8] =	ssyncset.s32 @!p0 $0xFFFFF086;
	s6 =	sadd.s32 @!p0 s3, s7;
	s7 =	simm.s32 @!p0 $0x108  }
0x21: {  	s3 =	sadd.s32 s3, s9;
	s6 =	sadd.s32 @!p0 $0x88, s6;
	s7 =	simm.s32 @p2 $0x1082  }
0x22: {  	[simem:s7], [sflag:s8] =	dma.local @!p0 [hbm:s6], $0xF7A  }
0x23: {  	s9 =	sor.u32 $0xD0000000, s2;
	s6 =	simm.s32 $0x108;
	_ =	swait.ge @!p0 [sflag:s8], $0x0  }
0x24: {  	s3 =	sadd.s32 $0x88, s3;
	s6 =	simm.s32 @!p1 $0x1082;
	[sflag:s4] =	ssyncset.s32 $0xFFFFF086  }
0x25: {  	[simem:s6], [sflag:s4] =	dma.local [hbm:s3], $0xF7A  }
0x26: {  	[smem:$0x3F8C] =	sst s1;
	(tag) =	ssettag s2;
	_ =	strace s9  }
0x27: {  	s1 =	sld [smem:$0x3F9C]  }
0x28: {  	s2 =	sld [smem:$0x3F9D]  }
0x29: {  	s4 =	sld [smem:$0x3F9F]  }
0x2a: {  	p0 =	seq.s32 s5, $0x0;
	s5 =	sld [smem:$0x3FA0]  }
0x2b: {  	s6 =	sld [smem:$0x3FA1]  }
0x2c: {  	s7 =	sld [smem:$0x3FA2]  }
0x2d: {  	s3 =	simm.s32 $0x108;
	s8 =	sld [smem:$0x3FA3]  }
0x2e: {  	s3 =	simm.s32 @!p0 $0x1082;
	s9 =	sld [smem:$0x3FA4]  }
0x2f: {  	lr =	sadd.s32 s0, s3;
	s0 =	sld [smem:$0x3F9B]  }
0x30: {  	s3 =	sld [smem:$0x3F9E]  }
0x31: {  	[smem:$0x3FA7] =	sst s10  }
0x32: {  	s10 =	sld [smem:$0x3FA5];
	_ =	sdelay $0x3  }
0x33: {  	p0 =	seq.s32 s10, $0x1;
	s10 =	sld [smem:$0x3FA7];
	_ =	sdelay $0x3  }
0x34: {  	[smem:$0x3FA7] =	sst s10  }
0x35: {  	s10 =	sld [smem:$0x3FA6];
	_ =	sdelay $0x3  }
0x36: {  	p1 =	seq.s32 s10, $0x1;
	s10 =	sld [smem:$0x3FA7];
	_ =	sdelay $0x3  }
0x37: {  	[smem:$0x3FA7] =	sst s10  }
0x38: {  	s10 =	sld [smem:$0x3FA8]  }
0x39: {  	_ = 	snop;
	(pc) =	sbr.ind lr, $3  }
0x3a: {  	_ = 	snop  }
0x3b: {  	_ = 	snop  }
0x3c: {  	p2 =	seq.s32 s10, $0x1;
	s10 =	sld [smem:$0x3FA7]  }
0x3d: {  	_ =	shalt  }
0x3e: {  	_ =	shalt  }
0x3f: {  	_ =	shalt  }
0x40: {  	_ =	shalt  }
0x41: {  	_ =	shalt  }
0x42: {  	_ =	shalt  }
0x43: {  	_ =	shalt  }
0x44: {  	_ =	shalt  }
0x45: {  	_ =	shalt  }
0x46: {  	_ =	shalt  }
0x47: {  	_ =	shalt  }
0x48: {  	_ =	shalt  }
0x49: {  	_ =	shalt  }
0x4a: {  	_ =	shalt  }
0x4b: {  	_ =	shalt  }
0x4c: {  	_ =	shalt  }
0x4d: {  	_ =	shalt  }
0x4e: {  	_ =	shalt  }
0x4f: {  	_ =	shalt  }
0x50: {  	_ =	shalt  }
0x51: {  	_ =	shalt  }
0x52: {  	_ =	shalt  }
0x53: {  	_ =	shalt  }
0x54: {  	_ =	shalt  }
0x55: {  	_ =	shalt  }
0x56: {  	_ =	shalt  }
0x57: {  	_ =	shalt  }
0x58: {  	_ =	shalt  }
0x59: {  	_ =	shalt  }
0x5a: {  	_ =	shalt  }
0x5b: {  	_ =	shalt  }
0x5c: {  	_ =	shalt  }
0x5d: {  	_ =	shalt  }
0x5e: {  	_ =	shalt  }
0x5f: {  	_ =	shalt  }
0x60: {  	_ =	shalt  }
0x61: {  	_ =	shalt  }
0x62: {  	_ =	shalt  }
0x63: {  	_ =	shalt  }
0x64: {  	_ =	shalt  }
0x65: {  	_ =	shalt  }
0x66: {  	_ =	shalt  }
0x67: {  	_ =	shalt  }
0x68: {  	_ =	shalt  }
0x69: {  	_ =	shalt  }
0x6a: {  	_ =	shalt  }
0x6b: {  	_ =	shalt  }
0x6c: {  	_ =	shalt  }
0x6d: {  	_ =	shalt  }
0x6e: {  	_ =	shalt  }
0x6f: {  	_ =	shalt  }
0x70: {  	_ =	shalt  }
0x71: {  	_ =	shalt  }
0x72: {  	_ =	shalt  }
0x73: {  	_ =	shalt  }
0x74: {  	_ =	shalt  }
0x75: {  	_ =	shalt  }
0x76: {  	_ =	shalt  }
0x77: {  	_ =	shalt  }
0x78: {  	_ =	shalt  }
0x79: {  	_ =	shalt  }
0x7a: {  	_ =	shalt  }
0x7b: {  	_ =	shalt  }
0x7c: {  	_ =	shalt  }
0x7d: {  	_ =	shalt  }
0x7e: {  	_ =	shalt  }
0x7f: {  	_ =	shalt  }
0x80: {  	_ =	shalt  }
0x81: {  	_ =	shalt  }
0x82: {  	_ =	shalt  }
0x83: {  	_ =	shalt  }
0x84: {  	_ =	shalt  }
0x85: {  	_ =	shalt  }
0x86: {  	_ =	shalt  }
0x87: {  	_ =	shalt  }
.Lfunc_end0:
.L_simem_size_0:
called_computation.1_lowered:
.L_overlay_start_0:
0x88: {  	s2 =	sld [smem:$0x3FD9]  }
0x89: {  	s3 =	sld [smem:$0x3FFE];
	_ =	sdelay $0x1  }
0x8a: {  	s1 =	srdreg.scid  }
0x8b: {  	s0 =	sand.u32 $0x1, s1  }
0x8c: {  	s17 =	sshll.u32 s0, $0xA;
	s2 =	sadd.s32 s3, s2  }
0x8d: {  	s2 =	sadd.s32 s2, s17  }
0x8e: {  	[smem:$0x3FB3] =	sst s2  }
0x8f: {  	_ = 	snop  }
0x90: {  	s2 =	sld [smem:$0x3FC9]  }
0x91: {  	s18 =	sld [smem:$0x3FD0];
	(tm) =	ssettm $0x1  }
0x92: {  	s4 =	sld [smem:$0x3FFB];
	_ =	sdelay $0x3  }
0x93: {  	_ =	strace s4  }
0x94: {  	s4 =	sld [smem:$0x3FFC];
	_ =	sdelay $0x3  }
0x95: {  	_ =	strace s4  }
0x96: {  	s4 =	sld [smem:$0x3FFD];
	_ =	sdelay $0x3  }
0x97: {  	_ =	strace s4  }
0x98: {  	_ =	strace $0x8FFFFFFF  }
0x99: {  	s19 =	sld [smem:$0x3FDB];
	_ =	sdelay $0x1  }
0x9a: {  	s5 =	simm.s32 $_scs_section_size  }
0x9b: {  	s6 =	simm.s32 $_size__tile_overlayer_lowered;
	s7 =	simm.s32 $_tile_overlayer_lowered  }
0x9c: {  	s22 =	simm.s32 $0x1BFF;
	s21 =	sshll.u32 s7, $0x1;
	s4 =	sadd.s32 s5, s19  }
0x9d: {  	s8 =	simm.s32 $0x0;
	s20 =	sshll.u32 s6, $0x1;
	s6 =	sadd.s32 s21, s4  }
0x9e: {  	[timem:s8], [sflag:s22] =	dma.local [hbm:s6], s20  }
0x9f: {  	_ =	swait.ge [sflag:s22], s20  }
0xa0: {  	s5 =	ssub.s32 $0x0, s20;
	[sflag:s22] =	ssyncset.done $0x0  }
0xa1: {  	[sflag:s22] =	ssyncadd.s32 s5;
	_ =	sdelay $0x1  }
0xa2: {  	s23 =	simm.s32 $0x1B8B  }
0xa3: {  	_ =	swait.ge [sflag:s23], $0x1  }
0xa4: {  	[sflag:s23] =	ssyncset.done $0x0  }
0xa5: {  	s25 =	simm.s32 $0x1B8E;
	s24 =	sld [smem:$0x3FFE];
	[sflag:s23] =	ssyncadd.s32 $0xFFFFFFFF  }
0xa6: {  	s26 =	simm.s32 $execute0_lowered;
	[smem:$0x3FD2] =	sst s25  }
0xa7: {  	s6 =	sshll.u32 s26, $0x1;
	_ =	strace $0x80000046;
	[dreg:$0x1] =	wrdreg $0xFFFFFFFF  }
0xa8: {  	s28 =	simm.s32 $_size_execute0_lowered;
	s4 =	sadd.s32 s4, s6;
	[dreg:$0x0] =	wrdreg $0x0  }
0xa9: {  	s6 =	sshll.u32 s28, $0x1;
	[dreg:$0x2] =	wrdreg s4  }
0xaa: {  	[dreg:$0x3] =	wrdreg s6  }
0xab: {  	[dreg:$0x4] =	wrdreg $0xC0  }
0xac: {  	_ =	task [dreg:s8], $0x5FFFF  }
0xad: {  	[dreg:$0x1] =	wrdreg $0xFFFFFFFF  }
0xae: {  	[dreg:$0x0] =	wrdreg $0x60  }
0xaf: {  	[dreg:$0x2] =	wrdreg s18  }
0xb0: {  	[dreg:$0x3] =	wrdreg s24  }
0xb1: {  	[dreg:$0x4] =	wrdreg s2  }
0xb2: {  	[dreg:$0x5] =	wrdreg $0xA9000  }
0xb3: {  	[dreg:$0x6] =	wrdreg $0xA  }
0xb4: {  	_ =	task.clear_ibuf [dreg:s8], $0x7FFFF;
	_ =	strace $0x90000046  }
0xb5: {  	s29 =	simm.s32 $0xA;
	_ =	strace $0x80000048  }
0xb6: {  	_ =	swait.ge [sflag:s29], $0x1  }
0xb7: {  	[sflag:s29] =	ssyncadd.s32 $0xFFFFFFFF  }
0xb8: {  	_ =	strace $0x90000048  }
0xb9: {  	_ =	sfence  }
0xba: {  	s30 =	sld [smem:$0x0];
	_ =	sdelay $0x2  }
0xbb: {  	s31 =	sshll.u32 s1, $0xD;
	s1 =	sshrl.u32 s1, $0x2  }
0xbc: {  	s3 =	sand.u32 $0x4000, s31;
	s1 =	sadd.s32 s1, s30  }
0xbd: {  	s0 =	sor.u32 s3, s0;
	s1 =	sshll.u32 s1, $0x11  }
0xbe: {  	s0 =	sor.u32 s1, s0  }
0xbf: {  	s0 =	sadd.s32 $0x8F2B, s0  }
0xc0: {  	[sflag:s0] =	ssyncadd.remote.s32 $0x1  }
0xc1: {  	_ =	sfence.sel $0xFFFF  }
0xc2: {  	[dreg:$0x0] =	wrdreg $0xFFFFFFFF;
	(pc) =	sbr.abs _section_cstart, $3  }
0xc3: {  	[dreg:$0x1] =	wrdreg $0xFFFFFFFF  }
0xc4: {  	_ =	task.clear_ibuf [dreg:s8], $0x2FFFF;
	_ =	strace $0x9FFFFFFF  }
0xc5: {  	(tm) =	ssettm $0x7FFFFFFF  }
tec
execute0_lowered:
.L_overlay_start_1:
0x0: {  	(tag) =	ssettag $0x1  }
0x1: {  	s0 =	rddreg [dreg:$0x0]  }
0x2: {  	s1 =	srdreg.scid;
	s6 =	rddreg [dreg:$0x1]  }
0x3: {  	s13 =	stileid.u32;
	s2 =	rddreg [dreg:$0x2];
	s17 =	simm.s32 $0x7  }
0x4: {  	s18 =	simm.s32 $0x2900;
	s19 =	simm.s32 $0x2800;
	s20 =	simm.s32 $0x80  }
0x5: {  	s21 =	simm.s32 $0x2880;
	s22 =	simm.s32 $0x6900;
	s23 =	simm.s32 $0x1  }
0x6: {  	s24 =	simm.s32 $0x5;
	s25 =	simm.s32 $0x3;
	s7 =	smul.u32 $0x14000, s13  }
0x7: {  	s28 =	simm.s32 $0x6;
	s29 =	simm.s32 $0x4;
	s10 =	smul.u32 $0x50000, s13  }
0x8: {  	s1 =	sand.u32 $0x1, s1;
	s3 =	sshll.u32 s13, $0x1;
	s31 =	smul.u32 $0xA00, s13  }
0x9: {  	s26 =	sadd.s32 $0xEC00, s6;
	s4 =	sor.u32 s1, s3;
	s5 =	smul.u32 $0x140000, s1  }
0xa: {  	s3 =	rddreg [dreg:$0x3];
	s9 =	ssub.s32 $0x2, s1;
	s1 =	smul.u32 $0x500, s1  }
0xb: {  	s11 =	smul.u32 $0x500, s4;
	s4 =	simm.s32 $0x0;
	s12 =	sshrl.u32 s9, $0x1  }
0xc: {  	s30 =	sshrl.u32 s10, $0x2;
	[smem:$0x7FF] =	sst s4;
	s7 =	sadd.s32 s7, s5  }
0xd: {  	s15 =	ssub.s32 s9, s12;
	_ =	strace $0x80000047;
	s8 =	sadd.s32 s11, s6  }
0xe: {  	[dreg:$0x5] =	wrdreg s26;
	s7 =	sshrl.u32 s7, $0x3;
	s11 =	sadd.s32 s0, s11  }
0xf: {  	s0 =	sadd.s32 s31, s0;
	s15 =	smax.u32 s15, $0x1;
	s26 =	simm.s32 $0x2  }
0x10: {  	s14 =	sadd.s32 s7, s6;
	s6 =	sadd.s32 $0x4C00, s8;
	s7 =	sadd.s32 s30, s3  }
0x11: {  	s13 =	sadd.s32 $0x10, s11;
	s0 =	sadd.s32 s1, s0;
	s1 =	simm.s32 $0x0  }
0x12: {  	s8 =	sadd.s32 $0x4000, s7;
	s9 =	sadd.s32 $0x8000, s7;
	s10 =	sadd.s32 $0xC000, s7  }
0x13: {  	s12 =	sadd.s32 $0x10000, s7;
	s14 =	sadd.s32 $0xF400, s14;
	s16 =	sadd.s32 $0x30, s0  }
.LBB2_1:
0x14: {  	[tilespmem:s4], [sflag:$0x7] =	stream.linear.gather [hbm4b:s6+s4], $0x2800, $0x38;
	[tilespmem:$0x1E900] =	vst v63  }
0x15: {  	_ =	swait.ge [sflag:s17], $0x2800  }
0x16: {  	[sflag:s17] =	ssyncset.done $0x0  }
0x17: {  	s0 =	rddreg [dreg:$0x5];
	[sflag:s17] =	ssyncadd.s32 $0xFFFFD800  }
0x18: {  	[tilespmem:s18], [sflag:$0x7] =	stream.linear.gather [hbm4b:s0+s4], $0x4000, $0x38;
	[tilespmem:$0x1E900] =	vst v63  }
0x19: {  	_ =	swait.ge [sflag:s17], $0x4000  }
0x1a: {  	[sflag:s17] =	ssyncset.done $0x0  }
0x1b: {  	[sflag:s17] =	ssyncadd.s32 $0xFFFFC000  }
0x1c: {  	[spmem:s7] =	stream.linear.scatter [tilespmem:s18], [sflag:$0x7], $0x4000, $0x38;
	[tilespmem:$0x1E900] =	vst v63  }
0x1d: {  	_ =	swait.ge [sflag:s17], $0x4000  }
0x1e: {  	[sflag:s17] =	ssyncset.done $0x0  }
0x1f: {  	[sflag:s17] =	ssyncadd.s32 $0xFFFFC000  }
0x20: {  	[spmem:s8] =	stream.linear.scatter [tilespmem:s18], [sflag:$0x7], $0x4000, $0x38;
	[tilespmem:$0x1E900] =	vst v63  }
0x21: {  	_ =	swait.ge [sflag:s17], $0x4000  }
0x22: {  	[sflag:s17] =	ssyncset.done $0x0  }
0x23: {  	[sflag:s17] =	ssyncadd.s32 $0xFFFFC000  }
0x24: {  	[spmem:s9] =	stream.linear.scatter [tilespmem:s18], [sflag:$0x7], $0x4000, $0x38;
	[tilespmem:$0x1E900] =	vst v63  }
0x25: {  	_ =	swait.ge [sflag:s17], $0x4000  }
0x26: {  	[sflag:s17] =	ssyncset.done $0x0  }
0x27: {  	[sflag:s17] =	ssyncadd.s32 $0xFFFFC000  }
0x28: {  	[spmem:s10] =	stream.linear.scatter [tilespmem:s18], [sflag:$0x7], $0x4000, $0x38;
	[tilespmem:$0x1E900] =	vst v63  }
0x29: {  	_ =	swait.ge [sflag:s17], $0x4000  }
0x2a: {  	[sflag:s17] =	ssyncset.done $0x0  }
0x2b: {  	[sflag:s17] =	ssyncadd.s32 $0xFFFFC000  }
0x2c: {  	[spmem:s12] =	stream.linear.scatter [tilespmem:s18], [sflag:$0x7], $0x4000, $0x38;
	[tilespmem:$0x1E900] =	vst v63  }
0x2d: {  	_ =	swait.ge [sflag:s17], $0x4000  }
0x2e: {  	[sflag:s17] =	ssyncset.done $0x0  }
0x2f: {  	[sflag:s17] =	ssyncadd.s32 $0xFFFFC000  }
0x30: {  	[bflag:$0x0] =	sbarrier.arrive $0xFFFF  }
0x31: {  	[tilespmem:s19], [sflag:$0x7] =	stream.linear.gather [hbm4b:s11+s4], $0x80, $0x38;
	[tilespmem:$0x1E900] =	vst v63  }
0x32: {  	_ =	swait.ge [sflag:s17], $0x80  }
0x33: {  	[sflag:s17] =	ssyncset.done $0x0  }
0x34: {  	[sflag:s17] =	ssyncadd.s32 $0xFFFFFF80  }
0x35: {  	[tilespmem:s18], [sflag:$0x1] =	stream.indirect.gather [hbm4b:s2+s20], $0x80, s19, s20, $0xb8;
	[tilespmem:$0x1E900] =	vst v63  }
0x36: {  	_ = 	snop  }
0x37: {  	[tilespmem:s21], [sflag:$0x7] =	stream.linear.gather [hbm4b:s13+s4], $0x80, $0x38;
	[tilespmem:$0x1E900] =	vst v63  }
0x38: {  	_ =	swait.ge [sflag:s17], $0x80  }
0x39: {  	[sflag:s17] =	ssyncset.done $0x0  }
0x3a: {  	[sflag:s17] =	ssyncadd.s32 $0xFFFFFF80  }
0x3b: {  	[tilespmem:s22], [sflag:$0x2] =	stream.indirect.gather [hbm4b:s2+s20], $0x80, s21, s20, $0xb8;
	[tilespmem:$0x1E900] =	vst v63  }
0x3c: {  	_ =	swait.ge [sflag:s23], $0x4000  }
0x3d: {  	[sflag:s23] =	ssyncset.done $0x0  }
0x3e: {  	s31 =	sadd.s32 $0xFFFFFFF0, s16;
	[sflag:s23] =	ssyncadd.s32 $0xFFFFC000  }
0x3f: {  	[tilespmem:s19], [sflag:$0x3] =	stream.linear.gather [hbm4b:s31+s4], $0x80, $0x38;
	[tilespmem:$0x1E900] =	vst v63  }
0x40: {  	s5 =	simm.s32 $0x0  }
0x41: {  	[spmem:s3] =	stream.indirect.scatter.add.f32 [tilespmem:s18], [sflag:$0x5], $0x80, s5, s20, $0xb8;
	[tilespmem:$0x1E900] =	vst v63  }
0x42: {  	_ =	swait.ge [sflag:s24], $0x4000  }
0x43: {  	[sflag:s24] =	ssyncset.done $0x0  }
0x44: {  	[sflag:s24] =	ssyncadd.s32 $0xFFFFC000  }
0x45: {  	_ =	swait.ge [sflag:s25], $0x80  }
0x46: {  	[sflag:s25] =	ssyncset.done $0x0  }
0x47: {  	[sflag:s25] =	ssyncadd.s32 $0xFFFFFF80  }
0x48: {  	[tilespmem:s18], [sflag:$0x1] =	stream.indirect.gather [hbm4b:s2+s20], $0x80, s19, s20, $0xb8;
	[tilespmem:$0x1E900] =	vst v63  }
0x49: {  	_ =	swait.ge [sflag:s26], $0x4000  }
0x4a: {  	[sflag:s26] =	ssyncset.done $0x0  }
0x4b: {  	[sflag:s26] =	ssyncadd.s32 $0xFFFFC000  }
0x4c: {  	[tilespmem:s21], [sflag:$0x4] =	stream.linear.gather [hbm4b:s16+s4], $0x80, $0x38;
	[tilespmem:$0x1E900] =	vst v63  }
0x4d: {  	s31 =	simm.s32 $0x80  }
0x4e: {  	[spmem:s3] =	stream.indirect.scatter.add.f32 [tilespmem:s22], [sflag:$0x6], $0x80, s31, s20, $0xb8;
	[tilespmem:$0x1E900] =	vst v63  }
0x4f: {  	_ =	swait.ge [sflag:s28], $0x4000  }
0x50: {  	[sflag:s28] =	ssyncset.done $0x0  }
0x51: {  	[sflag:s28] =	ssyncadd.s32 $0xFFFFC000  }
0x52: {  	_ =	swait.ge [sflag:s29], $0x80  }
0x53: {  	[sflag:s29] =	ssyncset.done $0x0  }
0x54: {  	s30 =	sadd.s32 $0x20, s16;
	s0 =	simm.s32 $0x400;
	[sflag:s29] =	ssyncadd.s32 $0xFFFFFF80  }
.LBB2_2:
0x55: {  	[tilespmem:s22], [sflag:$0x2] =	stream.indirect.gather [hbm4b:s2+s20], $0x80, s21, s20, $0xb8;
	[tilespmem:$0x1E900] =	vst v63  }
0x56: {  	s31 =	smov.u32 s0  }
0x57: {  	p0 =	sne.s32 s0, $0x9800;
	s0 =	sadd.s32 $0x400, s0;
	_ =	swait.ge [sflag:s23], $0x4000  }
0x58: {  	[sflag:s23] =	ssyncset.done $0x0  }
0x59: {  	s5 =	sadd.s32 $0xFFFFFFF0, s30;
	[sflag:s23] =	ssyncadd.s32 $0xFFFFC000  }
0x5a: {  	[tilespmem:s19], [sflag:$0x3] =	stream.linear.gather [hbm4b:s5+s4], $0x80, $0x38;
	[tilespmem:$0x1E900] =	vst v63  }
0x5b: {  	s5 =	sshra.s32 s31, $0x2  }
0x5c: {  	[spmem:s3] =	stream.indirect.scatter.add.f32 [tilespmem:s18], [sflag:$0x5], $0x80, s5, s20, $0xb8;
	[tilespmem:$0x1E900] =	vst v63  }
0x5d: {  	_ =	swait.ge [sflag:s24], $0x4000  }
0x5e: {  	[sflag:s24] =	ssyncset.done $0x0  }
0x5f: {  	[sflag:s24] =	ssyncadd.s32 $0xFFFFC000  }
0x60: {  	_ =	swait.ge [sflag:s25], $0x80  }
0x61: {  	[sflag:s25] =	ssyncset.done $0x0  }
0x62: {  	[sflag:s25] =	ssyncadd.s32 $0xFFFFFF80  }
0x63: {  	[tilespmem:s18], [sflag:$0x1] =	stream.indirect.gather [hbm4b:s2+s20], $0x80, s19, s20, $0xb8;
	[tilespmem:$0x1E900] =	vst v63  }
0x64: {  	_ =	swait.ge [sflag:s26], $0x4000  }
0x65: {  	[sflag:s26] =	ssyncset.done $0x0  }
0x66: {  	[sflag:s26] =	ssyncadd.s32 $0xFFFFC000  }
0x67: {  	[tilespmem:s21], [sflag:$0x4] =	stream.linear.gather [hbm4b:s30+s4], $0x80, $0x38;
	[tilespmem:$0x1E900] =	vst v63  }
0x68: {  	s5 =	sadd.s32 $0x80, s5  }
0x69: {  	[spmem:s3] =	stream.indirect.scatter.add.f32 [tilespmem:s22], [sflag:$0x6], $0x80, s5, s20, $0xb8;
	[tilespmem:$0x1E900] =	vst v63  }
0x6a: {  	_ =	swait.ge [sflag:s28], $0x4000  }
.Ltmp0:
0x6b: {  	[sflag:s28] =	ssyncset.done $0x0;
	(pc) =	sbr.rel @p0 .LBB2_2-.Ltmp0, $4  }
0x6c: {  	[sflag:s28] =	ssyncadd.s32 $0xFFFFC000  }
0x6d: {  	_ =	swait.ge [sflag:s29], $0x80  }
0x6e: {  	[sflag:s29] =	ssyncset.done $0x0  }
0x6f: {  	s30 =	sadd.s32 $0x20, s30;
	[sflag:s29] =	ssyncadd.s32 $0xFFFFFF80  }
0x70: {  	[tilespmem:s22], [sflag:$0x2] =	stream.indirect.gather [hbm4b:s2+s20], $0x80, s21, s20, $0xb8;
	[tilespmem:$0x1E900] =	vst v63  }
0x71: {  	_ =	swait.ge [sflag:s23], $0x4000  }
0x72: {  	[sflag:s23] =	ssyncset.done $0x0  }
0x73: {  	s0 =	simm.s32 $0x2700;
	[sflag:s23] =	ssyncadd.s32 $0xFFFFC000  }
0x74: {  	[spmem:s3] =	stream.indirect.scatter.add.f32 [tilespmem:s18], [sflag:$0x5], $0x80, s0, s20, $0xb8;
	[tilespmem:$0x1E900] =	vst v63  }
0x75: {  	_ =	swait.ge [sflag:s26], $0x4000  }
0x76: {  	[sflag:s26] =	ssyncset.done $0x0  }
0x77: {  	s30 =	simm.s32 $0x2780;
	[sflag:s26] =	ssyncadd.s32 $0xFFFFC000  }
0x78: {  	[spmem:s3] =	stream.indirect.scatter.add.f32 [tilespmem:s22], [sflag:$0x6], $0x80, s30, s20, $0xb8;
	[tilespmem:$0x1E900] =	vst v63  }
0x79: {  	_ =	swait.ge [sflag:s24], $0x4000  }
0x7a: {  	[sflag:s24] =	ssyncset.done $0x0  }
0x7b: {  	[sflag:s24] =	ssyncadd.s32 $0xFFFFC000  }
0x7c: {  	s31 =	stileid.u32;
	_ =	swait.ge [sflag:s28], $0x4000  }
0x7d: {  	s5 =	sshrl.u32 s7, $0x3;
	s1 =	sadd.s32 $0x1, s1;
	[sflag:s28] =	ssyncset.done $0x0  }
0x7e: {  	p0 =	sne.s32 s1, s15;
	s0 =	sshll.u32 s31, $0x6;
	[sflag:s28] =	ssyncadd.s32 $0xFFFFC000  }
.Ltmp1:
0x7f: {  	s0 =	sor.u32 $0x1C07, s0;
	[bflag:$0x0] =	sbarrier.arrive $0xFFFF;
	(pc) =	sbr.rel @p0 .LBB2_1-.Ltmp1, $4  }
0x80: {  	[hbm:s14], [sflag:s0] =	dma.local [spmem:s5], $0x2800  }
0x81: {  	_ =	swait.ge [sflag:s17], $0x2800  }
0x82: {  	[sflag:s17] =	ssyncset.done $0x0  }
0x83: {  	[sflag:s17] =	ssyncadd.s32 $0xFFFFD800  }
0x84: {  	_ =	sfence.sel $0x180000  }
0x85: {  	[bflag:$0x0] =	sbarrier.arrive $0xFFFF  }
0x86: {  	_ =	strace $0x90000047  }
0x87: {  	s0 =	stileid.u32;
	[bflag:$0x2] =	sbarrier.arrive $0xFFFF  }
0x88: {  	p0 =	sne.s32 s0, $0x0;
	s0 =	rddreg [dreg:$0x4]  }
0x89: {  	s0 =	sadd.s32 @!p0 $0x100000, s0  }
0x8a: {  	[sflag:s0] =	ssyncadd.tile.s32 @!p0 $0x1;
	_ =	shalt  }
.Lfunc_end2:
_tile_overlayer_lowered:
.L_overlay_start_2:
0x8b: {  	(tag) =	ssettag $0x2  }
0x8c: {  	s0 =	rddreg [dreg:$0x0];
	s2 =	stileid.u32  }
0x8d: {  	s1 =	rddreg [dreg:$0x1];
	p0 =	sne.s32 s2, $0x0  }
0x8e: {  	s3 =	rddreg [dreg:$0x2];
	[bflag:$0x3] =	sbarrier.arrive $0xFFFF;
	s2 =	simm.s32 @!p0 $0x1C07  }
0x8f: {  	[timem:s3], [sflag:s2] =	dma.local @!p0 [hbm:s0], s1  }
0x90: {  	s0 =	simm.s32 @!p0 $0x7  }
0x91: {  	_ =	swait.ge @!p0 [sflag:s0], s1  }
0x92: {  	s1 =	ssub.s32 @!p0 $0x0, s1;
	[sflag:s0] =	ssyncset.done @!p0 $0x0  }
0x93: {  	[sflag:s0] =	ssyncadd.s32 @!p0 s1  }
0x94: {  	[bflag:$0x3] =	sbarrier.arrive $0xFFFF  }
0x95: {  	_ =	shalt  }

// kernel: kernel.15.cloned.1.call-start
scs
__scs_entry_jumppad:
0x0: {  	(pc) =	sbr.rel $0x88, $3  }
0x1: {  	(tag) =	ssettag $0x0;
	lr =	simm.s32 $0x1  }
0x2: {  	[smem:$0x3F8C] =	sst lr;
	_ =	strace $0xD0000000  }
0x3: {  	_ = 	snop  }
0x4: {  	_ = 	snop  }
0x5: {  	_ = 	snop  }
0x6: {  	_ = 	snop  }
0x7: {  	_ = 	snop  }
__scs_overlays_trampoline_lowered:
0x8: {  	[smem:$0x3F9B] =	sst s0  }
0x9: {  	[smem:$0x3F9C] =	sst s1  }
0xa: {  	[smem:$0x3F9D] =	sst s2  }
0xb: {  	[smem:$0x3F9E] =	sst s3  }
0xc: {  	[smem:$0x3F9F] =	sst s4  }
0xd: {  	[smem:$0x3FA0] =	sst s5  }
0xe: {  	[smem:$0x3FA1] =	sst s6  }
0xf: {  	[smem:$0x3FA2] =	sst s7  }
0x10: {  	[smem:$0x3FA3] =	sst s8  }
0x11: {  	[smem:$0x3FA4] =	sst s9;
	s0 =	simm.s32 @!p0 $0x0  }
0x12: {  	s1 =	sld [smem:$0x3F8A];
	s0 =	simm.s32 @p0 $0x1  }
0x13: {  	[smem:$0x3FA5] =	sst s0;
	s0 =	simm.s32 @!p1 $0x0  }
0x14: {  	s2 =	sld [smem:$0x3F89];
	s0 =	simm.s32 @p1 $0x1  }
0x15: {  	[smem:$0x3FA6] =	sst s0;
	s0 =	simm.s32 @!p2 $0x0  }
0x16: {  	s3 =	sld [smem:$0x3FDB];
	s0 =	simm.s32 @p2 $0x1  }
0x17: {  	s4 =	simm.s32 $0x1BF5;
	[smem:$0x3FA8] =	sst s0  }
0x18: {  	s0 =	sld [smem:$0x3F8B];
	_ =	swait.ge [sflag:s4], $0x0  }
0x19: {  	s7 =	sld [smem:$0x3F8C]  }
0x1a: {  	s8 =	sadd.s32 $0xFFFFE003, lr  }
0x1b: {  	s9 =	sadd.s32 $0xFFFFFEF7, lr;
	s5 =	simm.s32 $0xFFFFFFFF;
	p2 =	slt.u32 s8, $0xFFFFF086  }
0x1c: {  	p1 =	slt.u32 s9, $0xF7A;
	s5 =	simm.s32 @!p2 $0x0  }
0x1d: {  	s5 =	simm.s32 @p1 $0x1;
	p0 =	seq.s32 s7, s2  }
0x1e: {  	s7 =	smul.u32 @!p0 $0xF7A, s2;
	p2 =	seq.s32 @!p0 s5, $0x0  }
0x1f: {  	s9 =	smul.u32 $0xF7A, s1;
	s8 =	simm.s32 @!p0 $0x1BF5;
	p2 =	por !p2, p0  }
0x20: {  	[sflag:s8] =	ssyncset.s32 @!p0 $0xFFFFF086;
	s6 =	sadd.s32 @!p0 s3, s7;
	s7 =	simm.s32 @!p0 $0x108  }
0x21: {  	s3 =	sadd.s32 s3, s9;
	s6 =	sadd.s32 @!p0 $0x88, s6;
	s7 =	simm.s32 @p2 $0x1082  }
0x22: {  	[simem:s7], [sflag:s8] =	dma.local @!p0 [hbm:s6], $0xF7A  }
0x23: {  	s9 =	sor.u32 $0xD0000000, s2;
	s6 =	simm.s32 $0x108;
	_ =	swait.ge @!p0 [sflag:s8], $0x0  }
0x24: {  	s3 =	sadd.s32 $0x88, s3;
	s6 =	simm.s32 @!p1 $0x1082;
	[sflag:s4] =	ssyncset.s32 $0xFFFFF086  }
0x25: {  	[simem:s6], [sflag:s4] =	dma.local [hbm:s3], $0xF7A  }
0x26: {  	[smem:$0x3F8C] =	sst s1;
	(tag) =	ssettag s2;
	_ =	strace s9  }
0x27: {  	s1 =	sld [smem:$0x3F9C]  }
0x28: {  	s2 =	sld [smem:$0x3F9D]  }
0x29: {  	s4 =	sld [smem:$0x3F9F]  }
0x2a: {  	p0 =	seq.s32 s5, $0x0;
	s5 =	sld [smem:$0x3FA0]  }
0x2b: {  	s6 =	sld [smem:$0x3FA1]  }
0x2c: {  	s7 =	sld [smem:$0x3FA2]  }
0x2d: {  	s3 =	simm.s32 $0x108;
	s8 =	sld [smem:$0x3FA3]  }
0x2e: {  	s3 =	simm.s32 @!p0 $0x1082;
	s9 =	sld [smem:$0x3FA4]  }
0x2f: {  	lr =	sadd.s32 s0, s3;
	s0 =	sld [smem:$0x3F9B]  }
0x30: {  	s3 =	sld [smem:$0x3F9E]  }
0x31: {  	[smem:$0x3FA7] =	sst s10  }
0x32: {  	s10 =	sld [smem:$0x3FA5];
	_ =	sdelay $0x3  }
0x33: {  	p0 =	seq.s32 s10, $0x1;
	s10 =	sld [smem:$0x3FA7];
	_ =	sdelay $0x3  }
0x34: {  	[smem:$0x3FA7] =	sst s10  }
0x35: {  	s10 =	sld [smem:$0x3FA6];
	_ =	sdelay $0x3  }
0x36: {  	p1 =	seq.s32 s10, $0x1;
	s10 =	sld [smem:$0x3FA7];
	_ =	sdelay $0x3  }
0x37: {  	[smem:$0x3FA7] =	sst s10  }
0x38: {  	s10 =	sld [smem:$0x3FA8]  }
0x39: {  	_ = 	snop;
	(pc) =	sbr.ind lr, $3  }
0x3a: {  	_ = 	snop  }
0x3b: {  	_ = 	snop  }
0x3c: {  	p2 =	seq.s32 s10, $0x1;
	s10 =	sld [smem:$0x3FA7]  }
0x3d: {  	_ =	shalt  }
0x3e: {  	_ =	shalt  }
0x3f: {  	_ =	shalt  }
0x40: {  	_ =	shalt  }
0x41: {  	_ =	shalt  }
0x42: {  	_ =	shalt  }
0x43: {  	_ =	shalt  }
0x44: {  	_ =	shalt  }
0x45: {  	_ =	shalt  }
0x46: {  	_ =	shalt  }
0x47: {  	_ =	shalt  }
0x48: {  	_ =	shalt  }
0x49: {  	_ =	shalt  }
0x4a: {  	_ =	shalt  }
0x4b: {  	_ =	shalt  }
0x4c: {  	_ =	shalt  }
0x4d: {  	_ =	shalt  }
0x4e: {  	_ =	shalt  }
0x4f: {  	_ =	shalt  }
0x50: {  	_ =	shalt  }
0x51: {  	_ =	shalt  }
0x52: {  	_ =	shalt  }
0x53: {  	_ =	shalt  }
0x54: {  	_ =	shalt  }
0x55: {  	_ =	shalt  }
0x56: {  	_ =	shalt  }
0x57: {  	_ =	shalt  }
0x58: {  	_ =	shalt  }
0x59: {  	_ =	shalt  }
0x5a: {  	_ =	shalt  }
0x5b: {  	_ =	shalt  }
0x5c: {  	_ =	shalt  }
0x5d: {  	_ =	shalt  }
0x5e: {  	_ =	shalt  }
0x5f: {  	_ =	shalt  }
0x60: {  	_ =	shalt  }
0x61: {  	_ =	shalt  }
0x62: {  	_ =	shalt  }
0x63: {  	_ =	shalt  }
0x64: {  	_ =	shalt  }
0x65: {  	_ =	shalt  }
0x66: {  	_ =	shalt  }
0x67: {  	_ =	shalt  }
0x68: {  	_ =	shalt  }
0x69: {  	_ =	shalt  }
0x6a: {  	_ =	shalt  }
0x6b: {  	_ =	shalt  }
0x6c: {  	_ =	shalt  }
0x6d: {  	_ =	shalt  }
0x6e: {  	_ =	shalt  }
0x6f: {  	_ =	shalt  }
0x70: {  	_ =	shalt  }
0x71: {  	_ =	shalt  }
0x72: {  	_ =	shalt  }
0x73: {  	_ =	shalt  }
0x74: {  	_ =	shalt  }
0x75: {  	_ =	shalt  }
0x76: {  	_ =	shalt  }
0x77: {  	_ =	shalt  }
0x78: {  	_ =	shalt  }
0x79: {  	_ =	shalt  }
0x7a: {  	_ =	shalt  }
0x7b: {  	_ =	shalt  }
0x7c: {  	_ =	shalt  }
0x7d: {  	_ =	shalt  }
0x7e: {  	_ =	shalt  }
0x7f: {  	_ =	shalt  }
0x80: {  	_ =	shalt  }
0x81: {  	_ =	shalt  }
0x82: {  	_ =	shalt  }
0x83: {  	_ =	shalt  }
0x84: {  	_ =	shalt  }
0x85: {  	_ =	shalt  }
0x86: {  	_ =	shalt  }
0x87: {  	_ =	shalt  }
.Lfunc_end0:
.L_simem_size_0:
called_computation.2_lowered:
.L_overlay_start_0:
0x88: {  	s2 =	sld [smem:$0x3FD9]  }
0x89: {  	s3 =	sld [smem:$0x3FFE];
	_ =	sdelay $0x1  }
0x8a: {  	s1 =	srdreg.scid  }
0x8b: {  	s0 =	sand.u32 $0x1, s1  }
0x8c: {  	s17 =	sshll.u32 s0, $0xA;
	s2 =	sadd.s32 s3, s2  }
0x8d: {  	s2 =	sadd.s32 s2, s17  }
0x8e: {  	[smem:$0x3FB3] =	sst s2  }
0x8f: {  	_ = 	snop  }
0x90: {  	s2 =	sld [smem:$0x3FD0];
	(tm) =	ssettm $0x1  }
0x91: {  	s18 =	sld [smem:$0x3FFB];
	_ =	sdelay $0x3  }
0x92: {  	_ =	strace s18  }
0x93: {  	s3 =	sld [smem:$0x3FFC];
	_ =	sdelay $0x3  }
0x94: {  	_ =	strace s3  }
0x95: {  	s3 =	sld [smem:$0x3FFD];
	_ =	sdelay $0x3  }
0x96: {  	_ =	strace s3  }
0x97: {  	_ =	strace $0x8FFFFFFF  }
0x98: {  	s19 =	sld [smem:$0x3FDB];
	_ =	sdelay $0x1  }
0x99: {  	s4 =	simm.s32 $_scs_section_size  }
0x9a: {  	s5 =	simm.s32 $_size__tile_overlayer_lowered;
	s6 =	simm.s32 $_tile_overlayer_lowered  }
0x9b: {  	s22 =	simm.s32 $0x1BFF;
	s21 =	sshll.u32 s6, $0x1;
	s3 =	sadd.s32 s4, s19  }
0x9c: {  	s7 =	simm.s32 $0x0;
	s20 =	sshll.u32 s5, $0x1;
	s5 =	sadd.s32 s21, s3  }
0x9d: {  	[timem:s7], [sflag:s22] =	dma.local [hbm:s5], s20  }
0x9e: {  	_ =	swait.ge [sflag:s22], s20  }
0x9f: {  	s4 =	ssub.s32 $0x0, s20;
	[sflag:s22] =	ssyncset.done $0x0  }
0xa0: {  	[sflag:s22] =	ssyncadd.s32 s4;
	_ =	sdelay $0x1  }
0xa1: {  	s23 =	simm.s32 $0x1B8B  }
0xa2: {  	_ =	swait.ge [sflag:s23], $0x1  }
0xa3: {  	[sflag:s23] =	ssyncset.done $0x0  }
0xa4: {  	s25 =	simm.s32 $0x1B8E;
	s24 =	sld [smem:$0x3FFE];
	[sflag:s23] =	ssyncadd.s32 $0xFFFFFFFF  }
0xa5: {  	s26 =	simm.s32 $execute0_lowered;
	[smem:$0x3FD2] =	sst s25  }
0xa6: {  	s5 =	sshll.u32 s26, $0x1;
	_ =	strace $0x8000004C;
	[dreg:$0x1] =	wrdreg $0xFFFFFFFF  }
0xa7: {  	s28 =	simm.s32 $_size_execute0_lowered;
	s3 =	sadd.s32 s3, s5;
	[dreg:$0x0] =	wrdreg $0x0  }
0xa8: {  	s5 =	sshll.u32 s28, $0x1;
	[dreg:$0x2] =	wrdreg s3  }
0xa9: {  	[dreg:$0x3] =	wrdreg s5  }
0xaa: {  	[dreg:$0x4] =	wrdreg $0xC0  }
0xab: {  	_ =	task [dreg:s7], $0x5FFFF  }
0xac: {  	[dreg:$0x1] =	wrdreg $0xFFFFFFFF  }
0xad: {  	[dreg:$0x0] =	wrdreg $0x60  }
0xae: {  	[dreg:$0x2] =	wrdreg s2  }
0xaf: {  	[dreg:$0x3] =	wrdreg s24  }
0xb0: {  	[dreg:$0x4] =	wrdreg $0xA9000  }
0xb1: {  	[dreg:$0x5] =	wrdreg $0x9  }
0xb2: {  	_ =	task.clear_ibuf [dreg:s7], $0x6FFFF;
	_ =	strace $0x9000004C  }
0xb3: {  	s29 =	simm.s32 $0x9;
	_ =	strace $0x8000004E  }
0xb4: {  	_ =	swait.ge [sflag:s29], $0x1  }
0xb5: {  	[sflag:s29] =	ssyncadd.s32 $0xFFFFFFFF  }
0xb6: {  	_ =	strace $0x9000004E  }
0xb7: {  	_ =	sfence  }
0xb8: {  	s30 =	sld [smem:$0x0];
	_ =	sdelay $0x2  }
0xb9: {  	s31 =	sshll.u32 s1, $0xD;
	s1 =	sshrl.u32 s1, $0x2  }
0xba: {  	s3 =	sand.u32 $0x4000, s31;
	s1 =	sadd.s32 s1, s30  }
0xbb: {  	s0 =	sor.u32 s3, s0;
	s1 =	sshll.u32 s1, $0x11  }
0xbc: {  	s0 =	sor.u32 s1, s0  }
0xbd: {  	s0 =	sadd.s32 $0x8F2B, s0  }
0xbe: {  	[sflag:s0] =	ssyncadd.remote.s32 $0x1  }
0xbf: {  	_ =	sfence.sel $0xFFFF  }
0xc0: {  	[dreg:$0x0] =	wrdreg $0xFFFFFFFF;
	(pc) =	sbr.abs _section_cstart, $3  }
0xc1: {  	[dreg:$0x1] =	wrdreg $0xFFFFFFFF  }
0xc2: {  	_ =	task.clear_ibuf [dreg:s7], $0x2FFFF;
	_ =	strace $0x9FFFFFFF  }
0xc3: {  	(tm) =	ssettm $0x7FFFFFFF  }
tec
execute0_lowered:
.L_overlay_start_1:
0x0: {  	(tag) =	ssettag $0x1  }
0x1: {  	s0 =	srdreg.scid  }
0x2: {  	s13 =	stileid.u32;
	s1 =	rddreg [dreg:$0x0]  }
0x3: {  	s6 =	rddreg [dreg:$0x1];
	s17 =	simm.s32 $0x7;
	s18 =	simm.s32 $0x2900  }
0x4: {  	s19 =	simm.s32 $0x2800;
	s20 =	simm.s32 $0x80;
	s21 =	simm.s32 $0x2880  }
0x5: {  	s22 =	simm.s32 $0x6900;
	s23 =	simm.s32 $0x1;
	s24 =	simm.s32 $0x5  }
0x6: {  	s25 =	simm.s32 $0x3;
	s28 =	simm.s32 $0x6;
	s7 =	smul.u32 $0x14000, s13  }
0x7: {  	s29 =	simm.s32 $0x4;
	s0 =	sand.u32 $0x1, s0;
	s10 =	smul.u32 $0x50000, s13  }
0x8: {  	s2 =	sshll.u32 s13, $0x1;
	s4 =	sadd.s32 $0xF400, s6;
	s31 =	smul.u32 $0xA00, s13  }
0x9: {  	s26 =	sadd.s32 $0xEC00, s6;
	s3 =	sor.u32 s0, s2;
	s5 =	smul.u32 $0x140000, s0  }
0xa: {  	s2 =	rddreg [dreg:$0x2];
	s9 =	ssub.s32 $0x2, s0;
	s0 =	smul.u32 $0x500, s0  }
0xb: {  	s11 =	smul.u32 $0x500, s3;
	s3 =	simm.s32 $0x0;
	s12 =	sshrl.u32 s9, $0x1  }
0xc: {  	s30 =	sshrl.u32 s10, $0x2;
	[smem:$0x7FF] =	sst s3;
	s7 =	sadd.s32 s7, s5  }
0xd: {  	s15 =	ssub.s32 s9, s12;
	_ =	strace $0x8000004D;
	s8 =	sadd.s32 s11, s6  }
0xe: {  	[dreg:$0x4] =	wrdreg s26;
	s7 =	sshrl.u32 s7, $0x3;
	s11 =	sadd.s32 s1, s11  }
0xf: {  	s1 =	sadd.s32 s31, s1;
	s15 =	smax.u32 s15, $0x1;
	s26 =	simm.s32 $0x2  }
0x10: {  	s14 =	sadd.s32 s7, s6;
	s6 =	sadd.s32 $0x4C00, s8;
	s7 =	sadd.s32 s30, s2  }
0x11: {  	s13 =	sadd.s32 $0x10, s11;
	s0 =	sadd.s32 s0, s1;
	s1 =	simm.s32 $0x0  }
0x12: {  	s8 =	sadd.s32 $0x4000, s7;
	s9 =	sadd.s32 $0x8000, s7;
	s10 =	sadd.s32 $0xC000, s7  }
0x13: {  	s12 =	sadd.s32 $0x10000, s7;
	s14 =	sadd.s32 $0xAFC00, s14;
	s16 =	sadd.s32 $0x30, s0  }
.LBB2_1:
0x14: {  	[tilespmem:s3], [sflag:$0x7] =	stream.linear.gather [hbm4b:s6+s3], $0x2800, $0x38;
	[tilespmem:$0x1E900] =	vst v63  }
0x15: {  	_ =	swait.ge [sflag:s17], $0x2800  }
0x16: {  	[sflag:s17] =	ssyncset.done $0x0  }
0x17: {  	s0 =	rddreg [dreg:$0x4];
	[sflag:s17] =	ssyncadd.s32 $0xFFFFD800  }
0x18: {  	[tilespmem:s18], [sflag:$0x7] =	stream.linear.gather [hbm4b:s0+s3], $0x4000, $0x38;
	[tilespmem:$0x1E900] =	vst v63  }
0x19: {  	_ =	swait.ge [sflag:s17], $0x4000  }
0x1a: {  	[sflag:s17] =	ssyncset.done $0x0  }
0x1b: {  	[sflag:s17] =	ssyncadd.s32 $0xFFFFC000  }
0x1c: {  	[spmem:s7] =	stream.linear.scatter [tilespmem:s18], [sflag:$0x7], $0x4000, $0x38;
	[tilespmem:$0x1E900] =	vst v63  }
0x1d: {  	_ =	swait.ge [sflag:s17], $0x4000  }
0x1e: {  	[sflag:s17] =	ssyncset.done $0x0  }
0x1f: {  	[sflag:s17] =	ssyncadd.s32 $0xFFFFC000  }
0x20: {  	[spmem:s8] =	stream.linear.scatter [tilespmem:s18], [sflag:$0x7], $0x4000, $0x38;
	[tilespmem:$0x1E900] =	vst v63  }
0x21: {  	_ =	swait.ge [sflag:s17], $0x4000  }
0x22: {  	[sflag:s17] =	ssyncset.done $0x0  }
0x23: {  	[sflag:s17] =	ssyncadd.s32 $0xFFFFC000  }
0x24: {  	[spmem:s9] =	stream.linear.scatter [tilespmem:s18], [sflag:$0x7], $0x4000, $0x38;
	[tilespmem:$0x1E900] =	vst v63  }
0x25: {  	_ =	swait.ge [sflag:s17], $0x4000  }
0x26: {  	[sflag:s17] =	ssyncset.done $0x0  }
0x27: {  	[sflag:s17] =	ssyncadd.s32 $0xFFFFC000  }
0x28: {  	[spmem:s10] =	stream.linear.scatter [tilespmem:s18], [sflag:$0x7], $0x4000, $0x38;
	[tilespmem:$0x1E900] =	vst v63  }
0x29: {  	_ =	swait.ge [sflag:s17], $0x4000  }
0x2a: {  	[sflag:s17] =	ssyncset.done $0x0  }
0x2b: {  	[sflag:s17] =	ssyncadd.s32 $0xFFFFC000  }
0x2c: {  	[spmem:s12] =	stream.linear.scatter [tilespmem:s18], [sflag:$0x7], $0x4000, $0x38;
	[tilespmem:$0x1E900] =	vst v63  }
0x2d: {  	_ =	swait.ge [sflag:s17], $0x4000  }
0x2e: {  	[sflag:s17] =	ssyncset.done $0x0  }
0x2f: {  	[sflag:s17] =	ssyncadd.s32 $0xFFFFC000  }
0x30: {  	[bflag:$0x0] =	sbarrier.arrive $0xFFFF  }
0x31: {  	[tilespmem:s19], [sflag:$0x7] =	stream.linear.gather [hbm4b:s11+s3], $0x80, $0x38;
	[tilespmem:$0x1E900] =	vst v63  }
0x32: {  	_ =	swait.ge [sflag:s17], $0x80  }
0x33: {  	[sflag:s17] =	ssyncset.done $0x0  }
0x34: {  	[sflag:s17] =	ssyncadd.s32 $0xFFFFFF80  }
0x35: {  	[tilespmem:s18], [sflag:$0x1] =	stream.indirect.gather [hbm4b:s4+s20], $0x80, s19, s20, $0xb8;
	[tilespmem:$0x1E900] =	vst v63  }
0x36: {  	_ = 	snop  }
0x37: {  	[tilespmem:s21], [sflag:$0x7] =	stream.linear.gather [hbm4b:s13+s3], $0x80, $0x38;
	[tilespmem:$0x1E900] =	vst v63  }
0x38: {  	_ =	swait.ge [sflag:s17], $0x80  }
0x39: {  	[sflag:s17] =	ssyncset.done $0x0  }
0x3a: {  	[sflag:s17] =	ssyncadd.s32 $0xFFFFFF80  }
0x3b: {  	[tilespmem:s22], [sflag:$0x2] =	stream.indirect.gather [hbm4b:s4+s20], $0x80, s21, s20, $0xb8;
	[tilespmem:$0x1E900] =	vst v63  }
0x3c: {  	_ =	swait.ge [sflag:s23], $0x4000  }
0x3d: {  	[sflag:s23] =	ssyncset.done $0x0  }
0x3e: {  	s31 =	sadd.s32 $0xFFFFFFF0, s16;
	[sflag:s23] =	ssyncadd.s32 $0xFFFFC000  }
0x3f: {  	[tilespmem:s19], [sflag:$0x3] =	stream.linear.gather [hbm4b:s31+s3], $0x80, $0x38;
	[tilespmem:$0x1E900] =	vst v63  }
0x40: {  	s5 =	simm.s32 $0x0  }
0x41: {  	[spmem:s2] =	stream.indirect.scatter.add.f32 [tilespmem:s18], [sflag:$0x5], $0x80, s5, s20, $0xb8;
	[tilespmem:$0x1E900] =	vst v63  }
0x42: {  	_ =	swait.ge [sflag:s24], $0x4000  }
0x43: {  	[sflag:s24] =	ssyncset.done $0x0  }
0x44: {  	[sflag:s24] =	ssyncadd.s32 $0xFFFFC000  }
0x45: {  	_ =	swait.ge [sflag:s25], $0x80  }
0x46: {  	[sflag:s25] =	ssyncset.done $0x0  }
0x47: {  	[sflag:s25] =	ssyncadd.s32 $0xFFFFFF80  }
0x48: {  	[tilespmem:s18], [sflag:$0x1] =	stream.indirect.gather [hbm4b:s4+s20], $0x80, s19, s20, $0xb8;
	[tilespmem:$0x1E900] =	vst v63  }
0x49: {  	_ =	swait.ge [sflag:s26], $0x4000  }
0x4a: {  	[sflag:s26] =	ssyncset.done $0x0  }
0x4b: {  	[sflag:s26] =	ssyncadd.s32 $0xFFFFC000  }
0x4c: {  	[tilespmem:s21], [sflag:$0x4] =	stream.linear.gather [hbm4b:s16+s3], $0x80, $0x38;
	[tilespmem:$0x1E900] =	vst v63  }
0x4d: {  	s31 =	simm.s32 $0x80  }
0x4e: {  	[spmem:s2] =	stream.indirect.scatter.add.f32 [tilespmem:s22], [sflag:$0x6], $0x80, s31, s20, $0xb8;
	[tilespmem:$0x1E900] =	vst v63  }
0x4f: {  	_ =	swait.ge [sflag:s28], $0x4000  }
0x50: {  	[sflag:s28] =	ssyncset.done $0x0  }
0x51: {  	[sflag:s28] =	ssyncadd.s32 $0xFFFFC000  }
0x52: {  	_ =	swait.ge [sflag:s29], $0x80  }
0x53: {  	[sflag:s29] =	ssyncset.done $0x0  }
0x54: {  	s30 =	sadd.s32 $0x20, s16;
	s0 =	simm.s32 $0x400;
	[sflag:s29] =	ssyncadd.s32 $0xFFFFFF80  }
.LBB2_2:
0x55: {  	[tilespmem:s22], [sflag:$0x2] =	stream.indirect.gather [hbm4b:s4+s20], $0x80, s21, s20, $0xb8;
	[tilespmem:$0x1E900] =	vst v63  }
0x56: {  	s31 =	smov.u32 s0  }
0x57: {  	p0 =	sne.s32 s0, $0x9800;
	s0 =	sadd.s32 $0x400, s0;
	_ =	swait.ge [sflag:s23], $0x4000  }
0x58: {  	[sflag:s23] =	ssyncset.done $0x0  }
0x59: {  	s5 =	sadd.s32 $0xFFFFFFF0, s30;
	[sflag:s23] =	ssyncadd.s32 $0xFFFFC000  }
0x5a: {  	[tilespmem:s19], [sflag:$0x3] =	stream.linear.gather [hbm4b:s5+s3], $0x80, $0x38;
	[tilespmem:$0x1E900] =	vst v63  }
0x5b: {  	s5 =	sshra.s32 s31, $0x2  }
0x5c: {  	[spmem:s2] =	stream.indirect.scatter.add.f32 [tilespmem:s18], [sflag:$0x5], $0x80, s5, s20, $0xb8;
	[tilespmem:$0x1E900] =	vst v63  }
0x5d: {  	_ =	swait.ge [sflag:s24], $0x4000  }
0x5e: {  	[sflag:s24] =	ssyncset.done $0x0  }
0x5f: {  	[sflag:s24] =	ssyncadd.s32 $0xFFFFC000  }
0x60: {  	_ =	swait.ge [sflag:s25], $0x80  }
0x61: {  	[sflag:s25] =	ssyncset.done $0x0  }
0x62: {  	[sflag:s25] =	ssyncadd.s32 $0xFFFFFF80  }
0x63: {  	[tilespmem:s18], [sflag:$0x1] =	stream.indirect.gather [hbm4b:s4+s20], $0x80, s19, s20, $0xb8;
	[tilespmem:$0x1E900] =	vst v63  }
0x64: {  	_ =	swait.ge [sflag:s26], $0x4000  }
0x65: {  	[sflag:s26] =	ssyncset.done $0x0  }
0x66: {  	[sflag:s26] =	ssyncadd.s32 $0xFFFFC000  }
0x67: {  	[tilespmem:s21], [sflag:$0x4] =	stream.linear.gather [hbm4b:s30+s3], $0x80, $0x38;
	[tilespmem:$0x1E900] =	vst v63  }
0x68: {  	s5 =	sadd.s32 $0x80, s5  }
0x69: {  	[spmem:s2] =	stream.indirect.scatter.add.f32 [tilespmem:s22], [sflag:$0x6], $0x80, s5, s20, $0xb8;
	[tilespmem:$0x1E900] =	vst v63  }
0x6a: {  	_ =	swait.ge [sflag:s28], $0x4000  }
.Ltmp0:
0x6b: {  	[sflag:s28] =	ssyncset.done $0x0;
	(pc) =	sbr.rel @p0 .LBB2_2-.Ltmp0, $4  }
0x6c: {  	[sflag:s28] =	ssyncadd.s32 $0xFFFFC000  }
0x6d: {  	_ =	swait.ge [sflag:s29], $0x80  }
0x6e: {  	[sflag:s29] =	ssyncset.done $0x0  }
0x6f: {  	s30 =	sadd.s32 $0x20, s30;
	[sflag:s29] =	ssyncadd.s32 $0xFFFFFF80  }
0x70: {  	[tilespmem:s22], [sflag:$0x2] =	stream.indirect.gather [hbm4b:s4+s20], $0x80, s21, s20, $0xb8;
	[tilespmem:$0x1E900] =	vst v63  }
0x71: {  	_ =	swait.ge [sflag:s23], $0x4000  }
0x72: {  	[sflag:s23] =	ssyncset.done $0x0  }
0x73: {  	s0 =	simm.s32 $0x2700;
	[sflag:s23] =	ssyncadd.s32 $0xFFFFC000  }
0x74: {  	[spmem:s2] =	stream.indirect.scatter.add.f32 [tilespmem:s18], [sflag:$0x5], $0x80, s0, s20, $0xb8;
	[tilespmem:$0x1E900] =	vst v63  }
0x75: {  	_ =	swait.ge [sflag:s26], $0x4000  }
0x76: {  	[sflag:s26] =	ssyncset.done $0x0  }
0x77: {  	s30 =	simm.s32 $0x2780;
	[sflag:s26] =	ssyncadd.s32 $0xFFFFC000  }
0x78: {  	[spmem:s2] =	stream.indirect.scatter.add.f32 [tilespmem:s22], [sflag:$0x6], $0x80, s30, s20, $0xb8;
	[tilespmem:$0x1E900] =	vst v63  }
0x79: {  	_ =	swait.ge [sflag:s24], $0x4000  }
0x7a: {  	[sflag:s24] =	ssyncset.done $0x0  }
0x7b: {  	[sflag:s24] =	ssyncadd.s32 $0xFFFFC000  }
0x7c: {  	s31 =	stileid.u32;
	_ =	swait.ge [sflag:s28], $0x4000  }
0x7d: {  	s5 =	sshrl.u32 s7, $0x3;
	s1 =	sadd.s32 $0x1, s1;
	[sflag:s28] =	ssyncset.done $0x0  }
0x7e: {  	p0 =	sne.s32 s1, s15;
	s0 =	sshll.u32 s31, $0x6;
	[sflag:s28] =	ssyncadd.s32 $0xFFFFC000  }
.Ltmp1:
0x7f: {  	s0 =	sor.u32 $0x1C07, s0;
	[bflag:$0x0] =	sbarrier.arrive $0xFFFF;
	(pc) =	sbr.rel @p0 .LBB2_1-.Ltmp1, $4  }
0x80: {  	[hbm:s14], [sflag:s0] =	dma.local [spmem:s5], $0x2800  }
0x81: {  	_ =	swait.ge [sflag:s17], $0x2800  }
0x82: {  	[sflag:s17] =	ssyncset.done $0x0  }
0x83: {  	[sflag:s17] =	ssyncadd.s32 $0xFFFFD800  }
0x84: {  	_ =	sfence.sel $0x180000  }
0x85: {  	[bflag:$0x0] =	sbarrier.arrive $0xFFFF  }
0x86: {  	_ =	strace $0x9000004D  }
0x87: {  	s0 =	stileid.u32;
	[bflag:$0x2] =	sbarrier.arrive $0xFFFF  }
0x88: {  	p0 =	sne.s32 s0, $0x0;
	s0 =	rddreg [dreg:$0x3]  }
0x89: {  	s0 =	sadd.s32 @!p0 $0x100000, s0  }
0x8a: {  	[sflag:s0] =	ssyncadd.tile.s32 @!p0 $0x1;
	_ =	shalt  }
.Lfunc_end2:
_tile_overlayer_lowered:
.L_overlay_start_2:
0x8b: {  	(tag) =	ssettag $0x2  }
0x8c: {  	s0 =	rddreg [dreg:$0x0];
	s2 =	stileid.u32  }
0x8d: {  	s1 =	rddreg [dreg:$0x1];
	p0 =	sne.s32 s2, $0x0  }
0x8e: {  	s3 =	rddreg [dreg:$0x2];
	[bflag:$0x3] =	sbarrier.arrive $0xFFFF;
	s2 =	simm.s32 @!p0 $0x1C07  }
0x8f: {  	[timem:s3], [sflag:s2] =	dma.local @!p0 [hbm:s0], s1  }
0x90: {  	s0 =	simm.s32 @!p0 $0x7  }
0x91: {  	_ =	swait.ge @!p0 [sflag:s0], s1  }
0x92: {  	s1 =	ssub.s32 @!p0 $0x0, s1;
	[sflag:s0] =	ssyncset.done @!p0 $0x0  }
0x93: {  	[sflag:s0] =	ssyncadd.s32 @!p0 s1  }
0x94: {  	[bflag:$0x3] =	sbarrier.arrive $0xFFFF  }
0x95: {  	_ =	shalt  }

// kernel: kernel.18.cloned.1.call-start
scs
__scs_entry_jumppad:
0x0: {  	(pc) =	sbr.rel $0x88, $3  }
0x1: {  	(tag) =	ssettag $0x0;
	lr =	simm.s32 $0x1  }
0x2: {  	[smem:$0x3F8C] =	sst lr;
	_ =	strace $0xD0000000  }
0x3: {  	_ = 	snop  }
0x4: {  	_ = 	snop  }
0x5: {  	_ = 	snop  }
0x6: {  	_ = 	snop  }
0x7: {  	_ = 	snop  }
__scs_overlays_trampoline_lowered:
0x8: {  	[smem:$0x3F9B] =	sst s0  }
0x9: {  	[smem:$0x3F9C] =	sst s1  }
0xa: {  	[smem:$0x3F9D] =	sst s2  }
0xb: {  	[smem:$0x3F9E] =	sst s3  }
0xc: {  	[smem:$0x3F9F] =	sst s4  }
0xd: {  	[smem:$0x3FA0] =	sst s5  }
0xe: {  	[smem:$0x3FA1] =	sst s6  }
0xf: {  	[smem:$0x3FA2] =	sst s7  }
0x10: {  	[smem:$0x3FA3] =	sst s8  }
0x11: {  	[smem:$0x3FA4] =	sst s9;
	s0 =	simm.s32 @!p0 $0x0  }
0x12: {  	s1 =	sld [smem:$0x3F8A];
	s0 =	simm.s32 @p0 $0x1  }
0x13: {  	[smem:$0x3FA5] =	sst s0;
	s0 =	simm.s32 @!p1 $0x0  }
0x14: {  	s2 =	sld [smem:$0x3F89];
	s0 =	simm.s32 @p1 $0x1  }
0x15: {  	[smem:$0x3FA6] =	sst s0;
	s0 =	simm.s32 @!p2 $0x0  }
0x16: {  	s3 =	sld [smem:$0x3FDB];
	s0 =	simm.s32 @p2 $0x1  }
0x17: {  	s4 =	simm.s32 $0x1BF5;
	[smem:$0x3FA8] =	sst s0  }
0x18: {  	s0 =	sld [smem:$0x3F8B];
	_ =	swait.ge [sflag:s4], $0x0  }
0x19: {  	s7 =	sld [smem:$0x3F8C]  }
0x1a: {  	s8 =	sadd.s32 $0xFFFFE003, lr  }
0x1b: {  	s9 =	sadd.s32 $0xFFFFFEF7, lr;
	s5 =	simm.s32 $0xFFFFFFFF;
	p2 =	slt.u32 s8, $0xFFFFF086  }
0x1c: {  	p1 =	slt.u32 s9, $0xF7A;
	s5 =	simm.s32 @!p2 $0x0  }
0x1d: {  	s5 =	simm.s32 @p1 $0x1;
	p0 =	seq.s32 s7, s2  }
0x1e: {  	s7 =	smul.u32 @!p0 $0xF7A, s2;
	p2 =	seq.s32 @!p0 s5, $0x0  }
0x1f: {  	s9 =	smul.u32 $0xF7A, s1;
	s8 =	simm.s32 @!p0 $0x1BF5;
	p2 =	por !p2, p0  }
0x20: {  	[sflag:s8] =	ssyncset.s32 @!p0 $0xFFFFF086;
	s6 =	sadd.s32 @!p0 s3, s7;
	s7 =	simm.s32 @!p0 $0x108  }
0x21: {  	s3 =	sadd.s32 s3, s9;
	s6 =	sadd.s32 @!p0 $0x88, s6;
	s7 =	simm.s32 @p2 $0x1082  }
0x22: {  	[simem:s7], [sflag:s8] =	dma.local @!p0 [hbm:s6], $0xF7A  }
0x23: {  	s9 =	sor.u32 $0xD0000000, s2;
	s6 =	simm.s32 $0x108;
	_ =	swait.ge @!p0 [sflag:s8], $0x0  }
0x24: {  	s3 =	sadd.s32 $0x88, s3;
	s6 =	simm.s32 @!p1 $0x1082;
	[sflag:s4] =	ssyncset.s32 $0xFFFFF086  }
0x25: {  	[simem:s6], [sflag:s4] =	dma.local [hbm:s3], $0xF7A  }
0x26: {  	[smem:$0x3F8C] =	sst s1;
	(tag) =	ssettag s2;
	_ =	strace s9  }
0x27: {  	s1 =	sld [smem:$0x3F9C]  }
0x28: {  	s2 =	sld [smem:$0x3F9D]  }
0x29: {  	s4 =	sld [smem:$0x3F9F]  }
0x2a: {  	p0 =	seq.s32 s5, $0x0;
	s5 =	sld [smem:$0x3FA0]  }
0x2b: {  	s6 =	sld [smem:$0x3FA1]  }
0x2c: {  	s7 =	sld [smem:$0x3FA2]  }
0x2d: {  	s3 =	simm.s32 $0x108;
	s8 =	sld [smem:$0x3FA3]  }
0x2e: {  	s3 =	simm.s32 @!p0 $0x1082;
	s9 =	sld [smem:$0x3FA4]  }
0x2f: {  	lr =	sadd.s32 s0, s3;
	s0 =	sld [smem:$0x3F9B]  }
0x30: {  	s3 =	sld [smem:$0x3F9E]  }
0x31: {  	[smem:$0x3FA7] =	sst s10  }
0x32: {  	s10 =	sld [smem:$0x3FA5];
	_ =	sdelay $0x3  }
0x33: {  	p0 =	seq.s32 s10, $0x1;
	s10 =	sld [smem:$0x3FA7];
	_ =	sdelay $0x3  }
0x34: {  	[smem:$0x3FA7] =	sst s10  }
0x35: {  	s10 =	sld [smem:$0x3FA6];
	_ =	sdelay $0x3  }
0x36: {  	p1 =	seq.s32 s10, $0x1;
	s10 =	sld [smem:$0x3FA7];
	_ =	sdelay $0x3  }
0x37: {  	[smem:$0x3FA7] =	sst s10  }
0x38: {  	s10 =	sld [smem:$0x3FA8]  }
0x39: {  	_ = 	snop;
	(pc) =	sbr.ind lr, $3  }
0x3a: {  	_ = 	snop  }
0x3b: {  	_ = 	snop  }
0x3c: {  	p2 =	seq.s32 s10, $0x1;
	s10 =	sld [smem:$0x3FA7]  }
0x3d: {  	_ =	shalt  }
0x3e: {  	_ =	shalt  }
0x3f: {  	_ =	shalt  }
0x40: {  	_ =	shalt  }
0x41: {  	_ =	shalt  }
0x42: {  	_ =	shalt  }
0x43: {  	_ =	shalt  }
0x44: {  	_ =	shalt  }
0x45: {  	_ =	shalt  }
0x46: {  	_ =	shalt  }
0x47: {  	_ =	shalt  }
0x48: {  	_ =	shalt  }
0x49: {  	_ =	shalt  }
0x4a: {  	_ =	shalt  }
0x4b: {  	_ =	shalt  }
0x4c: {  	_ =	shalt  }
0x4d: {  	_ =	shalt  }
0x4e: {  	_ =	shalt  }
0x4f: {  	_ =	shalt  }
0x50: {  	_ =	shalt  }
0x51: {  	_ =	shalt  }
0x52: {  	_ =	shalt  }
0x53: {  	_ =	shalt  }
0x54: {  	_ =	shalt  }
0x55: {  	_ =	shalt  }
0x56: {  	_ =	shalt  }
0x57: {  	_ =	shalt  }
0x58: {  	_ =	shalt  }
0x59: {  	_ =	shalt  }
0x5a: {  	_ =	shalt  }
0x5b: {  	_ =	shalt  }
0x5c: {  	_ =	shalt  }
0x5d: {  	_ =	shalt  }
0x5e: {  	_ =	shalt  }
0x5f: {  	_ =	shalt  }
0x60: {  	_ =	shalt  }
0x61: {  	_ =	shalt  }
0x62: {  	_ =	shalt  }
0x63: {  	_ =	shalt  }
0x64: {  	_ =	shalt  }
0x65: {  	_ =	shalt  }
0x66: {  	_ =	shalt  }
0x67: {  	_ =	shalt  }
0x68: {  	_ =	shalt  }
0x69: {  	_ =	shalt  }
0x6a: {  	_ =	shalt  }
0x6b: {  	_ =	shalt  }
0x6c: {  	_ =	shalt  }
0x6d: {  	_ =	shalt  }
0x6e: {  	_ =	shalt  }
0x6f: {  	_ =	shalt  }
0x70: {  	_ =	shalt  }
0x71: {  	_ =	shalt  }
0x72: {  	_ =	shalt  }
0x73: {  	_ =	shalt  }
0x74: {  	_ =	shalt  }
0x75: {  	_ =	shalt  }
0x76: {  	_ =	shalt  }
0x77: {  	_ =	shalt  }
0x78: {  	_ =	shalt  }
0x79: {  	_ =	shalt  }
0x7a: {  	_ =	shalt  }
0x7b: {  	_ =	shalt  }
0x7c: {  	_ =	shalt  }
0x7d: {  	_ =	shalt  }
0x7e: {  	_ =	shalt  }
0x7f: {  	_ =	shalt  }
0x80: {  	_ =	shalt  }
0x81: {  	_ =	shalt  }
0x82: {  	_ =	shalt  }
0x83: {  	_ =	shalt  }
0x84: {  	_ =	shalt  }
0x85: {  	_ =	shalt  }
0x86: {  	_ =	shalt  }
0x87: {  	_ =	shalt  }
.Lfunc_end0:
.L_simem_size_0:
called_computation.3_lowered:
.L_overlay_start_0:
0x88: {  	s2 =	sld [smem:$0x3FD9]  }
0x89: {  	s3 =	sld [smem:$0x3FFE];
	_ =	sdelay $0x1  }
0x8a: {  	s1 =	srdreg.scid  }
0x8b: {  	s0 =	sand.u32 $0x1, s1  }
0x8c: {  	s17 =	sshll.u32 s0, $0xA;
	s2 =	sadd.s32 s3, s2  }
0x8d: {  	s2 =	sadd.s32 s2, s17  }
0x8e: {  	[smem:$0x3FB3] =	sst s2  }
0x8f: {  	_ = 	snop  }
0x90: {  	s2 =	sld [smem:$0x3FD0];
	(tm) =	ssettm $0x1  }
0x91: {  	s18 =	sld [smem:$0x3FFB];
	_ =	sdelay $0x3  }
0x92: {  	_ =	strace s18  }
0x93: {  	s3 =	sld [smem:$0x3FFC];
	_ =	sdelay $0x3  }
0x94: {  	_ =	strace s3  }
0x95: {  	s3 =	sld [smem:$0x3FFD];
	_ =	sdelay $0x3  }
0x96: {  	_ =	strace s3  }
0x97: {  	_ =	strace $0x8FFFFFFF  }
0x98: {  	s19 =	sld [smem:$0x3FDB];
	_ =	sdelay $0x1  }
0x99: {  	s4 =	simm.s32 $_scs_section_size  }
0x9a: {  	s5 =	simm.s32 $_size__tile_overlayer_lowered;
	s6 =	simm.s32 $_tile_overlayer_lowered  }
0x9b: {  	s22 =	simm.s32 $0x1BFF;
	s21 =	sshll.u32 s6, $0x1;
	s3 =	sadd.s32 s4, s19  }
0x9c: {  	s7 =	simm.s32 $0x0;
	s20 =	sshll.u32 s5, $0x1;
	s5 =	sadd.s32 s21, s3  }
0x9d: {  	[timem:s7], [sflag:s22] =	dma.local [hbm:s5], s20  }
0x9e: {  	_ =	swait.ge [sflag:s22], s20  }
0x9f: {  	s4 =	ssub.s32 $0x0, s20;
	[sflag:s22] =	ssyncset.done $0x0  }
0xa0: {  	[sflag:s22] =	ssyncadd.s32 s4;
	_ =	sdelay $0x1  }
0xa1: {  	s23 =	simm.s32 $0x1B8B  }
0xa2: {  	_ =	swait.ge [sflag:s23], $0x1  }
0xa3: {  	[sflag:s23] =	ssyncset.done $0x0  }
0xa4: {  	s25 =	simm.s32 $0x1B8E;
	s24 =	sld [smem:$0x3FFE];
	[sflag:s23] =	ssyncadd.s32 $0xFFFFFFFF  }
0xa5: {  	s26 =	simm.s32 $execute0_lowered;
	[smem:$0x3FD2] =	sst s25  }
0xa6: {  	s5 =	sshll.u32 s26, $0x1;
	_ =	strace $0x8000004F;
	[dreg:$0x1] =	wrdreg $0xFFFFFFFF  }
0xa7: {  	s28 =	simm.s32 $_size_execute0_lowered;
	s3 =	sadd.s32 s3, s5;
	[dreg:$0x0] =	wrdreg $0x0  }
0xa8: {  	s5 =	sshll.u32 s28, $0x1;
	[dreg:$0x2] =	wrdreg s3  }
0xa9: {  	[dreg:$0x3] =	wrdreg s5  }
0xaa: {  	[dreg:$0x4] =	wrdreg $0xC0  }
0xab: {  	_ =	task [dreg:s7], $0x5FFFF  }
0xac: {  	[dreg:$0x1] =	wrdreg $0xFFFFFFFF  }
0xad: {  	[dreg:$0x0] =	wrdreg $0x60  }
0xae: {  	[dreg:$0x2] =	wrdreg s2  }
0xaf: {  	[dreg:$0x3] =	wrdreg s24  }
0xb0: {  	[dreg:$0x4] =	wrdreg $0xA9000  }
0xb1: {  	[dreg:$0x5] =	wrdreg $0x9  }
0xb2: {  	_ =	task.clear_ibuf [dreg:s7], $0x6FFFF;
	_ =	strace $0x9000004F  }
0xb3: {  	s29 =	simm.s32 $0x9;
	_ =	strace $0x80000051  }
0xb4: {  	_ =	swait.ge [sflag:s29], $0x1  }
0xb5: {  	[sflag:s29] =	ssyncadd.s32 $0xFFFFFFFF  }
0xb6: {  	_ =	strace $0x90000051  }
0xb7: {  	_ =	sfence  }
0xb8: {  	s30 =	sld [smem:$0x0];
	_ =	sdelay $0x2  }
0xb9: {  	s31 =	sshll.u32 s1, $0xD;
	s1 =	sshrl.u32 s1, $0x2  }
0xba: {  	s3 =	sand.u32 $0x4000, s31;
	s1 =	sadd.s32 s1, s30  }
0xbb: {  	s0 =	sor.u32 s3, s0;
	s1 =	sshll.u32 s1, $0x11  }
0xbc: {  	s0 =	sor.u32 s1, s0  }
0xbd: {  	s0 =	sadd.s32 $0x8F2B, s0  }
0xbe: {  	[sflag:s0] =	ssyncadd.remote.s32 $0x1  }
0xbf: {  	_ =	sfence.sel $0xFFFF  }
0xc0: {  	[dreg:$0x0] =	wrdreg $0xFFFFFFFF;
	(pc) =	sbr.abs _section_cstart, $3  }
0xc1: {  	[dreg:$0x1] =	wrdreg $0xFFFFFFFF  }
0xc2: {  	_ =	task.clear_ibuf [dreg:s7], $0x2FFFF;
	_ =	strace $0x9FFFFFFF  }
0xc3: {  	(tm) =	ssettm $0x7FFFFFFF  }
tec
execute0_lowered:
.L_overlay_start_1:
0x0: {  	(tag) =	ssettag $0x1  }
0x1: {  	s0 =	srdreg.scid  }
0x2: {  	s13 =	stileid.u32;
	s1 =	rddreg [dreg:$0x0]  }
0x3: {  	s6 =	rddreg [dreg:$0x1];
	s17 =	simm.s32 $0x7;
	s18 =	simm.s32 $0x2900  }
0x4: {  	s19 =	simm.s32 $0x2800;
	s20 =	simm.s32 $0x80;
	s21 =	simm.s32 $0x2880  }
0x5: {  	s22 =	simm.s32 $0x6900;
	s23 =	simm.s32 $0x1;
	s24 =	simm.s32 $0x5  }
0x6: {  	s25 =	simm.s32 $0x3;
	s28 =	simm.s32 $0x6;
	s7 =	smul.u32 $0x14000, s13  }
0x7: {  	s29 =	simm.s32 $0x4;
	s0 =	sand.u32 $0x1, s0;
	s10 =	smul.u32 $0x50000, s13  }
0x8: {  	s2 =	sshll.u32 s13, $0x1;
	s4 =	sadd.s32 $0xF400, s6;
	s31 =	smul.u32 $0xA00, s13  }
0x9: {  	s26 =	sadd.s32 $0xEC00, s6;
	s3 =	sor.u32 s0, s2;
	s5 =	smul.u32 $0x140000, s0  }
0xa: {  	s2 =	rddreg [dreg:$0x2];
	s9 =	ssub.s32 $0x2, s0;
	s0 =	smul.u32 $0x500, s0  }
0xb: {  	s11 =	smul.u32 $0x500, s3;
	s3 =	simm.s32 $0x0;
	s12 =	sshrl.u32 s9, $0x1  }
0xc: {  	s30 =	sshrl.u32 s10, $0x2;
	[smem:$0x7FF] =	sst s3;
	s7 =	sadd.s32 s7, s5  }
0xd: {  	s15 =	ssub.s32 s9, s12;
	_ =	strace $0x80000050;
	s8 =	sadd.s32 s11, s6  }
0xe: {  	[dreg:$0x4] =	wrdreg s26;
	s7 =	sshrl.u32 s7, $0x3;
	s11 =	sadd.s32 s1, s11  }
0xf: {  	s1 =	sadd.s32 s31, s1;
	s15 =	smax.u32 s15, $0x1;
	s26 =	simm.s32 $0x2  }
0x10: {  	s14 =	sadd.s32 s7, s6;
	s6 =	sadd.s32 $0x4C00, s8;
	s7 =	sadd.s32 s30, s2  }
0x11: {  	s13 =	sadd.s32 $0x10, s11;
	s0 =	sadd.s32 s0, s1;
	s1 =	simm.s32 $0x0  }
0x12: {  	s8 =	sadd.s32 $0x4000, s7;
	s9 =	sadd.s32 $0x8000, s7;
	s10 =	sadd.s32 $0xC000, s7  }
0x13: {  	s12 =	sadd.s32 $0x10000, s7;
	s14 =	sadd.s32 $0xAFC00, s14;
	s16 =	sadd.s32 $0x30, s0  }
.LBB2_1:
0x14: {  	[tilespmem:s3], [sflag:$0x7] =	stream.linear.gather [hbm4b:s6+s3], $0x2800, $0x38;
	[tilespmem:$0x1E900] =	vst v63  }
0x15: {  	_ =	swait.ge [sflag:s17], $0x2800  }
0x16: {  	[sflag:s17] =	ssyncset.done $0x0  }
0x17: {  	s0 =	rddreg [dreg:$0x4];
	[sflag:s17] =	ssyncadd.s32 $0xFFFFD800  }
0x18: {  	[tilespmem:s18], [sflag:$0x7] =	stream.linear.gather [hbm4b:s0+s3], $0x4000, $0x38;
	[tilespmem:$0x1E900] =	vst v63  }
0x19: {  	_ =	swait.ge [sflag:s17], $0x4000  }
0x1a: {  	[sflag:s17] =	ssyncset.done $0x0  }
0x1b: {  	[sflag:s17] =	ssyncadd.s32 $0xFFFFC000  }
0x1c: {  	[spmem:s7] =	stream.linear.scatter [tilespmem:s18], [sflag:$0x7], $0x4000, $0x38;
	[tilespmem:$0x1E900] =	vst v63  }
0x1d: {  	_ =	swait.ge [sflag:s17], $0x4000  }
0x1e: {  	[sflag:s17] =	ssyncset.done $0x0  }
0x1f: {  	[sflag:s17] =	ssyncadd.s32 $0xFFFFC000  }
0x20: {  	[spmem:s8] =	stream.linear.scatter [tilespmem:s18], [sflag:$0x7], $0x4000, $0x38;
	[tilespmem:$0x1E900] =	vst v63  }
0x21: {  	_ =	swait.ge [sflag:s17], $0x4000  }
0x22: {  	[sflag:s17] =	ssyncset.done $0x0  }
0x23: {  	[sflag:s17] =	ssyncadd.s32 $0xFFFFC000  }
0x24: {  	[spmem:s9] =	stream.linear.scatter [tilespmem:s18], [sflag:$0x7], $0x4000, $0x38;
	[tilespmem:$0x1E900] =	vst v63  }
0x25: {  	_ =	swait.ge [sflag:s17], $0x4000  }
0x26: {  	[sflag:s17] =	ssyncset.done $0x0  }
0x27: {  	[sflag:s17] =	ssyncadd.s32 $0xFFFFC000  }
0x28: {  	[spmem:s10] =	stream.linear.scatter [tilespmem:s18], [sflag:$0x7], $0x4000, $0x38;
	[tilespmem:$0x1E900] =	vst v63  }
0x29: {  	_ =	swait.ge [sflag:s17], $0x4000  }
0x2a: {  	[sflag:s17] =	ssyncset.done $0x0  }
0x2b: {  	[sflag:s17] =	ssyncadd.s32 $0xFFFFC000  }
0x2c: {  	[spmem:s12] =	stream.linear.scatter [tilespmem:s18], [sflag:$0x7], $0x4000, $0x38;
	[tilespmem:$0x1E900] =	vst v63  }
0x2d: {  	_ =	swait.ge [sflag:s17], $0x4000  }
0x2e: {  	[sflag:s17] =	ssyncset.done $0x0  }
0x2f: {  	[sflag:s17] =	ssyncadd.s32 $0xFFFFC000  }
0x30: {  	[bflag:$0x0] =	sbarrier.arrive $0xFFFF  }
0x31: {  	[tilespmem:s19], [sflag:$0x7] =	stream.linear.gather [hbm4b:s11+s3], $0x80, $0x38;
	[tilespmem:$0x1E900] =	vst v63  }
0x32: {  	_ =	swait.ge [sflag:s17], $0x80  }
0x33: {  	[sflag:s17] =	ssyncset.done $0x0  }
0x34: {  	[sflag:s17] =	ssyncadd.s32 $0xFFFFFF80  }
0x35: {  	[tilespmem:s18], [sflag:$0x1] =	stream.indirect.gather [hbm4b:s4+s20], $0x80, s19, s20, $0xb8;
	[tilespmem:$0x1E900] =	vst v63  }
0x36: {  	_ = 	snop  }
0x37: {  	[tilespmem:s21], [sflag:$0x7] =	stream.linear.gather [hbm4b:s13+s3], $0x80, $0x38;
	[tilespmem:$0x1E900] =	vst v63  }
0x38: {  	_ =	swait.ge [sflag:s17], $0x80  }
0x39: {  	[sflag:s17] =	ssyncset.done $0x0  }
0x3a: {  	[sflag:s17] =	ssyncadd.s32 $0xFFFFFF80  }
0x3b: {  	[tilespmem:s22], [sflag:$0x2] =	stream.indirect.gather [hbm4b:s4+s20], $0x80, s21, s20, $0xb8;
	[tilespmem:$0x1E900] =	vst v63  }
0x3c: {  	_ =	swait.ge [sflag:s23], $0x4000  }
0x3d: {  	[sflag:s23] =	ssyncset.done $0x0  }
0x3e: {  	s31 =	sadd.s32 $0xFFFFFFF0, s16;
	[sflag:s23] =	ssyncadd.s32 $0xFFFFC000  }
0x3f: {  	[tilespmem:s19], [sflag:$0x3] =	stream.linear.gather [hbm4b:s31+s3], $0x80, $0x38;
	[tilespmem:$0x1E900] =	vst v63  }
0x40: {  	s5 =	simm.s32 $0x0  }
0x41: {  	[spmem:s2] =	stream.indirect.scatter.add.f32 [tilespmem:s18], [sflag:$0x5], $0x80, s5, s20, $0xb8;
	[tilespmem:$0x1E900] =	vst v63  }
0x42: {  	_ =	swait.ge [sflag:s24], $0x4000  }
0x43: {  	[sflag:s24] =	ssyncset.done $0x0  }
0x44: {  	[sflag:s24] =	ssyncadd.s32 $0xFFFFC000  }
0x45: {  	_ =	swait.ge [sflag:s25], $0x80  }
0x46: {  	[sflag:s25] =	ssyncset.done $0x0  }
0x47: {  	[sflag:s25] =	ssyncadd.s32 $0xFFFFFF80  }
0x48: {  	[tilespmem:s18], [sflag:$0x1] =	stream.indirect.gather [hbm4b:s4+s20], $0x80, s19, s20, $0xb8;
	[tilespmem:$0x1E900] =	vst v63  }
0x49: {  	_ =	swait.ge [sflag:s26], $0x4000  }
0x4a: {  	[sflag:s26] =	ssyncset.done $0x0  }
0x4b: {  	[sflag:s26] =	ssyncadd.s32 $0xFFFFC000  }
0x4c: {  	[tilespmem:s21], [sflag:$0x4] =	stream.linear.gather [hbm4b:s16+s3], $0x80, $0x38;
	[tilespmem:$0x1E900] =	vst v63  }
0x4d: {  	s31 =	simm.s32 $0x80  }
0x4e: {  	[spmem:s2] =	stream.indirect.scatter.add.f32 [tilespmem:s22], [sflag:$0x6], $0x80, s31, s20, $0xb8;
	[tilespmem:$0x1E900] =	vst v63  }
0x4f: {  	_ =	swait.ge [sflag:s28], $0x4000  }
0x50: {  	[sflag:s28] =	ssyncset.done $0x0  }
0x51: {  	[sflag:s28] =	ssyncadd.s32 $0xFFFFC000  }
0x52: {  	_ =	swait.ge [sflag:s29], $0x80  }
0x53: {  	[sflag:s29] =	ssyncset.done $0x0  }
0x54: {  	s30 =	sadd.s32 $0x20, s16;
	s0 =	simm.s32 $0x400;
	[sflag:s29] =	ssyncadd.s32 $0xFFFFFF80  }
.LBB2_2:
0x55: {  	[tilespmem:s22], [sflag:$0x2] =	stream.indirect.gather [hbm4b:s4+s20], $0x80, s21, s20, $0xb8;
	[tilespmem:$0x1E900] =	vst v63  }
0x56: {  	s31 =	smov.u32 s0  }
0x57: {  	p0 =	sne.s32 s0, $0x9800;
	s0 =	sadd.s32 $0x400, s0;
	_ =	swait.ge [sflag:s23], $0x4000  }
0x58: {  	[sflag:s23] =	ssyncset.done $0x0  }
0x59: {  	s5 =	sadd.s32 $0xFFFFFFF0, s30;
	[sflag:s23] =	ssyncadd.s32 $0xFFFFC000  }
0x5a: {  	[tilespmem:s19], [sflag:$0x3] =	stream.linear.gather [hbm4b:s5+s3], $0x80, $0x38;
	[tilespmem:$0x1E900] =	vst v63  }
0x5b: {  	s5 =	sshra.s32 s31, $0x2  }
0x5c: {  	[spmem:s2] =	stream.indirect.scatter.add.f32 [tilespmem:s18], [sflag:$0x5], $0x80, s5, s20, $0xb8;
	[tilespmem:$0x1E900] =	vst v63  }
0x5d: {  	_ =	swait.ge [sflag:s24], $0x4000  }
0x5e: {  	[sflag:s24] =	ssyncset.done $0x0  }
0x5f: {  	[sflag:s24] =	ssyncadd.s32 $0xFFFFC000  }
0x60: {  	_ =	swait.ge [sflag:s25], $0x80  }
0x61: {  	[sflag:s25] =	ssyncset.done $0x0  }
0x62: {  	[sflag:s25] =	ssyncadd.s32 $0xFFFFFF80  }
0x63: {  	[tilespmem:s18], [sflag:$0x1] =	stream.indirect.gather [hbm4b:s4+s20], $0x80, s19, s20, $0xb8;
	[tilespmem:$0x1E900] =	vst v63  }
0x64: {  	_ =	swait.ge [sflag:s26], $0x4000  }
0x65: {  	[sflag:s26] =	ssyncset.done $0x0  }
0x66: {  	[sflag:s26] =	ssyncadd.s32 $0xFFFFC000  }
0x67: {  	[tilespmem:s21], [sflag:$0x4] =	stream.linear.gather [hbm4b:s30+s3], $0x80, $0x38;
	[tilespmem:$0x1E900] =	vst v63  }
0x68: {  	s5 =	sadd.s32 $0x80, s5  }
0x69: {  	[spmem:s2] =	stream.indirect.scatter.add.f32 [tilespmem:s22], [sflag:$0x6], $0x80, s5, s20, $0xb8;
	[tilespmem:$0x1E900] =	vst v63  }
0x6a: {  	_ =	swait.ge [sflag:s28], $0x4000  }
.Ltmp0:
0x6b: {  	[sflag:s28] =	ssyncset.done $0x0;
	(pc) =	sbr.rel @p0 .LBB2_2-.Ltmp0, $4  }
0x6c: {  	[sflag:s28] =	ssyncadd.s32 $0xFFFFC000  }
0x6d: {  	_ =	swait.ge [sflag:s29], $0x80  }
0x6e: {  	[sflag:s29] =	ssyncset.done $0x0  }
0x6f: {  	s30 =	sadd.s32 $0x20, s30;
	[sflag:s29] =	ssyncadd.s32 $0xFFFFFF80  }
0x70: {  	[tilespmem:s22], [sflag:$0x2] =	stream.indirect.gather [hbm4b:s4+s20], $0x80, s21, s20, $0xb8;
	[tilespmem:$0x1E900] =	vst v63  }
0x71: {  	_ =	swait.ge [sflag:s23], $0x4000  }
0x72: {  	[sflag:s23] =	ssyncset.done $0x0  }
0x73: {  	s0 =	simm.s32 $0x2700;
	[sflag:s23] =	ssyncadd.s32 $0xFFFFC000  }
0x74: {  	[spmem:s2] =	stream.indirect.scatter.add.f32 [tilespmem:s18], [sflag:$0x5], $0x80, s0, s20, $0xb8;
	[tilespmem:$0x1E900] =	vst v63  }
0x75: {  	_ =	swait.ge [sflag:s26], $0x4000  }
0x76: {  	[sflag:s26] =	ssyncset.done $0x0  }
0x77: {  	s30 =	simm.s32 $0x2780;
	[sflag:s26] =	ssyncadd.s32 $0xFFFFC000  }
0x78: {  	[spmem:s2] =	stream.indirect.scatter.add.f32 [tilespmem:s22], [sflag:$0x6], $0x80, s30, s20, $0xb8;
	[tilespmem:$0x1E900] =	vst v63  }
0x79: {  	_ =	swait.ge [sflag:s24], $0x4000  }
0x7a: {  	[sflag:s24] =	ssyncset.done $0x0  }
0x7b: {  	[sflag:s24] =	ssyncadd.s32 $0xFFFFC000  }
0x7c: {  	s31 =	stileid.u32;
	_ =	swait.ge [sflag:s28], $0x4000  }
0x7d: {  	s5 =	sshrl.u32 s7, $0x3;
	s1 =	sadd.s32 $0x1, s1;
	[sflag:s28] =	ssyncset.done $0x0  }
0x7e: {  	p0 =	sne.s32 s1, s15;
	s0 =	sshll.u32 s31, $0x6;
	[sflag:s28] =	ssyncadd.s32 $0xFFFFC000  }
.Ltmp1:
0x7f: {  	s0 =	sor.u32 $0x1C07, s0;
	[bflag:$0x0] =	sbarrier.arrive $0xFFFF;
	(pc) =	sbr.rel @p0 .LBB2_1-.Ltmp1, $4  }
0x80: {  	[hbm:s14], [sflag:s0] =	dma.local [spmem:s5], $0x2800  }
0x81: {  	_ =	swait.ge [sflag:s17], $0x2800  }
0x82: {  	[sflag:s17] =	ssyncset.done $0x0  }
0x83: {  	[sflag:s17] =	ssyncadd.s32 $0xFFFFD800  }
0x84: {  	_ =	sfence.sel $0x180000  }
0x85: {  	[bflag:$0x0] =	sbarrier.arrive $0xFFFF  }
0x86: {  	_ =	strace $0x90000050  }
0x87: {  	s0 =	stileid.u32;
	[bflag:$0x2] =	sbarrier.arrive $0xFFFF  }
0x88: {  	p0 =	sne.s32 s0, $0x0;
	s0 =	rddreg [dreg:$0x3]  }
0x89: {  	s0 =	sadd.s32 @!p0 $0x100000, s0  }
0x8a: {  	[sflag:s0] =	ssyncadd.tile.s32 @!p0 $0x1;
	_ =	shalt  }
.Lfunc_end2:
_tile_overlayer_lowered:
.L_overlay_start_2:
0x8b: {  	(tag) =	ssettag $0x2  }
0x8c: {  	s0 =	rddreg [dreg:$0x0];
	s2 =	stileid.u32  }
0x8d: {  	s1 =	rddreg [dreg:$0x1];
	p0 =	sne.s32 s2, $0x0  }
0x8e: {  	s3 =	rddreg [dreg:$0x2];
	[bflag:$0x3] =	sbarrier.arrive $0xFFFF;
	s2 =	simm.s32 @!p0 $0x1C07  }
0x8f: {  	[timem:s3], [sflag:s2] =	dma.local @!p0 [hbm:s0], s1  }
0x90: {  	s0 =	simm.s32 @!p0 $0x7  }
0x91: {  	_ =	swait.ge @!p0 [sflag:s0], s1  }
0x92: {  	s1 =	ssub.s32 @!p0 $0x0, s1;
	[sflag:s0] =	ssyncset.done @!p0 $0x0  }
0x93: {  	[sflag:s0] =	ssyncadd.s32 @!p0 s1  }
0x94: {  	[bflag:$0x3] =	sbarrier.arrive $0xFFFF  }
0x95: {  	_ =	shalt  }

// kernel: kernel.9.cloned.1.call-start
scs
__scs_entry_jumppad:
0x0: {  	(pc) =	sbr.rel $0x88, $3  }
0x1: {  	(tag) =	ssettag $0x0;
	lr =	simm.s32 $0x1  }
0x2: {  	[smem:$0x3F8C] =	sst lr;
	_ =	strace $0xD0000000  }
0x3: {  	_ = 	snop  }
0x4: {  	_ = 	snop  }
0x5: {  	_ = 	snop  }
0x6: {  	_ = 	snop  }
0x7: {  	_ = 	snop  }
__scs_overlays_trampoline_lowered:
0x8: {  	[smem:$0x3F9B] =	sst s0  }
0x9: {  	[smem:$0x3F9C] =	sst s1  }
0xa: {  	[smem:$0x3F9D] =	sst s2  }
0xb: {  	[smem:$0x3F9E] =	sst s3  }
0xc: {  	[smem:$0x3F9F] =	sst s4  }
0xd: {  	[smem:$0x3FA0] =	sst s5  }
0xe: {  	[smem:$0x3FA1] =	sst s6  }
0xf: {  	[smem:$0x3FA2] =	sst s7  }
0x10: {  	[smem:$0x3FA3] =	sst s8  }
0x11: {  	[smem:$0x3FA4] =	sst s9;
	s0 =	simm.s32 @!p0 $0x0  }
0x12: {  	s1 =	sld [smem:$0x3F8A];
	s0 =	simm.s32 @p0 $0x1  }
0x13: {  	[smem:$0x3FA5] =	sst s0;
	s0 =	simm.s32 @!p1 $0x0  }
0x14: {  	s2 =	sld [smem:$0x3F89];
	s0 =	simm.s32 @p1 $0x1  }
0x15: {  	[smem:$0x3FA6] =	sst s0;
	s0 =	simm.s32 @!p2 $0x0  }
0x16: {  	s3 =	sld [smem:$0x3FDB];
	s0 =	simm.s32 @p2 $0x1  }
0x17: {  	s4 =	simm.s32 $0x1BF5;
	[smem:$0x3FA8] =	sst s0  }
0x18: {  	s0 =	sld [smem:$0x3F8B];
	_ =	swait.ge [sflag:s4], $0x0  }
0x19: {  	s7 =	sld [smem:$0x3F8C]  }
0x1a: {  	s8 =	sadd.s32 $0xFFFFE003, lr  }
0x1b: {  	s9 =	sadd.s32 $0xFFFFFEF7, lr;
	s5 =	simm.s32 $0xFFFFFFFF;
	p2 =	slt.u32 s8, $0xFFFFF086  }
0x1c: {  	p1 =	slt.u32 s9, $0xF7A;
	s5 =	simm.s32 @!p2 $0x0  }
0x1d: {  	s5 =	simm.s32 @p1 $0x1;
	p0 =	seq.s32 s7, s2  }
0x1e: {  	s7 =	smul.u32 @!p0 $0xF7A, s2;
	p2 =	seq.s32 @!p0 s5, $0x0  }
0x1f: {  	s9 =	smul.u32 $0xF7A, s1;
	s8 =	simm.s32 @!p0 $0x1BF5;
	p2 =	por !p2, p0  }
0x20: {  	[sflag:s8] =	ssyncset.s32 @!p0 $0xFFFFF086;
	s6 =	sadd.s32 @!p0 s3, s7;
	s7 =	simm.s32 @!p0 $0x108  }
0x21: {  	s3 =	sadd.s32 s3, s9;
	s6 =	sadd.s32 @!p0 $0x88, s6;
	s7 =	simm.s32 @p2 $0x1082  }
0x22: {  	[simem:s7], [sflag:s8] =	dma.local @!p0 [hbm:s6], $0xF7A  }
0x23: {  	s9 =	sor.u32 $0xD0000000, s2;
	s6 =	simm.s32 $0x108;
	_ =	swait.ge @!p0 [sflag:s8], $0x0  }
0x24: {  	s3 =	sadd.s32 $0x88, s3;
	s6 =	simm.s32 @!p1 $0x1082;
	[sflag:s4] =	ssyncset.s32 $0xFFFFF086  }
0x25: {  	[simem:s6], [sflag:s4] =	dma.local [hbm:s3], $0xF7A  }
0x26: {  	[smem:$0x3F8C] =	sst s1;
	(tag) =	ssettag s2;
	_ =	strace s9  }
0x27: {  	s1 =	sld [smem:$0x3F9C]  }
0x28: {  	s2 =	sld [smem:$0x3F9D]  }
0x29: {  	s4 =	sld [smem:$0x3F9F]  }
0x2a: {  	p0 =	seq.s32 s5, $0x0;
	s5 =	sld [smem:$0x3FA0]  }
0x2b: {  	s6 =	sld [smem:$0x3FA1]  }
0x2c: {  	s7 =	sld [smem:$0x3FA2]  }
0x2d: {  	s3 =	simm.s32 $0x108;
	s8 =	sld [smem:$0x3FA3]  }
0x2e: {  	s3 =	simm.s32 @!p0 $0x1082;
	s9 =	sld [smem:$0x3FA4]  }
0x2f: {  	lr =	sadd.s32 s0, s3;
	s0 =	sld [smem:$0x3F9B]  }
0x30: {  	s3 =	sld [smem:$0x3F9E]  }
0x31: {  	[smem:$0x3FA7] =	sst s10  }
0x32: {  	s10 =	sld [smem:$0x3FA5];
	_ =	sdelay $0x3  }
0x33: {  	p0 =	seq.s32 s10, $0x1;
	s10 =	sld [smem:$0x3FA7];
	_ =	sdelay $0x3  }
0x34: {  	[smem:$0x3FA7] =	sst s10  }
0x35: {  	s10 =	sld [smem:$0x3FA6];
	_ =	sdelay $0x3  }
0x36: {  	p1 =	seq.s32 s10, $0x1;
	s10 =	sld [smem:$0x3FA7];
	_ =	sdelay $0x3  }
0x37: {  	[smem:$0x3FA7] =	sst s10  }
0x38: {  	s10 =	sld [smem:$0x3FA8]  }
0x39: {  	_ = 	snop;
	(pc) =	sbr.ind lr, $3  }
0x3a: {  	_ = 	snop  }
0x3b: {  	_ = 	snop  }
0x3c: {  	p2 =	seq.s32 s10, $0x1;
	s10 =	sld [smem:$0x3FA7]  }
0x3d: {  	_ =	shalt  }
0x3e: {  	_ =	shalt  }
0x3f: {  	_ =	shalt  }
0x40: {  	_ =	shalt  }
0x41: {  	_ =	shalt  }
0x42: {  	_ =	shalt  }
0x43: {  	_ =	shalt  }
0x44: {  	_ =	shalt  }
0x45: {  	_ =	shalt  }
0x46: {  	_ =	shalt  }
0x47: {  	_ =	shalt  }
0x48: {  	_ =	shalt  }
0x49: {  	_ =	shalt  }
0x4a: {  	_ =	shalt  }
0x4b: {  	_ =	shalt  }
0x4c: {  	_ =	shalt  }
0x4d: {  	_ =	shalt  }
0x4e: {  	_ =	shalt  }
0x4f: {  	_ =	shalt  }
0x50: {  	_ =	shalt  }
0x51: {  	_ =	shalt  }
0x52: {  	_ =	shalt  }
0x53: {  	_ =	shalt  }
0x54: {  	_ =	shalt  }
0x55: {  	_ =	shalt  }
0x56: {  	_ =	shalt  }
0x57: {  	_ =	shalt  }
0x58: {  	_ =	shalt  }
0x59: {  	_ =	shalt  }
0x5a: {  	_ =	shalt  }
0x5b: {  	_ =	shalt  }
0x5c: {  	_ =	shalt  }
0x5d: {  	_ =	shalt  }
0x5e: {  	_ =	shalt  }
0x5f: {  	_ =	shalt  }
0x60: {  	_ =	shalt  }
0x61: {  	_ =	shalt  }
0x62: {  	_ =	shalt  }
0x63: {  	_ =	shalt  }
0x64: {  	_ =	shalt  }
0x65: {  	_ =	shalt  }
0x66: {  	_ =	shalt  }
0x67: {  	_ =	shalt  }
0x68: {  	_ =	shalt  }
0x69: {  	_ =	shalt  }
0x6a: {  	_ =	shalt  }
0x6b: {  	_ =	shalt  }
0x6c: {  	_ =	shalt  }
0x6d: {  	_ =	shalt  }
0x6e: {  	_ =	shalt  }
0x6f: {  	_ =	shalt  }
0x70: {  	_ =	shalt  }
0x71: {  	_ =	shalt  }
0x72: {  	_ =	shalt  }
0x73: {  	_ =	shalt  }
0x74: {  	_ =	shalt  }
0x75: {  	_ =	shalt  }
0x76: {  	_ =	shalt  }
0x77: {  	_ =	shalt  }
0x78: {  	_ =	shalt  }
0x79: {  	_ =	shalt  }
0x7a: {  	_ =	shalt  }
0x7b: {  	_ =	shalt  }
0x7c: {  	_ =	shalt  }
0x7d: {  	_ =	shalt  }
0x7e: {  	_ =	shalt  }
0x7f: {  	_ =	shalt  }
0x80: {  	_ =	shalt  }
0x81: {  	_ =	shalt  }
0x82: {  	_ =	shalt  }
0x83: {  	_ =	shalt  }
0x84: {  	_ =	shalt  }
0x85: {  	_ =	shalt  }
0x86: {  	_ =	shalt  }
0x87: {  	_ =	shalt  }
.Lfunc_end0:
.L_simem_size_0:
called_computation_lowered:
.L_overlay_start_0:
0x88: {  	s2 =	sld [smem:$0x3FD9]  }
0x89: {  	s3 =	sld [smem:$0x3FFE];
	_ =	sdelay $0x1  }
0x8a: {  	s1 =	srdreg.scid  }
0x8b: {  	s0 =	sand.u32 $0x1, s1  }
0x8c: {  	s17 =	sshll.u32 s0, $0xA;
	s2 =	sadd.s32 s3, s2  }
0x8d: {  	s2 =	sadd.s32 s2, s17  }
0x8e: {  	[smem:$0x3FB3] =	sst s2  }
0x8f: {  	_ = 	snop  }
0x90: {  	(tm) =	ssettm $0x1  }
0x91: {  	s18 =	sld [smem:$0x3FFB];
	_ =	sdelay $0x3  }
0x92: {  	_ =	strace s18  }
0x93: {  	s2 =	sld [smem:$0x3FFC];
	_ =	sdelay $0x3  }
0x94: {  	_ =	strace s2  }
0x95: {  	s2 =	sld [smem:$0x3FFD];
	_ =	sdelay $0x3  }
0x96: {  	_ =	strace s2  }
0x97: {  	_ =	strace $0x8FFFFFFF  }
0x98: {  	s19 =	sld [smem:$0x3FDB];
	_ =	sdelay $0x1  }
0x99: {  	s20 =	simm.s32 $_scs_section_size  }
0x9a: {  	s4 =	simm.s32 $_size__tile_overlayer_lowered;
	s5 =	simm.s32 $_tile_overlayer_lowered  }
0x9b: {  	s6 =	simm.s32 $0x1BFF;
	s21 =	sshll.u32 s5, $0x1;
	s3 =	sadd.s32 s20, s19  }
0x9c: {  	s22 =	simm.s32 $0x0;
	s4 =	sshll.u32 s4, $0x1;
	s5 =	sadd.s32 s21, s3  }
0x9d: {  	[timem:s22], [sflag:s6] =	dma.local [hbm:s5], s4  }
0x9e: {  	_ =	swait.ge [sflag:s6], s4  }
0x9f: {  	s4 =	ssub.s32 $0x0, s4;
	[sflag:s6] =	ssyncset.done $0x0  }
0xa0: {  	[sflag:s6] =	ssyncadd.s32 s4;
	_ =	sdelay $0x1  }
0xa1: {  	s23 =	simm.s32 $0x1B8B  }
0xa2: {  	_ =	swait.ge [sflag:s23], $0x1  }
0xa3: {  	[sflag:s23] =	ssyncset.done $0x0  }
0xa4: {  	[sflag:s23] =	ssyncadd.s32 $0xFFFFFFFF  }
0xa5: {  	s4 =	sld [smem:$0x0]  }
0xa6: {  	s5 =	sand.u32 $0xFFFFFFFE, s1  }
0xa7: {  	p0 =	sne.s32 s1, s5  }
0xa8: {  	s5 =	sshll.u32 @p0 s5, $0xE  }
0xa9: {  	s5 =	sadd.s32 @p0 $0x11B8D, s5;
	s6 =	sshll.u32 @p0 s4, $0x11  }
0xaa: {  	s5 =	sor.u32 @p0 s6, s5  }
0xab: {  	[sflag:s5] =	ssyncadd.remote.s32 @p0 $0x1;
	_ =	sdelay $0x1  }
0xac: {  	s5 =	simm.s32 @p0 $0x1B8D  }
0xad: {  	_ =	swait.eq @p0 [sflag:s5], $0x1  }
0xae: {  	[sflag:s5] =	ssyncadd.s32 @p0 $0xFFFFFFFF  }
0xaf: {  	s6 =	sshll.u32 @!p0 s1, $0xE  }
0xb0: {  	s6 =	sor.u32 @!p0 $0x4000, s6;
	s5 =	simm.s32 @!p0 $0x1B8D  }
0xb1: {  	s4 =	sshll.u32 @!p0 s4, $0x11;
	s6 =	sadd.s32 @!p0 $0x11B8D, s6;
	_ =	swait.eq @!p0 [sflag:s5], $0x1  }
0xb2: {  	s4 =	sor.u32 @!p0 s4, s6;
	[sflag:s5] =	ssyncadd.s32 @!p0 $0xFFFFFFFF  }
0xb3: {  	s25 =	simm.s32 $0x1B8E;
	s24 =	sld [smem:$0x3FFE];
	[sflag:s4] =	ssyncadd.remote.s32 @!p0 $0x1  }
0xb4: {  	s26 =	simm.s32 $execute0_lowered;
	[smem:$0x3FD2] =	sst s25  }
0xb5: {  	s5 =	sshll.u32 s26, $0x1;
	_ =	strace $0x80000049;
	[dreg:$0x1] =	wrdreg $0xFFFFFFFF  }
0xb6: {  	s28 =	simm.s32 $_size_execute0_lowered;
	s3 =	sadd.s32 s3, s5;
	[dreg:$0x0] =	wrdreg $0x0  }
0xb7: {  	s5 =	sshll.u32 s28, $0x1;
	[dreg:$0x2] =	wrdreg s3  }
0xb8: {  	[dreg:$0x3] =	wrdreg s5  }
0xb9: {  	[dreg:$0x4] =	wrdreg $0xC0  }
0xba: {  	_ =	task [dreg:s22], $0x5FFFF  }
0xbb: {  	[dreg:$0x1] =	wrdreg $0xFFFFFFFF  }
0xbc: {  	[dreg:$0x0] =	wrdreg $0x60  }
0xbd: {  	[dreg:$0x2] =	wrdreg s24  }
0xbe: {  	[dreg:$0x3] =	wrdreg $0xA8000  }
0xbf: {  	[dreg:$0x4] =	wrdreg $0x9  }
0xc0: {  	_ =	task.clear_ibuf [dreg:s22], $0x5FFFF;
	_ =	strace $0x90000049  }
0xc1: {  	s29 =	simm.s32 $0x9;
	_ =	strace $0x8000004B  }
0xc2: {  	_ =	swait.ge [sflag:s29], $0x1  }
0xc3: {  	[sflag:s29] =	ssyncadd.s32 $0xFFFFFFFF  }
0xc4: {  	_ =	strace $0x9000004B  }
0xc5: {  	_ =	sfence  }
0xc6: {  	s30 =	sld [smem:$0x0];
	_ =	sdelay $0x2  }
0xc7: {  	s31 =	sshll.u32 s1, $0xD;
	s1 =	sshrl.u32 s1, $0x2  }
0xc8: {  	s4 =	sand.u32 $0x4000, s31;
	s1 =	sadd.s32 s1, s30  }
0xc9: {  	s0 =	sor.u32 s4, s0;
	s1 =	sshll.u32 s1, $0x11  }
0xca: {  	s0 =	sor.u32 s1, s0  }
0xcb: {  	s0 =	sadd.s32 $0x8F2B, s0  }
0xcc: {  	[sflag:s0] =	ssyncadd.remote.s32 $0x1  }
0xcd: {  	_ =	sfence.sel $0xFFFF  }
0xce: {  	[dreg:$0x0] =	wrdreg $0xFFFFFFFF;
	(pc) =	sbr.abs _section_cstart, $3  }
0xcf: {  	[dreg:$0x1] =	wrdreg $0xFFFFFFFF  }
0xd0: {  	_ =	task.clear_ibuf [dreg:s22], $0x2FFFF;
	_ =	strace $0x9FFFFFFF  }
0xd1: {  	(tm) =	ssettm $0x7FFFFFFF  }
tec
execute0_lowered:
.L_overlay_start_1:
0x0: {  	(tag) =	ssettag $0x1  }
0x1: {  	s1 =	srdreg.scid;
	s7 =	rddreg [dreg:$0x0]  }
0x2: {  	s0 =	stileid.u32;
	s2 =	rddreg [dreg:$0x1]  }
0x3: {  	s3 =	simm.s32 $0x0;
	s14 =	simm.s32 $0x3;
	s15 =	simm.s32 $0x2800  }
0x4: {  	s16 =	simm.s32 $0x6800;
	s17 =	simm.s32 $0x80;
	s18 =	simm.s32 $0x1  }
0x5: {  	s19 =	simm.s32 $0x2;
	s22 =	simm.s32 $0x0;
	s6 =	sand.u32 $0x1, s1  }
0x6: {  	s28 =	sshll.u32 s0, $0x1;
	[smem:$0x7FF] =	sst s3;
	s9 =	smul.u32 $0x14000, s0  }
0x7: {  	s11 =	smul.u32 $0x50000, s0;
	s5 =	sadd.s32 $0xEC00, s7;
	s20 =	sshll.u32 s0, $0x6  }
0x8: {  	s1 =	sor.u32 s6, s28;
	s8 =	smul.u32 $0x140000, s6;
	s29 =	ssub.s32 $0x2, s6  }
0x9: {  	s20 =	sor.u32 $0x1C03, s20;
	s4 =	smul.u32 $0x500, s1;
	s1 =	rddreg [dreg:$0x2]  }
0xa: {  	_ =	strace $0x8000004A;
	s30 =	sshrl.u32 s11, $0x2;
	s31 =	sshrl.u32 s29, $0x1  }
0xb: {  	s8 =	sadd.s32 s9, s8;
	s6 =	sadd.s32 s30, s2;
	s13 =	ssub.s32 s29, s31  }
0xc: {  	s10 =	sadd.s32 s4, s7;
	s4 =	sadd.s32 $0x5F400, s7;
	s8 =	sshrl.u32 s8, $0x3  }
0xd: {  	s9 =	sadd.s32 $0x8000, s6;
	s11 =	sadd.s32 $0x10000, s6;
	s13 =	smax.u32 s13, $0x1  }
0xe: {  	s21 =	sshrl.u32 s6, $0x3;
	s12 =	sadd.s32 s8, s7;
	s7 =	sadd.s32 $0x4C00, s10  }
0xf: {  	s8 =	sadd.s32 $0x4000, s6;
	s10 =	sadd.s32 $0xC000, s6;
	s12 =	sadd.s32 $0x5FC00, s12  }
.LBB2_1:
0x10: {  	[tilespmem:s3], [sflag:$0x3] =	stream.linear.gather [hbm4b:s7+s3], $0x2800, $0x38;
	[tilespmem:$0x1E800] =	vst v63  }
0x11: {  	_ =	swait.ge [sflag:s14], $0x2800  }
0x12: {  	[sflag:s14] =	ssyncset.done $0x0  }
0x13: {  	[sflag:s14] =	ssyncadd.s32 $0xFFFFD800  }
0x14: {  	[tilespmem:s15], [sflag:$0x3] =	stream.linear.gather [hbm4b:s4+s3], $0x4000, $0x38;
	[tilespmem:$0x1E800] =	vst v63  }
0x15: {  	_ =	swait.ge [sflag:s14], $0x4000  }
0x16: {  	[sflag:s14] =	ssyncset.done $0x0  }
0x17: {  	[sflag:s14] =	ssyncadd.s32 $0xFFFFC000  }
0x18: {  	[tilespmem:s16], [sflag:$0x3] =	stream.linear.gather [hbm4b:s5+s3], $0x4000, $0x38;
	[tilespmem:$0x1E800] =	vst v63  }
0x19: {  	_ =	swait.ge [sflag:s14], $0x4000  }
0x1a: {  	[sflag:s14] =	ssyncset.done $0x0  }
0x1b: {  	[sflag:s14] =	ssyncadd.s32 $0xFFFFC000  }
0x1c: {  	[spmem:s6] =	stream.linear.scatter [tilespmem:s16], [sflag:$0x3], $0x4000, $0x38;
	[tilespmem:$0x1E800] =	vst v63  }
0x1d: {  	_ =	swait.ge [sflag:s14], $0x4000  }
0x1e: {  	[sflag:s14] =	ssyncset.done $0x0  }
0x1f: {  	[sflag:s14] =	ssyncadd.s32 $0xFFFFC000  }
0x20: {  	[spmem:s8] =	stream.linear.scatter [tilespmem:s16], [sflag:$0x3], $0x4000, $0x38;
	[tilespmem:$0x1E800] =	vst v63  }
0x21: {  	_ =	swait.ge [sflag:s14], $0x4000  }
0x22: {  	[sflag:s14] =	ssyncset.done $0x0  }
0x23: {  	[sflag:s14] =	ssyncadd.s32 $0xFFFFC000  }
0x24: {  	[spmem:s9] =	stream.linear.scatter [tilespmem:s16], [sflag:$0x3], $0x4000, $0x38;
	[tilespmem:$0x1E800] =	vst v63  }
0x25: {  	_ =	swait.ge [sflag:s14], $0x4000  }
0x26: {  	[sflag:s14] =	ssyncset.done $0x0  }
0x27: {  	[sflag:s14] =	ssyncadd.s32 $0xFFFFC000  }
0x28: {  	[spmem:s10] =	stream.linear.scatter [tilespmem:s16], [sflag:$0x3], $0x4000, $0x38;
	[tilespmem:$0x1E800] =	vst v63  }
0x29: {  	_ =	swait.ge [sflag:s14], $0x4000  }
0x2a: {  	[sflag:s14] =	ssyncset.done $0x0  }
0x2b: {  	[sflag:s14] =	ssyncadd.s32 $0xFFFFC000  }
0x2c: {  	[spmem:s11] =	stream.linear.scatter [tilespmem:s16], [sflag:$0x3], $0x4000, $0x38;
	[tilespmem:$0x1E800] =	vst v63  }
0x2d: {  	_ =	swait.ge [sflag:s14], $0x4000  }
0x2e: {  	[sflag:s14] =	ssyncset.done $0x0  }
0x2f: {  	[sflag:s14] =	ssyncadd.s32 $0xFFFFC000  }
0x30: {  	[bflag:$0x0] =	sbarrier.arrive $0xFFFF  }
0x31: {  	[spmem:s2] =	stream.indirect.scatter.add.f32 [tilespmem:s15], [sflag:$0x1], $0x80, s3, s17, $0xb8;
	[tilespmem:$0x1E800] =	vst v63  }
0x32: {  	_ = 	snop  }
0x33: {  	[spmem:s2] =	stream.indirect.scatter.add.f32 [tilespmem:s15], [sflag:$0x2], $0x80, s17, s17, $0xb8;
	[tilespmem:$0x1E800] =	vst v63  }
0x34: {  	_ =	swait.ge [sflag:s18], $0x4000  }
0x35: {  	[sflag:s18] =	ssyncset.done $0x0  }
0x36: {  	s23 =	simm.s32 $0x100;
	[sflag:s18] =	ssyncadd.s32 $0xFFFFC000  }
0x37: {  	[spmem:s2] =	stream.indirect.scatter.add.f32 [tilespmem:s15], [sflag:$0x1], $0x80, s23, s17, $0xb8;
	[tilespmem:$0x1E800] =	vst v63  }
0x38: {  	_ =	swait.ge [sflag:s19], $0x4000  }
0x39: {  	[sflag:s19] =	ssyncset.done $0x0  }
0x3a: {  	s24 =	simm.s32 $0x180;
	s23 =	simm.s32 $0xFFFF6800;
	[sflag:s19] =	ssyncadd.s32 $0xFFFFC000  }
.LBB2_2:
0x3b: {  	[spmem:s2] =	stream.indirect.scatter.add.f32 [tilespmem:s15], [sflag:$0x2], $0x80, s24, s17, $0xb8;
	[tilespmem:$0x1E800] =	vst v63  }
0x3c: {  	s24 =	smov.u32 s23  }
0x3d: {  	p0 =	sne.s32 s23, $0xFFFFFC00;
	s23 =	sadd.s32 $0x400, s23;
	_ =	swait.ge [sflag:s18], $0x4000  }
0x3e: {  	s24 =	sshra.s32 s24, $0x2;
	[sflag:s18] =	ssyncset.done $0x0  }
.Ltmp0:
0x3f: {  	s25 =	sadd.s32 $0x2800, s24;
	[sflag:s18] =	ssyncadd.s32 $0xFFFFC000;
	(pc) =	sbr.rel @p0 .LBB2_2-.Ltmp0, $4  }
0x40: {  	[spmem:s2] =	stream.indirect.scatter.add.f32 [tilespmem:s15], [sflag:$0x1], $0x80, s25, s17, $0xb8;
	[tilespmem:$0x1E800] =	vst v63  }
0x41: {  	_ =	swait.ge [sflag:s19], $0x4000  }
0x42: {  	[sflag:s19] =	ssyncset.done $0x0  }
0x43: {  	s24 =	sadd.s32 $0x2880, s24;
	[sflag:s19] =	ssyncadd.s32 $0xFFFFC000  }
0x44: {  	[spmem:s2] =	stream.indirect.scatter.add.f32 [tilespmem:s15], [sflag:$0x2], $0x80, s24, s17, $0xb8;
	[tilespmem:$0x1E800] =	vst v63  }
0x45: {  	_ =	swait.ge [sflag:s18], $0x4000  }
0x46: {  	[sflag:s18] =	ssyncset.done $0x0  }
0x47: {  	[sflag:s18] =	ssyncadd.s32 $0xFFFFC000  }
0x48: {  	_ =	swait.ge [sflag:s19], $0x4000  }
0x49: {  	s22 =	sadd.s32 $0x1, s22;
	[sflag:s19] =	ssyncset.done $0x0  }
0x4a: {  	p0 =	sne.s32 s22, s13;
	[sflag:s19] =	ssyncadd.s32 $0xFFFFC000  }
.Ltmp1:
0x4b: {  	[bflag:$0x0] =	sbarrier.arrive $0xFFFF;
	(pc) =	sbr.rel @p0 .LBB2_1-.Ltmp1, $4  }
0x4c: {  	[hbm:s12], [sflag:s20] =	dma.local [spmem:s21], $0x2800  }
0x4d: {  	_ =	swait.ge [sflag:s14], $0x2800  }
0x4e: {  	[sflag:s14] =	ssyncset.done $0x0  }
0x4f: {  	[sflag:s14] =	ssyncadd.s32 $0xFFFFD800  }
0x50: {  	_ =	sfence.sel $0x180000  }
0x51: {  	[bflag:$0x0] =	sbarrier.arrive $0xFFFF  }
0x52: {  	p0 =	sne.s32 s0, $0x0;
	_ =	strace $0x9000004A  }
0x53: {  	s0 =	sadd.s32 @!p0 $0x100000, s1;
	[bflag:$0x2] =	sbarrier.arrive $0xFFFF  }
0x54: {  	[sflag:s0] =	ssyncadd.tile.s32 @!p0 $0x1;
	_ =	shalt  }
.Lfunc_end2:
_tile_overlayer_lowered:
.L_overlay_start_2:
0x55: {  	(tag) =	ssettag $0x2  }
0x56: {  	s0 =	rddreg [dreg:$0x0];
	s2 =	stileid.u32  }
0x57: {  	s1 =	rddreg [dreg:$0x1];
	p0 =	sne.s32 s2, $0x0  }
0x58: {  	s3 =	rddreg [dreg:$0x2];
	[bflag:$0x3] =	sbarrier.arrive $0xFFFF;
	s2 =	simm.s32 @!p0 $0x1C03  }
0x59: {  	[timem:s3], [sflag:s2] =	dma.local @!p0 [hbm:s0], s1  }
0x5a: {  	s0 =	simm.s32 @!p0 $0x3  }
0x5b: {  	_ =	swait.ge @!p0 [sflag:s0], s1  }
0x5c: {  	s1 =	ssub.s32 @!p0 $0x0, s1;
	[sflag:s0] =	ssyncset.done @!p0 $0x0  }
0x5d: {  	[sflag:s0] =	ssyncadd.s32 @!p0 s1  }
0x5e: {  	[bflag:$0x3] =	sbarrier.arrive $0xFFFF  }
0x5f: {  	_ =	shalt  }

</sc_bundles>
